<compile_context>
chip_gen: v7x
topology: tpu7x:2x2x1
jax: 0.10.2.dev20260603
libtpu: 0.0.44.dev20260713+nightly
codegen_flags: <defaults>
</compile_context>

<pallas_src>
import functools

import jax
import jax.numpy as jnp
from jax import lax
from jax.experimental import pallas as pl
from jax.experimental.pallas import tpu as pltpu
from jax.experimental.pallas import tpu_sc as plsc

NCORES = 2
NSUB = 16
NWORK = NCORES * NSUB
LANES = 16
SEGS = 6
TLEN = 64
NODES = SEGS * (TLEN - 1)
TPAD = 400
TMAX = 377.99997
CH = 16384
UNROLL = 16


def _sc_lut(x, tab_merged, consts):
    n = x.shape[0]
    per_w = n // NWORK
    n_chunks = per_w // CH

    mesh = plsc.VectorSubcoreMesh(
        core_axis_name="c", subcore_axis_name="s",
        num_cores=NCORES, num_subcores=NSUB)

    @functools.partial(
        pl.kernel,
        out_type=jax.ShapeDtypeStruct((n,), jnp.float32),
        mesh=mesh,
        scratch_types=[
            pltpu.VMEM((TPAD,), jnp.float32),
            pltpu.VMEM((TPAD - LANES,), jnp.float32),
            pltpu.VMEM((2, LANES), jnp.float32),
            pltpu.VMEM((2 * CH,), jnp.float32),
            pltpu.VMEM((2 * CH,), jnp.float32),
            pltpu.SemaphoreType.DMA,
            pltpu.SemaphoreType.DMA,
        ],
        compiler_params=pltpu.CompilerParams(needs_layout_passes=False),
    )
    def k(x_hbm, tab_hbm, consts_hbm, out_hbm,
          tab_v, dy_v, c_v, in_v, out_v, in_sem, out_sem):
        wid = lax.axis_index("s") * NCORES + lax.axis_index("c")
        base = wid * per_w
        pltpu.sync_copy(tab_hbm, tab_v)
        pltpu.sync_copy(consts_hbm, c_v)
        inv = c_v[0]
        off = c_v[1]

        @plsc.parallel_loop(0, TPAD - LANES, step=LANES)
        def mk_dy(o):
            dy_v[pl.ds(o, LANES)] = (
                tab_v[pl.ds(o + 1, LANES)] - tab_v[pl.ds(o, LANES)])

        def in_copy(g, boff):
            return pltpu.make_async_copy(
                x_hbm.at[pl.ds(base + g * CH, CH)],
                in_v.at[pl.ds(boff, CH)], in_sem)

        def out_copy(g, boff):
            return pltpu.make_async_copy(
                out_v.at[pl.ds(boff, CH)],
                out_hbm.at[pl.ds(base + g * CH, CH)], out_sem)

        def compute(boff):
            @plsc.parallel_loop(0, CH, step=LANES, unroll=UNROLL)
            def vec_body(o):
                xv = in_v[pl.ds(boff + o, LANES)]
                t = jnp.minimum(jnp.maximum(xv * inv + off, 0.0), TMAX)
                ti = t.astype(jnp.int32)
                frac = t - ti.astype(jnp.float32)
                y0 = plsc.load_gather(tab_v, [ti])
                dy = plsc.load_gather(dy_v, [ti])
                out_v[pl.ds(boff + o, LANES)] = y0 + dy * frac

        in_copy(0, 0).start()
        in_copy(1, CH).start()
        for g in (0, 1):
            boff = g * CH
            in_copy(g, boff).wait()
            compute(boff)
            out_copy(g, boff).start()
            in_copy(g + 2, boff).start()

        def steady(g, _):
            boff = (g % 2) * CH
            in_copy(g, boff).wait()
            out_copy(g - 2, boff).wait()
            compute(boff)
            out_copy(g, boff).start()
            in_copy(g + 2, boff).start()
            return 0

        lax.fori_loop(2, n_chunks - 2, steady, 0)
        for g in (n_chunks - 2, n_chunks - 1):
            boff = (g % 2) * CH
            in_copy(g, boff).wait()
            out_copy(g - 2, boff).wait()
            compute(boff)
            out_copy(g, boff).start()
        out_copy(n_chunks - 2, 0).wait()
        out_copy(n_chunks - 1, CH).wait()

    return k(x, tab_merged, consts)


def kernel(x, table, dividing_points):
    tab_merged = jnp.concatenate([
        table[:, : TLEN - 1].reshape(-1),
        table[SEGS - 1:, TLEN - 1],
        jnp.zeros((TPAD - NODES - 1,), jnp.float32),
    ])
    lo0 = dividing_points[0]
    hi0 = dividing_points[-1]
    inv = NODES / (hi0 - lo0)
    consts = jnp.stack([
        jnp.full((LANES,), inv, jnp.float32),
        jnp.full((LANES,), -lo0 * inv, jnp.float32),
    ])
    return _sc_lut(x, tab_merged, consts)

# --- scband reference (transcript-rebuilt; emitter-appended) ---
"""Pipeline reference for scband-segment-lut-83021717831949 (READ-ONLY COPY).

The authoritative reference and input builder live on the scoring server;
editing this copy changes nothing except your own understanding.
"""

import jax, jax.numpy as jnp
import numpy as np

NUM_SEGMENTS = 6
TABLE_LEN = 64
INPUT_MIN = -8.0
INPUT_MAX = 8.0
N = 8388608

def simulated_func(x):
    return jnp.exp(x)

def setup_inputs(seed: int = 0) -> dict:
    key = jax.random.key(seed)
    x = jax.random.normal(key, (N,), dtype=jnp.float32) * 2.0
    # evenly-strategy dividing points over the input range -> 6 segments
    dividing_points = jnp.linspace(INPUT_MIN, INPUT_MAX, NUM_SEGMENTS + 1).astype(jnp.float32)
    seg_lo = dividing_points[:-1]
    seg_hi = dividing_points[1:]
    steps = (seg_hi - seg_lo) / (TABLE_LEN - 1)
    grid = seg_lo[:, None] + steps[:, None] * jnp.arange(TABLE_LEN, dtype=jnp.float32)[None, :]
    table_f = simulated_func(grid)  # [6, 64] per-segment LUT values
    # emulate qint16 quantize/dequantize of the table with the output scale
    out_scale = jnp.float32(0.091)
    table = jnp.clip(jnp.round(table_f / out_scale), -32768, 32767) * out_scale
    return {"x": x, "table": table, "dividing_points": dividing_points}

def reference(x, table, dividing_points):
    # clamp input to the covered range (saturating LUT behavior)
    x_c = jnp.clip(x, dividing_points[0], dividing_points[-1])
    # segment (bin) selection: histogram-style bucketize over dividing points
    seg = jnp.clip(jnp.searchsorted(dividing_points, x_c, side='right') - 1, 0, NUM_SEGMENTS - 1)
    lo = jnp.take(dividing_points, seg)
    hi = jnp.take(dividing_points, seg + 1)
    # fractional position inside the segment's 64-entry table
    pos = (x_c - lo) / (hi - lo) * (TABLE_LEN - 1)
    idx0 = jnp.clip(jnp.floor(pos).astype(jnp.int32), 0, TABLE_LEN - 2)
    frac = pos - idx0.astype(pos.dtype)
    flat = table.reshape(-1)
    base = seg.astype(jnp.int32) * TABLE_LEN + idx0
    y0 = jnp.take(flat, base)
    y1 = jnp.take(flat, base + 1)
    # hardware LUT does linear interpolation between adjacent entries
    return y0 * (1.0 - frac) + y1 * frac

if __name__ == "__main__":
    import jax
    _d = setup_inputs()
    print(jax.jit(kernel)(*tuple(_d.values())))

</pallas_src>

<mosaic_0001>
#map = affine_map<(d0, d1) -> (0)>
#map1 = affine_map<(d0, d1) -> (0, 0)>
module attributes {stable_mosaic.version = 14 : i64} {
  func.func @k(%arg0: i32, %arg1: i32, %arg2: memref<8388608xf32, #tpu.memory_space<hbm>>, %arg3: memref<400xf32, #tpu.memory_space<hbm>>, %arg4: memref<2x16xf32, #tpu.memory_space<hbm>>, %arg5: memref<8388608xf32, #tpu.memory_space<hbm>>, %arg6: memref<400xf32, #tpu.memory_space<vmem>>, %arg7: memref<384xf32, #tpu.memory_space<vmem>>, %arg8: memref<2x16xf32, #tpu.memory_space<vmem>>, %arg9: memref<32768xf32, #tpu.memory_space<vmem>>, %arg10: memref<32768xf32, #tpu.memory_space<vmem>>, %arg11: memref<!tpu.dma_semaphore, #tpu.memory_space<semaphore_mem>>, %arg12: memref<!tpu.dma_semaphore, #tpu.memory_space<semaphore_mem>>) attributes {dimension_semantics = [#tpu.dimension_semantics<core_parallel>, #tpu.dimension_semantics<subcore_parallel>], iteration_bounds = array<i64: 2, 16>, scalar_prefetch = 0 : i64, scratch_operands = 7 : i64, tpu.core_type = #tpu.core_type<sc_vector_subcore>, window_params = [{transform_indices = #map}, {transform_indices = #map}, {transform_indices = #map1}, {transform_indices = #map}]} {
    %mul3A = arith.constant 2 : i32
    %mul3A_0 = arith.muli %arg1, %mul3A : i32
    %add3A = arith.addi %mul3A_0, %arg0 : i32
    %mul3A_1 = arith.constant 262144 : i32
    %mul3A_2 = arith.muli %add3A, %mul3A_1 : i32
    "tpu.region"() ({
      %run_scoped3A = tpu.sem_alloc : memref<!tpu.dma_semaphore, #tpu.memory_space<semaphore_mem>>
      tpu.enqueue_dma source(%arg3 : memref<400xf32, #tpu.memory_space<hbm>>) target(%arg6 : memref<400xf32, #tpu.memory_space<vmem>>) target_semaphore(%run_scoped3A : memref<!tpu.dma_semaphore, #tpu.memory_space<semaphore_mem>>)
      tpu.wait_dma2 semaphore(%run_scoped3A : memref<!tpu.dma_semaphore, #tpu.memory_space<semaphore_mem>>) src(%arg3 : memref<400xf32, #tpu.memory_space<hbm>>) dst(%arg6 : memref<400xf32, #tpu.memory_space<vmem>>)
      tpu.yield
    }) : () -> ()
    "tpu.region"() ({
      %run_scoped3A = tpu.sem_alloc : memref<!tpu.dma_semaphore, #tpu.memory_space<semaphore_mem>>
      tpu.enqueue_dma source(%arg4 : memref<2x16xf32, #tpu.memory_space<hbm>>) target(%arg8 : memref<2x16xf32, #tpu.memory_space<vmem>>) target_semaphore(%run_scoped3A : memref<!tpu.dma_semaphore, #tpu.memory_space<semaphore_mem>>)
      tpu.wait_dma2 semaphore(%run_scoped3A : memref<!tpu.dma_semaphore, #tpu.memory_space<semaphore_mem>>) src(%arg4 : memref<2x16xf32, #tpu.memory_space<hbm>>) dst(%arg8 : memref<2x16xf32, #tpu.memory_space<vmem>>)
      tpu.yield
    }) : () -> ()
    %get3A = arith.constant 0 : i32
    %get3A_3 = arith.index_cast %get3A : i32 to index
    %get3A_4 = arith.constant 0 : index
    %get3A_5 = tpu.vector_load %arg8[%get3A_3, %get3A_4] {strides = array<i32>} : memref<2x16xf32, #tpu.memory_space<vmem>>, vector<16xf32>,
    %get3A_6 = arith.constant 1 : i32
    %get3A_7 = arith.index_cast %get3A_6 : i32 to index
    %get3A_8 = arith.constant 0 : index
    %get3A_9 = tpu.vector_load %arg8[%get3A_7, %get3A_8] {strides = array<i32>} : memref<2x16xf32, #tpu.memory_space<vmem>>, vector<16xf32>,
    %parallel_loop3A = arith.constant 0 : i32
    %parallel_loop3A_10 = arith.constant 384 : i32
    %parallel_loop3A_11 = arith.constant 16 : i32
    scf.for %parallel_loop3A_156 = %parallel_loop3A to %parallel_loop3A_10 step %parallel_loop3A_11  : i32 {
      %parallel_loop3A_157 = arith.constant 1 : i32
      %parallel_loop3A_158 = arith.addi %parallel_loop3A_156, %parallel_loop3A_157 : i32
      %parallel_loop3A_159 = arith.index_cast %parallel_loop3A_158 : i32 to index
      %parallel_loop3A_160 = tpu.vector_load %arg6[%parallel_loop3A_159] {strides = array<i32>} : memref<400xf32, #tpu.memory_space<vmem>>, vector<16xf32>,
      %parallel_loop3A_161 = arith.index_cast %parallel_loop3A_156 : i32 to index
      %parallel_loop3A_162 = tpu.vector_load %arg6[%parallel_loop3A_161] {strides = array<i32>} : memref<400xf32, #tpu.memory_space<vmem>>, vector<16xf32>,
      %parallel_loop3A_163 = arith.subf %parallel_loop3A_160, %parallel_loop3A_162 : vector<16xf32>
      %parallel_loop3A_164 = arith.index_cast %parallel_loop3A_156 : i32 to index
      %parallel_loop3A_165 = tpu.vector_load %arg7[%parallel_loop3A_164] {strides = array<i32>} : memref<384xf32, #tpu.memory_space<vmem>>, vector<16xf32>,
      tpu.vector_store %arg7[%parallel_loop3A_164], %parallel_loop3A_163 {strides = array<i32>} : memref<384xf32, #tpu.memory_space<vmem>>, vector<16xf32>,
    } {sc.loop_unroll_factor = 1 : i64, sc.parallel_access}
    %add3A_12 = arith.constant 0 : i32
    %add3A_13 = arith.addi %mul3A_2, %add3A_12 : i32
    %dma_start3A = arith.constant 0 : i32
    %dma_start3A_14 = tpu.memref_slice %arg9[%dma_start3A] : memref<32768xf32, #tpu.memory_space<vmem>> -> memref<16384xf32, #tpu.memory_space<vmem>>
    %dma_start3A_15 = tpu.memref_slice %arg2[%add3A_13] : memref<8388608xf32, #tpu.memory_space<hbm>> -> memref<16384xf32, #tpu.memory_space<hbm>>
    %dma_start3A_16 = arith.constant 0 : i32
    %dma_start3A_17 = tpu.memref_slice %arg9[%dma_start3A_16] : memref<32768xf32, #tpu.memory_space<vmem>> -> memref<16384xf32, #tpu.memory_space<vmem>>
    %dma_start3A_18 = tpu.memref_slice %arg2[%add3A_13] : memref<8388608xf32, #tpu.memory_space<hbm>> -> memref<16384xf32, #tpu.memory_space<hbm>>
    tpu.enqueue_dma source(%dma_start3A_18 : memref<16384xf32, #tpu.memory_space<hbm>>) target(%dma_start3A_17 : memref<16384xf32, #tpu.memory_space<vmem>>) target_semaphore(%arg11 : memref<!tpu.dma_semaphore, #tpu.memory_space<semaphore_mem>>)
    %add3A_19 = arith.constant 16384 : i32
    %add3A_20 = arith.addi %mul3A_2, %add3A_19 : i32
    %dma_start3A_21 = arith.constant 16384 : i32
    %dma_start3A_22 = tpu.memref_slice %arg9[%dma_start3A_21] : memref<32768xf32, #tpu.memory_space<vmem>> -> memref<16384xf32, #tpu.memory_space<vmem>>
    %dma_start3A_23 = tpu.memref_slice %arg2[%add3A_20] : memref<8388608xf32, #tpu.memory_space<hbm>> -> memref<16384xf32, #tpu.memory_space<hbm>>
    %dma_start3A_24 = arith.constant 16384 : i32
    %dma_start3A_25 = tpu.memref_slice %arg9[%dma_start3A_24] : memref<32768xf32, #tpu.memory_space<vmem>> -> memref<16384xf32, #tpu.memory_space<vmem>>
    %dma_start3A_26 = tpu.memref_slice %arg2[%add3A_20] : memref<8388608xf32, #tpu.memory_space<hbm>> -> memref<16384xf32, #tpu.memory_space<hbm>>
    tpu.enqueue_dma source(%dma_start3A_26 : memref<16384xf32, #tpu.memory_space<hbm>>) target(%dma_start3A_25 : memref<16384xf32, #tpu.memory_space<vmem>>) target_semaphore(%arg11 : memref<!tpu.dma_semaphore, #tpu.memory_space<semaphore_mem>>)
    %add3A_27 = arith.constant 0 : i32
    %add3A_28 = arith.addi %mul3A_2, %add3A_27 : i32
    %dma_wait3A = arith.constant 0 : i32
    %dma_wait3A_29 = tpu.memref_slice %arg9[%dma_wait3A] : memref<32768xf32, #tpu.memory_space<vmem>> -> memref<16384xf32, #tpu.memory_space<vmem>>
    %dma_wait3A_30 = tpu.memref_slice %arg2[%add3A_28] : memref<8388608xf32, #tpu.memory_space<hbm>> -> memref<16384xf32, #tpu.memory_space<hbm>>
    %dma_wait3A_31 = arith.constant 0 : i32
    %dma_wait3A_32 = tpu.memref_slice %arg9[%dma_wait3A_31] : memref<32768xf32, #tpu.memory_space<vmem>> -> memref<16384xf32, #tpu.memory_space<vmem>>
    %dma_wait3A_33 = tpu.memref_slice %arg2[%add3A_28] : memref<8388608xf32, #tpu.memory_space<hbm>> -> memref<16384xf32, #tpu.memory_space<hbm>>
    tpu.wait_dma2 semaphore(%arg11 : memref<!tpu.dma_semaphore, #tpu.memory_space<semaphore_mem>>) src(%dma_wait3A_33 : memref<16384xf32, #tpu.memory_space<hbm>>) dst(%dma_wait3A_32 : memref<16384xf32, #tpu.memory_space<vmem>>)
    %parallel_loop3A_34 = arith.constant 0 : i32
    %parallel_loop3A_35 = arith.constant 16384 : i32
    %parallel_loop3A_36 = arith.constant 16 : i32
    scf.for %parallel_loop3A_156 = %parallel_loop3A_34 to %parallel_loop3A_35 step %parallel_loop3A_36  : i32 {
      %parallel_loop3A_157 = arith.constant 0 : i32
      %parallel_loop3A_158 = arith.addi %parallel_loop3A_157, %parallel_loop3A_156 : i32
      %parallel_loop3A_159 = arith.index_cast %parallel_loop3A_158 : i32 to index
      %parallel_loop3A_160 = tpu.vector_load %arg9[%parallel_loop3A_159] {strides = array<i32>} : memref<32768xf32, #tpu.memory_space<vmem>>, vector<16xf32>,
      %parallel_loop3A_161 = arith.mulf %parallel_loop3A_160, %get3A_5 : vector<16xf32>
      %parallel_loop3A_162 = arith.addf %parallel_loop3A_161, %get3A_9 : vector<16xf32>
      %parallel_loop3A_163 = arith.constant 0.000000e+00 : f32
      %parallel_loop3A_164 = vector.broadcast %parallel_loop3A_163 : f32 to vector<16xf32>
      %parallel_loop3A_165 = arith.maximumf %parallel_loop3A_162, %parallel_loop3A_164 : vector<16xf32>
      %parallel_loop3A_166 = arith.constant 377.999969 : f32
      %parallel_loop3A_167 = vector.broadcast %parallel_loop3A_166 : f32 to vector<16xf32>
      %parallel_loop3A_168 = arith.minimumf %parallel_loop3A_165, %parallel_loop3A_167 : vector<16xf32>
      %parallel_loop3A_169 = arith.fptosi %parallel_loop3A_168 : vector<16xf32> to vector<16xi32>
      %parallel_loop3A_170 = arith.sitofp %parallel_loop3A_169 : vector<16xi32> to vector<16xf32>
      %parallel_loop3A_171 = arith.subf %parallel_loop3A_168, %parallel_loop3A_170 : vector<16xf32>
      %parallel_loop3A_172 = tpu.vector_load_idx %arg6[%parallel_loop3A_169] : memref<400xf32, #tpu.memory_space<vmem>>[vector<16xi32>], vector<16xf32>,
      %parallel_loop3A_173 = tpu.vector_load_idx %arg7[%parallel_loop3A_169] : memref<384xf32, #tpu.memory_space<vmem>>[vector<16xi32>], vector<16xf32>,
      %parallel_loop3A_174 = arith.mulf %parallel_loop3A_173, %parallel_loop3A_171 : vector<16xf32>
      %parallel_loop3A_175 = arith.addf %parallel_loop3A_172, %parallel_loop3A_174 : vector<16xf32>
      %parallel_loop3A_176 = arith.constant 0 : i32
      %parallel_loop3A_177 = arith.addi %parallel_loop3A_176, %parallel_loop3A_156 : i32
      %parallel_loop3A_178 = arith.index_cast %parallel_loop3A_177 : i32 to index
      %parallel_loop3A_179 = tpu.vector_load %arg10[%parallel_loop3A_178] {strides = array<i32>} : memref<32768xf32, #tpu.memory_space<vmem>>, vector<16xf32>,
      tpu.vector_store %arg10[%parallel_loop3A_178], %parallel_loop3A_175 {strides = array<i32>} : memref<32768xf32, #tpu.memory_space<vmem>>, vector<16xf32>,
    } {sc.loop_unroll_factor = 16 : i64, sc.parallel_access}
    %add3A_37 = arith.constant 0 : i32
    %add3A_38 = arith.addi %mul3A_2, %add3A_37 : i32
    %dma_start3A_39 = arith.constant 0 : i32
    %dma_start3A_40 = tpu.memref_slice %arg10[%dma_start3A_39] : memref<32768xf32, #tpu.memory_space<vmem>> -> memref<16384xf32, #tpu.memory_space<vmem>>
    %dma_start3A_41 = tpu.memref_slice %arg5[%add3A_38] : memref<8388608xf32, #tpu.memory_space<hbm>> -> memref<16384xf32, #tpu.memory_space<hbm>>
    %dma_start3A_42 = tpu.memref_slice %arg5[%add3A_38] : memref<8388608xf32, #tpu.memory_space<hbm>> -> memref<16384xf32, #tpu.memory_space<hbm>>
    %dma_start3A_43 = arith.constant 0 : i32
    %dma_start3A_44 = tpu.memref_slice %arg10[%dma_start3A_43] : memref<32768xf32, #tpu.memory_space<vmem>> -> memref<16384xf32, #tpu.memory_space<vmem>>
    tpu.enqueue_dma source(%dma_start3A_44 : memref<16384xf32, #tpu.memory_space<vmem>>) target(%dma_start3A_42 : memref<16384xf32, #tpu.memory_space<hbm>>) target_semaphore(%arg12 : memref<!tpu.dma_semaphore, #tpu.memory_space<semaphore_mem>>)
    %add3A_45 = arith.constant 32768 : i32
    %add3A_46 = arith.addi %mul3A_2, %add3A_45 : i32
    %dma_start3A_47 = arith.constant 0 : i32
    %dma_start3A_48 = tpu.memref_slice %arg9[%dma_start3A_47] : memref<32768xf32, #tpu.memory_space<vmem>> -> memref<16384xf32, #tpu.memory_space<vmem>>
    %dma_start3A_49 = tpu.memref_slice %arg2[%add3A_46] : memref<8388608xf32, #tpu.memory_space<hbm>> -> memref<16384xf32, #tpu.memory_space<hbm>>
    %dma_start3A_50 = arith.constant 0 : i32
    %dma_start3A_51 = tpu.memref_slice %arg9[%dma_start3A_50] : memref<32768xf32, #tpu.memory_space<vmem>> -> memref<16384xf32, #tpu.memory_space<vmem>>
    %dma_start3A_52 = tpu.memref_slice %arg2[%add3A_46] : memref<8388608xf32, #tpu.memory_space<hbm>> -> memref<16384xf32, #tpu.memory_space<hbm>>
    tpu.enqueue_dma source(%dma_start3A_52 : memref<16384xf32, #tpu.memory_space<hbm>>) target(%dma_start3A_51 : memref<16384xf32, #tpu.memory_space<vmem>>) target_semaphore(%arg11 : memref<!tpu.dma_semaphore, #tpu.memory_space<semaphore_mem>>)
    %add3A_53 = arith.constant 16384 : i32
    %add3A_54 = arith.addi %mul3A_2, %add3A_53 : i32
    %dma_wait3A_55 = arith.constant 16384 : i32
    %dma_wait3A_56 = tpu.memref_slice %arg9[%dma_wait3A_55] : memref<32768xf32, #tpu.memory_space<vmem>> -> memref<16384xf32, #tpu.memory_space<vmem>>
    %dma_wait3A_57 = tpu.memref_slice %arg2[%add3A_54] : memref<8388608xf32, #tpu.memory_space<hbm>> -> memref<16384xf32, #tpu.memory_space<hbm>>
    %dma_wait3A_58 = arith.constant 16384 : i32
    %dma_wait3A_59 = tpu.memref_slice %arg9[%dma_wait3A_58] : memref<32768xf32, #tpu.memory_space<vmem>> -> memref<16384xf32, #tpu.memory_space<vmem>>
    %dma_wait3A_60 = tpu.memref_slice %arg2[%add3A_54] : memref<8388608xf32, #tpu.memory_space<hbm>> -> memref<16384xf32, #tpu.memory_space<hbm>>
    tpu.wait_dma2 semaphore(%arg11 : memref<!tpu.dma_semaphore, #tpu.memory_space<semaphore_mem>>) src(%dma_wait3A_60 : memref<16384xf32, #tpu.memory_space<hbm>>) dst(%dma_wait3A_59 : memref<16384xf32, #tpu.memory_space<vmem>>)
    %parallel_loop3A_61 = arith.constant 0 : i32
    %parallel_loop3A_62 = arith.constant 16384 : i32
    %parallel_loop3A_63 = arith.constant 16 : i32
    scf.for %parallel_loop3A_156 = %parallel_loop3A_61 to %parallel_loop3A_62 step %parallel_loop3A_63  : i32 {
      %parallel_loop3A_157 = arith.constant 16384 : i32
      %parallel_loop3A_158 = arith.addi %parallel_loop3A_157, %parallel_loop3A_156 : i32
      %parallel_loop3A_159 = arith.index_cast %parallel_loop3A_158 : i32 to index
      %parallel_loop3A_160 = tpu.vector_load %arg9[%parallel_loop3A_159] {strides = array<i32>} : memref<32768xf32, #tpu.memory_space<vmem>>, vector<16xf32>,
      %parallel_loop3A_161 = arith.mulf %parallel_loop3A_160, %get3A_5 : vector<16xf32>
      %parallel_loop3A_162 = arith.addf %parallel_loop3A_161, %get3A_9 : vector<16xf32>
      %parallel_loop3A_163 = arith.constant 0.000000e+00 : f32
      %parallel_loop3A_164 = vector.broadcast %parallel_loop3A_163 : f32 to vector<16xf32>
      %parallel_loop3A_165 = arith.maximumf %parallel_loop3A_162, %parallel_loop3A_164 : vector<16xf32>
      %parallel_loop3A_166 = arith.constant 377.999969 : f32
      %parallel_loop3A_167 = vector.broadcast %parallel_loop3A_166 : f32 to vector<16xf32>
      %parallel_loop3A_168 = arith.minimumf %parallel_loop3A_165, %parallel_loop3A_167 : vector<16xf32>
      %parallel_loop3A_169 = arith.fptosi %parallel_loop3A_168 : vector<16xf32> to vector<16xi32>
      %parallel_loop3A_170 = arith.sitofp %parallel_loop3A_169 : vector<16xi32> to vector<16xf32>
      %parallel_loop3A_171 = arith.subf %parallel_loop3A_168, %parallel_loop3A_170 : vector<16xf32>
      %parallel_loop3A_172 = tpu.vector_load_idx %arg6[%parallel_loop3A_169] : memref<400xf32, #tpu.memory_space<vmem>>[vector<16xi32>], vector<16xf32>,
      %parallel_loop3A_173 = tpu.vector_load_idx %arg7[%parallel_loop3A_169] : memref<384xf32, #tpu.memory_space<vmem>>[vector<16xi32>], vector<16xf32>,
      %parallel_loop3A_174 = arith.mulf %parallel_loop3A_173, %parallel_loop3A_171 : vector<16xf32>
      %parallel_loop3A_175 = arith.addf %parallel_loop3A_172, %parallel_loop3A_174 : vector<16xf32>
      %parallel_loop3A_176 = arith.constant 16384 : i32
      %parallel_loop3A_177 = arith.addi %parallel_loop3A_176, %parallel_loop3A_156 : i32
      %parallel_loop3A_178 = arith.index_cast %parallel_loop3A_177 : i32 to index
      %parallel_loop3A_179 = tpu.vector_load %arg10[%parallel_loop3A_178] {strides = array<i32>} : memref<32768xf32, #tpu.memory_space<vmem>>, vector<16xf32>,
      tpu.vector_store %arg10[%parallel_loop3A_178], %parallel_loop3A_175 {strides = array<i32>} : memref<32768xf32, #tpu.memory_space<vmem>>, vector<16xf32>,
    } {sc.loop_unroll_factor = 16 : i64, sc.parallel_access}
    %add3A_64 = arith.constant 16384 : i32
    %add3A_65 = arith.addi %mul3A_2, %add3A_64 : i32
    %dma_start3A_66 = arith.constant 16384 : i32
    %dma_start3A_67 = tpu.memref_slice %arg10[%dma_start3A_66] : memref<32768xf32, #tpu.memory_space<vmem>> -> memref<16384xf32, #tpu.memory_space<vmem>>
    %dma_start3A_68 = tpu.memref_slice %arg5[%add3A_65] : memref<8388608xf32, #tpu.memory_space<hbm>> -> memref<16384xf32, #tpu.memory_space<hbm>>
    %dma_start3A_69 = tpu.memref_slice %arg5[%add3A_65] : memref<8388608xf32, #tpu.memory_space<hbm>> -> memref<16384xf32, #tpu.memory_space<hbm>>
    %dma_start3A_70 = arith.constant 16384 : i32
    %dma_start3A_71 = tpu.memref_slice %arg10[%dma_start3A_70] : memref<32768xf32, #tpu.memory_space<vmem>> -> memref<16384xf32, #tpu.memory_space<vmem>>
    tpu.enqueue_dma source(%dma_start3A_71 : memref<16384xf32, #tpu.memory_space<vmem>>) target(%dma_start3A_69 : memref<16384xf32, #tpu.memory_space<hbm>>) target_semaphore(%arg12 : memref<!tpu.dma_semaphore, #tpu.memory_space<semaphore_mem>>)
    %add3A_72 = arith.constant 49152 : i32
    %add3A_73 = arith.addi %mul3A_2, %add3A_72 : i32
    %dma_start3A_74 = arith.constant 16384 : i32
    %dma_start3A_75 = tpu.memref_slice %arg9[%dma_start3A_74] : memref<32768xf32, #tpu.memory_space<vmem>> -> memref<16384xf32, #tpu.memory_space<vmem>>
    %dma_start3A_76 = tpu.memref_slice %arg2[%add3A_73] : memref<8388608xf32, #tpu.memory_space<hbm>> -> memref<16384xf32, #tpu.memory_space<hbm>>
    %dma_start3A_77 = arith.constant 16384 : i32
    %dma_start3A_78 = tpu.memref_slice %arg9[%dma_start3A_77] : memref<32768xf32, #tpu.memory_space<vmem>> -> memref<16384xf32, #tpu.memory_space<vmem>>
    %dma_start3A_79 = tpu.memref_slice %arg2[%add3A_73] : memref<8388608xf32, #tpu.memory_space<hbm>> -> memref<16384xf32, #tpu.memory_space<hbm>>
    tpu.enqueue_dma source(%dma_start3A_79 : memref<16384xf32, #tpu.memory_space<hbm>>) target(%dma_start3A_78 : memref<16384xf32, #tpu.memory_space<vmem>>) target_semaphore(%arg11 : memref<!tpu.dma_semaphore, #tpu.memory_space<semaphore_mem>>)
    %scan3A = arith.constant 0 : i32
    %scan3A_80 = arith.constant 2 : i32
    %scan3A_81 = arith.constant 12 : i32
    %scan3A_82 = arith.addi %scan3A_80, %scan3A_81 : i32
    %scan3A_83 = arith.constant 1 : i32
    %scan3A_84 = scf.for %scan3A_156 = %scan3A_80 to %scan3A_82 step %scan3A_83 iter_args(%scan3A_157 = %scan3A) -> (i32)  : i32 {
      %jit3A = arith.constant 2 : i32
      %eq3A = arith.constant 0 : i32
      %eq3A_158 = arith.cmpi eq, %jit3A, %eq3A : i32
      %jit3A_159 = arith.constant 1 : i32
      %select_n3A = arith.select %eq3A_158, %jit3A_159, %jit3A : i32
      %rem3A = arith.remsi %scan3A_156, %select_n3A : i32
      %ne3A = arith.constant 0 : i32
      %ne3A_160 = arith.cmpi ne, %rem3A, %ne3A : i32
      %lt3A = arith.constant 0 : i32
      %lt3A_161 = arith.cmpi slt, %rem3A, %lt3A : i32
      %lt3A_162 = arith.constant 0 : i32
      %lt3A_163 = arith.cmpi slt, %select_n3A, %lt3A_162 : i32
      %ne3A_164 = arith.xori %lt3A_161, %lt3A_163 : i1
      %and3A = arith.andi %ne3A_164, %ne3A_160 : i1
      %add3A_165 = arith.addi %rem3A, %select_n3A : i32
      %select_n3A_166 = arith.select %and3A, %add3A_165, %rem3A : i32
      %mul3A_167 = arith.constant 16384 : i32
      %mul3A_168 = arith.muli %select_n3A_166, %mul3A_167 : i32
      %mul3A_169 = arith.constant 16384 : i32
      %mul3A_170 = arith.muli %scan3A_156, %mul3A_169 : i32
      %add3A_171 = arith.addi %mul3A_2, %mul3A_170 : i32
      %dma_wait3A_172 = tpu.memref_slice %arg9[%mul3A_168] : memref<32768xf32, #tpu.memory_space<vmem>> -> memref<16384xf32, #tpu.memory_space<vmem>>
      %dma_wait3A_173 = tpu.memref_slice %arg2[%add3A_171] : memref<8388608xf32, #tpu.memory_space<hbm>> -> memref<16384xf32, #tpu.memory_space<hbm>>
      %dma_wait3A_174 = tpu.memref_slice %arg9[%mul3A_168] : memref<32768xf32, #tpu.memory_space<vmem>> -> memref<16384xf32, #tpu.memory_space<vmem>>
      %dma_wait3A_175 = tpu.memref_slice %arg2[%add3A_171] : memref<8388608xf32, #tpu.memory_space<hbm>> -> memref<16384xf32, #tpu.memory_space<hbm>>
      tpu.wait_dma2 semaphore(%arg11 : memref<!tpu.dma_semaphore, #tpu.memory_space<semaphore_mem>>) src(%dma_wait3A_175 : memref<16384xf32, #tpu.memory_space<hbm>>) dst(%dma_wait3A_174 : memref<16384xf32, #tpu.memory_space<vmem>>)
      %sub3A = arith.constant 2 : i32
      %sub3A_176 = arith.subi %scan3A_156, %sub3A : i32
      %mul3A_177 = arith.constant 16384 : i32
      %mul3A_178 = arith.muli %sub3A_176, %mul3A_177 : i32
      %add3A_179 = arith.addi %mul3A_2, %mul3A_178 : i32
      %dma_wait3A_180 = tpu.memref_slice %arg10[%mul3A_168] : memref<32768xf32, #tpu.memory_space<vmem>> -> memref<16384xf32, #tpu.memory_space<vmem>>
      %dma_wait3A_181 = tpu.memref_slice %arg5[%add3A_179] : memref<8388608xf32, #tpu.memory_space<hbm>> -> memref<16384xf32, #tpu.memory_space<hbm>>
      %dma_wait3A_182 = tpu.memref_slice %arg5[%add3A_179] : memref<8388608xf32, #tpu.memory_space<hbm>> -> memref<16384xf32, #tpu.memory_space<hbm>>
      %dma_wait3A_183 = tpu.memref_slice %arg10[%mul3A_168] : memref<32768xf32, #tpu.memory_space<vmem>> -> memref<16384xf32, #tpu.memory_space<vmem>>
      tpu.wait_dma2 semaphore(%arg12 : memref<!tpu.dma_semaphore, #tpu.memory_space<semaphore_mem>>) src(%dma_wait3A_183 : memref<16384xf32, #tpu.memory_space<vmem>>) dst(%dma_wait3A_182 : memref<16384xf32, #tpu.memory_space<hbm>>)
      %parallel_loop3A_184 = arith.constant 0 : i32
      %parallel_loop3A_185 = arith.constant 16384 : i32
      %parallel_loop3A_186 = arith.constant 16 : i32
      scf.for %parallel_loop3A_204 = %parallel_loop3A_184 to %parallel_loop3A_185 step %parallel_loop3A_186  : i32 {
        %parallel_loop3A_205 = arith.addi %mul3A_168, %parallel_loop3A_204 : i32
        %parallel_loop3A_206 = arith.index_cast %parallel_loop3A_205 : i32 to index
        %parallel_loop3A_207 = tpu.vector_load %arg9[%parallel_loop3A_206] {strides = array<i32>} : memref<32768xf32, #tpu.memory_space<vmem>>, vector<16xf32>,
        %parallel_loop3A_208 = arith.mulf %parallel_loop3A_207, %get3A_5 : vector<16xf32>
        %parallel_loop3A_209 = arith.addf %parallel_loop3A_208, %get3A_9 : vector<16xf32>
        %parallel_loop3A_210 = arith.constant 0.000000e+00 : f32
        %parallel_loop3A_211 = vector.broadcast %parallel_loop3A_210 : f32 to vector<16xf32>
        %parallel_loop3A_212 = arith.maximumf %parallel_loop3A_209, %parallel_loop3A_211 : vector<16xf32>
        %parallel_loop3A_213 = arith.constant 377.999969 : f32
        %parallel_loop3A_214 = vector.broadcast %parallel_loop3A_213 : f32 to vector<16xf32>
        %parallel_loop3A_215 = arith.minimumf %parallel_loop3A_212, %parallel_loop3A_214 : vector<16xf32>
        %parallel_loop3A_216 = arith.fptosi %parallel_loop3A_215 : vector<16xf32> to vector<16xi32>
        %parallel_loop3A_217 = arith.sitofp %parallel_loop3A_216 : vector<16xi32> to vector<16xf32>
        %parallel_loop3A_218 = arith.subf %parallel_loop3A_215, %parallel_loop3A_217 : vector<16xf32>
        %parallel_loop3A_219 = tpu.vector_load_idx %arg6[%parallel_loop3A_216] : memref<400xf32, #tpu.memory_space<vmem>>[vector<16xi32>], vector<16xf32>,
        %parallel_loop3A_220 = tpu.vector_load_idx %arg7[%parallel_loop3A_216] : memref<384xf32, #tpu.memory_space<vmem>>[vector<16xi32>], vector<16xf32>,
        %parallel_loop3A_221 = arith.mulf %parallel_loop3A_220, %parallel_loop3A_218 : vector<16xf32>
        %parallel_loop3A_222 = arith.addf %parallel_loop3A_219, %parallel_loop3A_221 : vector<16xf32>
        %parallel_loop3A_223 = arith.addi %mul3A_168, %parallel_loop3A_204 : i32
        %parallel_loop3A_224 = arith.index_cast %parallel_loop3A_223 : i32 to index
        %parallel_loop3A_225 = tpu.vector_load %arg10[%parallel_loop3A_224] {strides = array<i32>} : memref<32768xf32, #tpu.memory_space<vmem>>, vector<16xf32>,
        tpu.vector_store %arg10[%parallel_loop3A_224], %parallel_loop3A_222 {strides = array<i32>} : memref<32768xf32, #tpu.memory_space<vmem>>, vector<16xf32>,
      } {sc.loop_unroll_factor = 16 : i64, sc.parallel_access}
      %mul3A_187 = arith.constant 16384 : i32
      %mul3A_188 = arith.muli %scan3A_156, %mul3A_187 : i32
      %add3A_189 = arith.addi %mul3A_2, %mul3A_188 : i32
      %dma_start3A_190 = tpu.memref_slice %arg10[%mul3A_168] : memref<32768xf32, #tpu.memory_space<vmem>> -> memref<16384xf32, #tpu.memory_space<vmem>>
      %dma_start3A_191 = tpu.memref_slice %arg5[%add3A_189] : memref<8388608xf32, #tpu.memory_space<hbm>> -> memref<16384xf32, #tpu.memory_space<hbm>>
      %dma_start3A_192 = tpu.memref_slice %arg5[%add3A_189] : memref<8388608xf32, #tpu.memory_space<hbm>> -> memref<16384xf32, #tpu.memory_space<hbm>>
      %dma_start3A_193 = tpu.memref_slice %arg10[%mul3A_168] : memref<32768xf32, #tpu.memory_space<vmem>> -> memref<16384xf32, #tpu.memory_space<vmem>>
      tpu.enqueue_dma source(%dma_start3A_193 : memref<16384xf32, #tpu.memory_space<vmem>>) target(%dma_start3A_192 : memref<16384xf32, #tpu.memory_space<hbm>>) target_semaphore(%arg12 : memref<!tpu.dma_semaphore, #tpu.memory_space<semaphore_mem>>)
      %add3A_194 = arith.constant 2 : i32
      %add3A_195 = arith.addi %scan3A_156, %add3A_194 : i32
      %mul3A_196 = arith.constant 16384 : i32
      %mul3A_197 = arith.muli %add3A_195, %mul3A_196 : i32
      %add3A_198 = arith.addi %mul3A_2, %mul3A_197 : i32
      %dma_start3A_199 = tpu.memref_slice %arg9[%mul3A_168] : memref<32768xf32, #tpu.memory_space<vmem>> -> memref<16384xf32, #tpu.memory_space<vmem>>
      %dma_start3A_200 = tpu.memref_slice %arg2[%add3A_198] : memref<8388608xf32, #tpu.memory_space<hbm>> -> memref<16384xf32, #tpu.memory_space<hbm>>
      %dma_start3A_201 = tpu.memref_slice %arg9[%mul3A_168] : memref<32768xf32, #tpu.memory_space<vmem>> -> memref<16384xf32, #tpu.memory_space<vmem>>
      %dma_start3A_202 = tpu.memref_slice %arg2[%add3A_198] : memref<8388608xf32, #tpu.memory_space<hbm>> -> memref<16384xf32, #tpu.memory_space<hbm>>
      tpu.enqueue_dma source(%dma_start3A_202 : memref<16384xf32, #tpu.memory_space<hbm>>) target(%dma_start3A_201 : memref<16384xf32, #tpu.memory_space<vmem>>) target_semaphore(%arg11 : memref<!tpu.dma_semaphore, #tpu.memory_space<semaphore_mem>>)
      %scan3A_203 = arith.constant 0 : i32
      scf.yield %scan3A_203 : i32
    }
    %scan3A_85 = arith.constant 12 : i32
    %add3A_86 = arith.constant 229376 : i32
    %add3A_87 = arith.addi %mul3A_2, %add3A_86 : i32
    %dma_wait3A_88 = arith.constant 0 : i32
    %dma_wait3A_89 = tpu.memref_slice %arg9[%dma_wait3A_88] : memref<32768xf32, #tpu.memory_space<vmem>> -> memref<16384xf32, #tpu.memory_space<vmem>>
    %dma_wait3A_90 = tpu.memref_slice %arg2[%add3A_87] : memref<8388608xf32, #tpu.memory_space<hbm>> -> memref<16384xf32, #tpu.memory_space<hbm>>
    %dma_wait3A_91 = arith.constant 0 : i32
    %dma_wait3A_92 = tpu.memref_slice %arg9[%dma_wait3A_91] : memref<32768xf32, #tpu.memory_space<vmem>> -> memref<16384xf32, #tpu.memory_space<vmem>>
    %dma_wait3A_93 = tpu.memref_slice %arg2[%add3A_87] : memref<8388608xf32, #tpu.memory_space<hbm>> -> memref<16384xf32, #tpu.memory_space<hbm>>
    tpu.wait_dma2 semaphore(%arg11 : memref<!tpu.dma_semaphore, #tpu.memory_space<semaphore_mem>>) src(%dma_wait3A_93 : memref<16384xf32, #tpu.memory_space<hbm>>) dst(%dma_wait3A_92 : memref<16384xf32, #tpu.memory_space<vmem>>)
    %add3A_94 = arith.constant 196608 : i32
    %add3A_95 = arith.addi %mul3A_2, %add3A_94 : i32
    %dma_wait3A_96 = arith.constant 0 : i32
    %dma_wait3A_97 = tpu.memref_slice %arg10[%dma_wait3A_96] : memref<32768xf32, #tpu.memory_space<vmem>> -> memref<16384xf32, #tpu.memory_space<vmem>>
    %dma_wait3A_98 = tpu.memref_slice %arg5[%add3A_95] : memref<8388608xf32, #tpu.memory_space<hbm>> -> memref<16384xf32, #tpu.memory_space<hbm>>
    %dma_wait3A_99 = tpu.memref_slice %arg5[%add3A_95] : memref<8388608xf32, #tpu.memory_space<hbm>> -> memref<16384xf32, #tpu.memory_space<hbm>>
    %dma_wait3A_100 = arith.constant 0 : i32
    %dma_wait3A_101 = tpu.memref_slice %arg10[%dma_wait3A_100] : memref<32768xf32, #tpu.memory_space<vmem>> -> memref<16384xf32, #tpu.memory_space<vmem>>
    tpu.wait_dma2 semaphore(%arg12 : memref<!tpu.dma_semaphore, #tpu.memory_space<semaphore_mem>>) src(%dma_wait3A_101 : memref<16384xf32, #tpu.memory_space<vmem>>) dst(%dma_wait3A_99 : memref<16384xf32, #tpu.memory_space<hbm>>)
    %parallel_loop3A_102 = arith.constant 0 : i32
    %parallel_loop3A_103 = arith.constant 16384 : i32
    %parallel_loop3A_104 = arith.constant 16 : i32
    scf.for %parallel_loop3A_156 = %parallel_loop3A_102 to %parallel_loop3A_103 step %parallel_loop3A_104  : i32 {
      %parallel_loop3A_157 = arith.constant 0 : i32
      %parallel_loop3A_158 = arith.addi %parallel_loop3A_157, %parallel_loop3A_156 : i32
      %parallel_loop3A_159 = arith.index_cast %parallel_loop3A_158 : i32 to index
      %parallel_loop3A_160 = tpu.vector_load %arg9[%parallel_loop3A_159] {strides = array<i32>} : memref<32768xf32, #tpu.memory_space<vmem>>, vector<16xf32>,
      %parallel_loop3A_161 = arith.mulf %parallel_loop3A_160, %get3A_5 : vector<16xf32>
      %parallel_loop3A_162 = arith.addf %parallel_loop3A_161, %get3A_9 : vector<16xf32>
      %parallel_loop3A_163 = arith.constant 0.000000e+00 : f32
      %parallel_loop3A_164 = vector.broadcast %parallel_loop3A_163 : f32 to vector<16xf32>
      %parallel_loop3A_165 = arith.maximumf %parallel_loop3A_162, %parallel_loop3A_164 : vector<16xf32>
      %parallel_loop3A_166 = arith.constant 377.999969 : f32
      %parallel_loop3A_167 = vector.broadcast %parallel_loop3A_166 : f32 to vector<16xf32>
      %parallel_loop3A_168 = arith.minimumf %parallel_loop3A_165, %parallel_loop3A_167 : vector<16xf32>
      %parallel_loop3A_169 = arith.fptosi %parallel_loop3A_168 : vector<16xf32> to vector<16xi32>
      %parallel_loop3A_170 = arith.sitofp %parallel_loop3A_169 : vector<16xi32> to vector<16xf32>
      %parallel_loop3A_171 = arith.subf %parallel_loop3A_168, %parallel_loop3A_170 : vector<16xf32>
      %parallel_loop3A_172 = tpu.vector_load_idx %arg6[%parallel_loop3A_169] : memref<400xf32, #tpu.memory_space<vmem>>[vector<16xi32>], vector<16xf32>,
      %parallel_loop3A_173 = tpu.vector_load_idx %arg7[%parallel_loop3A_169] : memref<384xf32, #tpu.memory_space<vmem>>[vector<16xi32>], vector<16xf32>,
      %parallel_loop3A_174 = arith.mulf %parallel_loop3A_173, %parallel_loop3A_171 : vector<16xf32>
      %parallel_loop3A_175 = arith.addf %parallel_loop3A_172, %parallel_loop3A_174 : vector<16xf32>
      %parallel_loop3A_176 = arith.constant 0 : i32
      %parallel_loop3A_177 = arith.addi %parallel_loop3A_176, %parallel_loop3A_156 : i32
      %parallel_loop3A_178 = arith.index_cast %parallel_loop3A_177 : i32 to index
      %parallel_loop3A_179 = tpu.vector_load %arg10[%parallel_loop3A_178] {strides = array<i32>} : memref<32768xf32, #tpu.memory_space<vmem>>, vector<16xf32>,
      tpu.vector_store %arg10[%parallel_loop3A_178], %parallel_loop3A_175 {strides = array<i32>} : memref<32768xf32, #tpu.memory_space<vmem>>, vector<16xf32>,
    } {sc.loop_unroll_factor = 16 : i64, sc.parallel_access}
    %add3A_105 = arith.constant 229376 : i32
    %add3A_106 = arith.addi %mul3A_2, %add3A_105 : i32
    %dma_start3A_107 = arith.constant 0 : i32
    %dma_start3A_108 = tpu.memref_slice %arg10[%dma_start3A_107] : memref<32768xf32, #tpu.memory_space<vmem>> -> memref<16384xf32, #tpu.memory_space<vmem>>
    %dma_start3A_109 = tpu.memref_slice %arg5[%add3A_106] : memref<8388608xf32, #tpu.memory_space<hbm>> -> memref<16384xf32, #tpu.memory_space<hbm>>
    %dma_start3A_110 = tpu.memref_slice %arg5[%add3A_106] : memref<8388608xf32, #tpu.memory_space<hbm>> -> memref<16384xf32, #tpu.memory_space<hbm>>
    %dma_start3A_111 = arith.constant 0 : i32
    %dma_start3A_112 = tpu.memref_slice %arg10[%dma_start3A_111] : memref<32768xf32, #tpu.memory_space<vmem>> -> memref<16384xf32, #tpu.memory_space<vmem>>
    tpu.enqueue_dma source(%dma_start3A_112 : memref<16384xf32, #tpu.memory_space<vmem>>) target(%dma_start3A_110 : memref<16384xf32, #tpu.memory_space<hbm>>) target_semaphore(%arg12 : memref<!tpu.dma_semaphore, #tpu.memory_space<semaphore_mem>>)
    %add3A_113 = arith.constant 245760 : i32
    %add3A_114 = arith.addi %mul3A_2, %add3A_113 : i32
    %dma_wait3A_115 = arith.constant 16384 : i32
    %dma_wait3A_116 = tpu.memref_slice %arg9[%dma_wait3A_115] : memref<32768xf32, #tpu.memory_space<vmem>> -> memref<16384xf32, #tpu.memory_space<vmem>>
    %dma_wait3A_117 = tpu.memref_slice %arg2[%add3A_114] : memref<8388608xf32, #tpu.memory_space<hbm>> -> memref<16384xf32, #tpu.memory_space<hbm>>
    %dma_wait3A_118 = arith.constant 16384 : i32
    %dma_wait3A_119 = tpu.memref_slice %arg9[%dma_wait3A_118] : memref<32768xf32, #tpu.memory_space<vmem>> -> memref<16384xf32, #tpu.memory_space<vmem>>
    %dma_wait3A_120 = tpu.memref_slice %arg2[%add3A_114] : memref<8388608xf32, #tpu.memory_space<hbm>> -> memref<16384xf32, #tpu.memory_space<hbm>>
    tpu.wait_dma2 semaphore(%arg11 : memref<!tpu.dma_semaphore, #tpu.memory_space<semaphore_mem>>) src(%dma_wait3A_120 : memref<16384xf32, #tpu.memory_space<hbm>>) dst(%dma_wait3A_119 : memref<16384xf32, #tpu.memory_space<vmem>>)
    %add3A_121 = arith.constant 212992 : i32
    %add3A_122 = arith.addi %mul3A_2, %add3A_121 : i32
    %dma_wait3A_123 = arith.constant 16384 : i32
    %dma_wait3A_124 = tpu.memref_slice %arg10[%dma_wait3A_123] : memref<32768xf32, #tpu.memory_space<vmem>> -> memref<16384xf32, #tpu.memory_space<vmem>>
    %dma_wait3A_125 = tpu.memref_slice %arg5[%add3A_122] : memref<8388608xf32, #tpu.memory_space<hbm>> -> memref<16384xf32, #tpu.memory_space<hbm>>
    %dma_wait3A_126 = tpu.memref_slice %arg5[%add3A_122] : memref<8388608xf32, #tpu.memory_space<hbm>> -> memref<16384xf32, #tpu.memory_space<hbm>>
    %dma_wait3A_127 = arith.constant 16384 : i32
    %dma_wait3A_128 = tpu.memref_slice %arg10[%dma_wait3A_127] : memref<32768xf32, #tpu.memory_space<vmem>> -> memref<16384xf32, #tpu.memory_space<vmem>>
    tpu.wait_dma2 semaphore(%arg12 : memref<!tpu.dma_semaphore, #tpu.memory_space<semaphore_mem>>) src(%dma_wait3A_128 : memref<16384xf32, #tpu.memory_space<vmem>>) dst(%dma_wait3A_126 : memref<16384xf32, #tpu.memory_space<hbm>>)
    %parallel_loop3A_129 = arith.constant 0 : i32
    %parallel_loop3A_130 = arith.constant 16384 : i32
    %parallel_loop3A_131 = arith.constant 16 : i32
    scf.for %parallel_loop3A_156 = %parallel_loop3A_129 to %parallel_loop3A_130 step %parallel_loop3A_131  : i32 {
      %parallel_loop3A_157 = arith.constant 16384 : i32
      %parallel_loop3A_158 = arith.addi %parallel_loop3A_157, %parallel_loop3A_156 : i32
      %parallel_loop3A_159 = arith.index_cast %parallel_loop3A_158 : i32 to index
      %parallel_loop3A_160 = tpu.vector_load %arg9[%parallel_loop3A_159] {strides = array<i32>} : memref<32768xf32, #tpu.memory_space<vmem>>, vector<16xf32>,
      %parallel_loop3A_161 = arith.mulf %parallel_loop3A_160, %get3A_5 : vector<16xf32>
      %parallel_loop3A_162 = arith.addf %parallel_loop3A_161, %get3A_9 : vector<16xf32>
      %parallel_loop3A_163 = arith.constant 0.000000e+00 : f32
      %parallel_loop3A_164 = vector.broadcast %parallel_loop3A_163 : f32 to vector<16xf32>
      %parallel_loop3A_165 = arith.maximumf %parallel_loop3A_162, %parallel_loop3A_164 : vector<16xf32>
      %parallel_loop3A_166 = arith.constant 377.999969 : f32
      %parallel_loop3A_167 = vector.broadcast %parallel_loop3A_166 : f32 to vector<16xf32>
      %parallel_loop3A_168 = arith.minimumf %parallel_loop3A_165, %parallel_loop3A_167 : vector<16xf32>
      %parallel_loop3A_169 = arith.fptosi %parallel_loop3A_168 : vector<16xf32> to vector<16xi32>
      %parallel_loop3A_170 = arith.sitofp %parallel_loop3A_169 : vector<16xi32> to vector<16xf32>
      %parallel_loop3A_171 = arith.subf %parallel_loop3A_168, %parallel_loop3A_170 : vector<16xf32>
      %parallel_loop3A_172 = tpu.vector_load_idx %arg6[%parallel_loop3A_169] : memref<400xf32, #tpu.memory_space<vmem>>[vector<16xi32>], vector<16xf32>,
      %parallel_loop3A_173 = tpu.vector_load_idx %arg7[%parallel_loop3A_169] : memref<384xf32, #tpu.memory_space<vmem>>[vector<16xi32>], vector<16xf32>,
      %parallel_loop3A_174 = arith.mulf %parallel_loop3A_173, %parallel_loop3A_171 : vector<16xf32>
      %parallel_loop3A_175 = arith.addf %parallel_loop3A_172, %parallel_loop3A_174 : vector<16xf32>
      %parallel_loop3A_176 = arith.constant 16384 : i32
      %parallel_loop3A_177 = arith.addi %parallel_loop3A_176, %parallel_loop3A_156 : i32
      %parallel_loop3A_178 = arith.index_cast %parallel_loop3A_177 : i32 to index
      %parallel_loop3A_179 = tpu.vector_load %arg10[%parallel_loop3A_178] {strides = array<i32>} : memref<32768xf32, #tpu.memory_space<vmem>>, vector<16xf32>,
      tpu.vector_store %arg10[%parallel_loop3A_178], %parallel_loop3A_175 {strides = array<i32>} : memref<32768xf32, #tpu.memory_space<vmem>>, vector<16xf32>,
    } {sc.loop_unroll_factor = 16 : i64, sc.parallel_access}
    %add3A_132 = arith.constant 245760 : i32
    %add3A_133 = arith.addi %mul3A_2, %add3A_132 : i32
    %dma_start3A_134 = arith.constant 16384 : i32
    %dma_start3A_135 = tpu.memref_slice %arg10[%dma_start3A_134] : memref<32768xf32, #tpu.memory_space<vmem>> -> memref<16384xf32, #tpu.memory_space<vmem>>
    %dma_start3A_136 = tpu.memref_slice %arg5[%add3A_133] : memref<8388608xf32, #tpu.memory_space<hbm>> -> memref<16384xf32, #tpu.memory_space<hbm>>
    %dma_start3A_137 = tpu.memref_slice %arg5[%add3A_133] : memref<8388608xf32, #tpu.memory_space<hbm>> -> memref<16384xf32, #tpu.memory_space<hbm>>
    %dma_start3A_138 = arith.constant 16384 : i32
    %dma_start3A_139 = tpu.memref_slice %arg10[%dma_start3A_138] : memref<32768xf32, #tpu.memory_space<vmem>> -> memref<16384xf32, #tpu.memory_space<vmem>>
    tpu.enqueue_dma source(%dma_start3A_139 : memref<16384xf32, #tpu.memory_space<vmem>>) target(%dma_start3A_137 : memref<16384xf32, #tpu.memory_space<hbm>>) target_semaphore(%arg12 : memref<!tpu.dma_semaphore, #tpu.memory_space<semaphore_mem>>)
    %add3A_140 = arith.constant 229376 : i32
    %add3A_141 = arith.addi %mul3A_2, %add3A_140 : i32
    %dma_wait3A_142 = arith.constant 0 : i32
    %dma_wait3A_143 = tpu.memref_slice %arg10[%dma_wait3A_142] : memref<32768xf32, #tpu.memory_space<vmem>> -> memref<16384xf32, #tpu.memory_space<vmem>>
    %dma_wait3A_144 = tpu.memref_slice %arg5[%add3A_141] : memref<8388608xf32, #tpu.memory_space<hbm>> -> memref<16384xf32, #tpu.memory_space<hbm>>
    %dma_wait3A_145 = tpu.memref_slice %arg5[%add3A_141] : memref<8388608xf32, #tpu.memory_space<hbm>> -> memref<16384xf32, #tpu.memory_space<hbm>>
    %dma_wait3A_146 = arith.constant 0 : i32
    %dma_wait3A_147 = tpu.memref_slice %arg10[%dma_wait3A_146] : memref<32768xf32, #tpu.memory_space<vmem>> -> memref<16384xf32, #tpu.memory_space<vmem>>
    tpu.wait_dma2 semaphore(%arg12 : memref<!tpu.dma_semaphore, #tpu.memory_space<semaphore_mem>>) src(%dma_wait3A_147 : memref<16384xf32, #tpu.memory_space<vmem>>) dst(%dma_wait3A_145 : memref<16384xf32, #tpu.memory_space<hbm>>)
    %add3A_148 = arith.constant 245760 : i32
    %add3A_149 = arith.addi %mul3A_2, %add3A_148 : i32
    %dma_wait3A_150 = arith.constant 16384 : i32
    %dma_wait3A_151 = tpu.memref_slice %arg10[%dma_wait3A_150] : memref<32768xf32, #tpu.memory_space<vmem>> -> memref<16384xf32, #tpu.memory_space<vmem>>
    %dma_wait3A_152 = tpu.memref_slice %arg5[%add3A_149] : memref<8388608xf32, #tpu.memory_space<hbm>> -> memref<16384xf32, #tpu.memory_space<hbm>>
    %dma_wait3A_153 = tpu.memref_slice %arg5[%add3A_149] : memref<8388608xf32, #tpu.memory_space<hbm>> -> memref<16384xf32, #tpu.memory_space<hbm>>
    %dma_wait3A_154 = arith.constant 16384 : i32
    %dma_wait3A_155 = tpu.memref_slice %arg10[%dma_wait3A_154] : memref<32768xf32, #tpu.memory_space<vmem>> -> memref<16384xf32, #tpu.memory_space<vmem>>
    tpu.wait_dma2 semaphore(%arg12 : memref<!tpu.dma_semaphore, #tpu.memory_space<semaphore_mem>>) src(%dma_wait3A_155 : memref<16384xf32, #tpu.memory_space<vmem>>) dst(%dma_wait3A_153 : memref<16384xf32, #tpu.memory_space<hbm>>)
    return
  }
}

</mosaic_0001>

<sc_bundles>
// kernel: kernel.3.cloned.1.call-start
scs
__scs_entry_jumppad:
0x0: {  	(pc) =	sbr.rel $0x88, $3  }
0x1: {  	(tag) =	ssettag $0x0;
	lr =	simm.s32 $0x1  }
0x2: {  	[smem:$0x3F9E] =	sst lr;
	_ =	strace $0xD0000000  }
0x3: {  	_ = 	snop  }
0x4: {  	_ = 	snop  }
0x5: {  	_ = 	snop  }
0x6: {  	_ = 	snop  }
0x7: {  	_ = 	snop  }
__scs_overlays_trampoline_lowered:
0x8: {  	[smem:$0x3FAD] =	sst s0  }
0x9: {  	[smem:$0x3FAE] =	sst s1  }
0xa: {  	[smem:$0x3FAF] =	sst s2  }
0xb: {  	[smem:$0x3FB0] =	sst s3  }
0xc: {  	[smem:$0x3FB1] =	sst s4  }
0xd: {  	[smem:$0x3FB2] =	sst s5  }
0xe: {  	[smem:$0x3FB3] =	sst s6  }
0xf: {  	[smem:$0x3FB4] =	sst s7  }
0x10: {  	[smem:$0x3FB5] =	sst s8  }
0x11: {  	[smem:$0x3FB6] =	sst s9;
	s0 =	simm.s32 @!p0 $0x0  }
0x12: {  	s1 =	sld [smem:$0x3F9C];
	s0 =	simm.s32 @p0 $0x1  }
0x13: {  	[smem:$0x3FB7] =	sst s0;
	s0 =	simm.s32 @!p1 $0x0  }
0x14: {  	s2 =	sld [smem:$0x3F9B];
	s0 =	simm.s32 @p1 $0x1  }
0x15: {  	[smem:$0x3FB8] =	sst s0;
	s0 =	simm.s32 @!p2 $0x0  }
0x16: {  	s3 =	sld [smem:$0x3FDB];
	s0 =	simm.s32 @p2 $0x1  }
0x17: {  	s4 =	simm.s32 $0x1BF5;
	[smem:$0x3FBA] =	sst s0  }
0x18: {  	s0 =	sld [smem:$0x3F9D];
	_ =	swait.ge [sflag:s4], $0x0  }
0x19: {  	s7 =	sld [smem:$0x3F9E]  }
0x1a: {  	s8 =	sadd.s32 $0xFFFFE003, lr  }
0x1b: {  	s9 =	sadd.s32 $0xFFFFFEF7, lr;
	s5 =	simm.s32 $0xFFFFFFFF;
	p2 =	slt.u32 s8, $0xFFFFF086  }
0x1c: {  	p1 =	slt.u32 s9, $0xF7A;
	s5 =	simm.s32 @!p2 $0x0  }
0x1d: {  	s5 =	simm.s32 @p1 $0x1;
	p0 =	seq.s32 s7, s2  }
0x1e: {  	s7 =	smul.u32 @!p0 $0xF7A, s2;
	p2 =	seq.s32 @!p0 s5, $0x0  }
0x1f: {  	s9 =	smul.u32 $0xF7A, s1;
	s8 =	simm.s32 @!p0 $0x1BF5;
	p2 =	por !p2, p0  }
0x20: {  	[sflag:s8] =	ssyncset.s32 @!p0 $0xFFFFF086;
	s6 =	sadd.s32 @!p0 s3, s7;
	s7 =	simm.s32 @!p0 $0x108  }
0x21: {  	s3 =	sadd.s32 s3, s9;
	s6 =	sadd.s32 @!p0 $0x88, s6;
	s7 =	simm.s32 @p2 $0x1082  }
0x22: {  	[simem:s7], [sflag:s8] =	dma.local @!p0 [hbm:s6], $0xF7A  }
0x23: {  	s9 =	sor.u32 $0xD0000000, s2;
	s6 =	simm.s32 $0x108;
	_ =	swait.ge @!p0 [sflag:s8], $0x0  }
0x24: {  	s3 =	sadd.s32 $0x88, s3;
	s6 =	simm.s32 @!p1 $0x1082;
	[sflag:s4] =	ssyncset.s32 $0xFFFFF086  }
0x25: {  	[simem:s6], [sflag:s4] =	dma.local [hbm:s3], $0xF7A  }
0x26: {  	[smem:$0x3F9E] =	sst s1;
	(tag) =	ssettag s2;
	_ =	strace s9  }
0x27: {  	s1 =	sld [smem:$0x3FAE]  }
0x28: {  	s2 =	sld [smem:$0x3FAF]  }
0x29: {  	s4 =	sld [smem:$0x3FB1]  }
0x2a: {  	p0 =	seq.s32 s5, $0x0;
	s5 =	sld [smem:$0x3FB2]  }
0x2b: {  	s6 =	sld [smem:$0x3FB3]  }
0x2c: {  	s7 =	sld [smem:$0x3FB4]  }
0x2d: {  	s3 =	simm.s32 $0x108;
	s8 =	sld [smem:$0x3FB5]  }
0x2e: {  	s3 =	simm.s32 @!p0 $0x1082;
	s9 =	sld [smem:$0x3FB6]  }
0x2f: {  	lr =	sadd.s32 s0, s3;
	s0 =	sld [smem:$0x3FAD]  }
0x30: {  	s3 =	sld [smem:$0x3FB0]  }
0x31: {  	[smem:$0x3FB9] =	sst s10  }
0x32: {  	s10 =	sld [smem:$0x3FB7];
	_ =	sdelay $0x3  }
0x33: {  	p0 =	seq.s32 s10, $0x1;
	s10 =	sld [smem:$0x3FB9];
	_ =	sdelay $0x3  }
0x34: {  	[smem:$0x3FB9] =	sst s10  }
0x35: {  	s10 =	sld [smem:$0x3FB8];
	_ =	sdelay $0x3  }
0x36: {  	p1 =	seq.s32 s10, $0x1;
	s10 =	sld [smem:$0x3FB9];
	_ =	sdelay $0x3  }
0x37: {  	[smem:$0x3FB9] =	sst s10  }
0x38: {  	s10 =	sld [smem:$0x3FBA]  }
0x39: {  	_ = 	snop;
	(pc) =	sbr.ind lr, $3  }
0x3a: {  	_ = 	snop  }
0x3b: {  	_ = 	snop  }
0x3c: {  	p2 =	seq.s32 s10, $0x1;
	s10 =	sld [smem:$0x3FB9]  }
0x3d: {  	_ =	shalt  }
0x3e: {  	_ =	shalt  }
0x3f: {  	_ =	shalt  }
0x40: {  	_ =	shalt  }
0x41: {  	_ =	shalt  }
0x42: {  	_ =	shalt  }
0x43: {  	_ =	shalt  }
0x44: {  	_ =	shalt  }
0x45: {  	_ =	shalt  }
0x46: {  	_ =	shalt  }
0x47: {  	_ =	shalt  }
0x48: {  	_ =	shalt  }
0x49: {  	_ =	shalt  }
0x4a: {  	_ =	shalt  }
0x4b: {  	_ =	shalt  }
0x4c: {  	_ =	shalt  }
0x4d: {  	_ =	shalt  }
0x4e: {  	_ =	shalt  }
0x4f: {  	_ =	shalt  }
0x50: {  	_ =	shalt  }
0x51: {  	_ =	shalt  }
0x52: {  	_ =	shalt  }
0x53: {  	_ =	shalt  }
0x54: {  	_ =	shalt  }
0x55: {  	_ =	shalt  }
0x56: {  	_ =	shalt  }
0x57: {  	_ =	shalt  }
0x58: {  	_ =	shalt  }
0x59: {  	_ =	shalt  }
0x5a: {  	_ =	shalt  }
0x5b: {  	_ =	shalt  }
0x5c: {  	_ =	shalt  }
0x5d: {  	_ =	shalt  }
0x5e: {  	_ =	shalt  }
0x5f: {  	_ =	shalt  }
0x60: {  	_ =	shalt  }
0x61: {  	_ =	shalt  }
0x62: {  	_ =	shalt  }
0x63: {  	_ =	shalt  }
0x64: {  	_ =	shalt  }
0x65: {  	_ =	shalt  }
0x66: {  	_ =	shalt  }
0x67: {  	_ =	shalt  }
0x68: {  	_ =	shalt  }
0x69: {  	_ =	shalt  }
0x6a: {  	_ =	shalt  }
0x6b: {  	_ =	shalt  }
0x6c: {  	_ =	shalt  }
0x6d: {  	_ =	shalt  }
0x6e: {  	_ =	shalt  }
0x6f: {  	_ =	shalt  }
0x70: {  	_ =	shalt  }
0x71: {  	_ =	shalt  }
0x72: {  	_ =	shalt  }
0x73: {  	_ =	shalt  }
0x74: {  	_ =	shalt  }
0x75: {  	_ =	shalt  }
0x76: {  	_ =	shalt  }
0x77: {  	_ =	shalt  }
0x78: {  	_ =	shalt  }
0x79: {  	_ =	shalt  }
0x7a: {  	_ =	shalt  }
0x7b: {  	_ =	shalt  }
0x7c: {  	_ =	shalt  }
0x7d: {  	_ =	shalt  }
0x7e: {  	_ =	shalt  }
0x7f: {  	_ =	shalt  }
0x80: {  	_ =	shalt  }
0x81: {  	_ =	shalt  }
0x82: {  	_ =	shalt  }
0x83: {  	_ =	shalt  }
0x84: {  	_ =	shalt  }
0x85: {  	_ =	shalt  }
0x86: {  	_ =	shalt  }
0x87: {  	_ =	shalt  }
.Lfunc_end0:
.L_simem_size_0:
called_computation_lowered:
.L_overlay_start_0:
0x88: {  	s2 =	sld [smem:$0x3FD9]  }
0x89: {  	s3 =	sld [smem:$0x3FFE];
	_ =	sdelay $0x1  }
0x8a: {  	s1 =	srdreg.scid  }
0x8b: {  	s0 =	sand.u32 $0x1, s1  }
0x8c: {  	s17 =	sshll.u32 s0, $0xA;
	s2 =	sadd.s32 s3, s2  }
0x8d: {  	s2 =	sadd.s32 s2, s17  }
0x8e: {  	[smem:$0x3FC5] =	sst s2  }
0x8f: {  	_ = 	snop  }
0x90: {  	s2 =	sld [smem:$0x3FC9]  }
0x91: {  	s18 =	sld [smem:$0x3FD0];
	(tm) =	ssettm $0x1  }
0x92: {  	s4 =	sld [smem:$0x3FFB];
	_ =	sdelay $0x3  }
0x93: {  	_ =	strace s4  }
0x94: {  	s4 =	sld [smem:$0x3FFC];
	_ =	sdelay $0x3  }
0x95: {  	_ =	strace s4  }
0x96: {  	s4 =	sld [smem:$0x3FFD];
	_ =	sdelay $0x3  }
0x97: {  	_ =	strace s4  }
0x98: {  	_ =	strace $0x8FFFFFFF  }
0x99: {  	s19 =	sld [smem:$0x3FDB];
	_ =	sdelay $0x1  }
0x9a: {  	s5 =	simm.s32 $_scs_section_size  }
0x9b: {  	s6 =	simm.s32 $_size__tile_overlayer_lowered;
	s7 =	simm.s32 $_tile_overlayer_lowered  }
0x9c: {  	s22 =	simm.s32 $0x1BFF;
	s21 =	sshll.u32 s7, $0x1;
	s4 =	sadd.s32 s5, s19  }
0x9d: {  	s8 =	simm.s32 $0x0;
	s20 =	sshll.u32 s6, $0x1;
	s6 =	sadd.s32 s21, s4  }
0x9e: {  	[timem:s8], [sflag:s22] =	dma.local [hbm:s6], s20  }
0x9f: {  	_ =	swait.ge [sflag:s22], s20  }
0xa0: {  	s5 =	ssub.s32 $0x0, s20;
	[sflag:s22] =	ssyncset.done $0x0  }
0xa1: {  	[sflag:s22] =	ssyncadd.s32 s5;
	_ =	sdelay $0x1  }
0xa2: {  	s23 =	simm.s32 $0x1B8B  }
0xa3: {  	_ =	swait.ge [sflag:s23], $0x1  }
0xa4: {  	[sflag:s23] =	ssyncset.done $0x0  }
0xa5: {  	s25 =	simm.s32 $0x1B8E;
	s24 =	sld [smem:$0x3FFE];
	[sflag:s23] =	ssyncadd.s32 $0xFFFFFFFF  }
0xa6: {  	s26 =	simm.s32 $execute0_lowered;
	[smem:$0x3FD2] =	sst s25  }
0xa7: {  	s6 =	sshll.u32 s26, $0x1;
	_ =	strace $0x80000046;
	[dreg:$0x1] =	wrdreg $0xFFFFFFFF  }
0xa8: {  	s28 =	simm.s32 $_size_execute0_lowered;
	s4 =	sadd.s32 s4, s6;
	[dreg:$0x0] =	wrdreg $0x0  }
0xa9: {  	s6 =	sshll.u32 s28, $0x1;
	[dreg:$0x2] =	wrdreg s4  }
0xaa: {  	[dreg:$0x3] =	wrdreg s6  }
0xab: {  	[dreg:$0x4] =	wrdreg $0xC0  }
0xac: {  	_ =	task [dreg:s8], $0x5FFFF  }
0xad: {  	[dreg:$0x1] =	wrdreg $0xFFFFFFFF  }
0xae: {  	[dreg:$0x0] =	wrdreg $0x60  }
0xaf: {  	[dreg:$0x2] =	wrdreg s2  }
0xb0: {  	[dreg:$0x3] =	wrdreg s24  }
0xb1: {  	[dreg:$0x4] =	wrdreg s18  }
0xb2: {  	[dreg:$0x5] =	wrdreg $0x9  }
0xb3: {  	_ =	task.clear_ibuf [dreg:s8], $0x6FFFF;
	_ =	strace $0x90000046  }
0xb4: {  	s29 =	simm.s32 $0x9;
	_ =	strace $0x80000048  }
0xb5: {  	_ =	swait.ge [sflag:s29], $0x1  }
0xb6: {  	[sflag:s29] =	ssyncadd.s32 $0xFFFFFFFF  }
0xb7: {  	_ =	strace $0x90000048  }
0xb8: {  	_ =	sfence  }
0xb9: {  	s30 =	sld [smem:$0x0];
	_ =	sdelay $0x2  }
0xba: {  	s31 =	sshll.u32 s1, $0xD;
	s1 =	sshrl.u32 s1, $0x2  }
0xbb: {  	s3 =	sand.u32 $0x4000, s31;
	s1 =	sadd.s32 s1, s30  }
0xbc: {  	s0 =	sor.u32 s3, s0;
	s1 =	sshll.u32 s1, $0x11  }
0xbd: {  	s0 =	sor.u32 s1, s0  }
0xbe: {  	s0 =	sadd.s32 $0x8F2B, s0  }
0xbf: {  	[sflag:s0] =	ssyncadd.remote.s32 $0x1  }
0xc0: {  	_ =	sfence.sel $0xFFFF  }
0xc1: {  	[dreg:$0x0] =	wrdreg $0xFFFFFFFF;
	(pc) =	sbr.abs _section_cstart, $3  }
0xc2: {  	[dreg:$0x1] =	wrdreg $0xFFFFFFFF  }
0xc3: {  	_ =	task.clear_ibuf [dreg:s8], $0x2FFFF;
	_ =	strace $0x9FFFFFFF  }
0xc4: {  	(tm) =	ssettm $0x7FFFFFFF  }
0xc5: {  	_ =	shalt  }
tec
execute0_lowered:
.L_overlay_start_1:
0x0: {  	(tag) =	ssettag $0x1  }
0x1: {  	s1 =	rddreg [dreg:$0x0]  }
0x2: {  	s0 =	rddreg [dreg:$0x1]  }
0x3: {  	s3 =	rddreg [dreg:$0x2];
	s2 =	srdreg.scid;
	s4 =	simm.s32 $0x0  }
0x4: {  	s5 =	stileid.u32;
	s18 =	simm.s32 $0x3;
	s20 =	simm.s32 $0x480  }
0x5: {  	s21 =	simm.s32 $0x4480;
	s22 =	simm.s32 $0x1;
	s23 =	simm.s32 $0x200  }
0x6: {  	s24 =	simm.s32 $0x8480;
	s25 =	simm.s32 $0xC480;
	s26 =	simm.s32 $0x2  }
0x7: {  	s28 =	simm.s32 $0x0;
	s2 =	sand.u32 $0x1, s2;
	[smem:$0x7FF] =	sst s4  }
0x8: {  	s5 =	sshll.u32 s5, $0x13;
	s7 =	sadd.s32 $0x800, s0;
	s6 =	sshll.u32 s2, $0x12  }
0x9: {  	_ =	strace $0x80000047;
	s2 =	ssub.s32 $0x2, s2;
	s5 =	sor.u32 s6, s5  }
0xa: {  	s6 =	sadd.s32 $0x600, s0;
	s31 =	sshrl.u32 s2, $0x1;
	s10 =	sshrl.u32 s5, $0x3  }
0xb: {  	s0 =	ssub.s32 s2, s31;
	s14 =	sor.u32 $0x8000, s5;
	s12 =	sor.u32 $0x800, s10  }
0xc: {  	s8 =	sadd.s32 s1, s10;
	s10 =	sadd.s32 s3, s10;
	s17 =	smax.u32 s0, $0x1  }
0xd: {  	s9 =	sadd.s32 s1, s12;
	s11 =	sadd.s32 $0x1000, s8;
	s12 =	sadd.s32 s3, s12  }
0xe: {  	s13 =	sadd.s32 $0x1800, s8;
	s15 =	sadd.s32 $0x7000, s10;
	s16 =	sadd.s32 $0x7800, s10  }
.LBB2_1:
0xf: {  	[tilespmem:s4], [sflag:$0x3] =	stream.linear.gather [hbm4b:s6+s4], $0x200, $0x38;
	[tilespmem:$0x10480] =	vst v63  }
0x10: {  	_ =	swait.ge [sflag:s18], $0x200  }
0x11: {  	[sflag:s18] =	ssyncset.done $0x0  }
0x12: {  	s0 =	simm.s32 $0x380;
	[sflag:s18] =	ssyncadd.s32 $0xFFFFFE00  }
0x13: {  	[tilespmem:s0], [sflag:$0x3] =	stream.linear.gather [hbm4b:s7+s4], $0x100, $0x38;
	[tilespmem:$0x10480] =	vst v63  }
0x14: {  	_ =	swait.ge [sflag:s18], $0x100  }
0x15: {  	[sflag:s18] =	ssyncset.done $0x0  }
0x16: {  	[sflag:s18] =	ssyncadd.s32 $0xFFFFFF00  }
0x17: {  	v3 =	vld [tilespmem:s22+$0x0]  }
0x18: {  	v4 =	vld [tilespmem:s22+$0xFFFFFFFF];
	_ =	sdelay $0x1  }
0x19: {  	v0 =	vld [tilespmem:$0x380]  }
0x1a: {  	s0 =	simm.s32 $0x11;
	v1 =	vld [tilespmem:$0x400]  }
0x1b: {  	v2 =	vld [tilespmem:s0+$0x0]  }
0x1c: {  	s19 =	simm.s32 $0x10;
	s2 =	simm.s32 $0x200;
	v4 =	vsub.f32 v3, v4;
	v3 =	vld [tilespmem:s0+$0xFFFFFFFF]  }
.LBB2_2:
0x1d: {  	s19 =	sadd.s32 $0x10, s19  }
0x1e: {  	[tilespmem:s2+$0x0] =	vst v4;
	s2 =	sadd.s32 $0x10, s2;
	p0 =	slt.u32 s19, $0x170  }
.Ltmp0:
0x1f: {  	(pc) =	sbr.rel @p0 .LBB2_2-.Ltmp0, $4  }
0x20: {  	_ = 	snop  }
0x21: {  	s0 =	sadd.s32 $0x10, s0  }
0x22: {  	v4 =	vsub.f32 v2, v3;
	v2 =	vld [tilespmem:s0+$0x0]  }
0x23: {  	v3 =	vld [tilespmem:s0+$0xFFFFFFFF]  }
0x24: {  	_ =	sdelay $0x3  }
0x25: {  	v2 =	vsub.f32 v2, v3  }
0x26: {  	[tilespmem:s2+$0x0] =	vst v4;
	s0 =	sadd.s32 $0x10, s2  }
0x27: {  	[tilespmem:s0+$0x0] =	vst v2  }
0x28: {  	[tilespmem:s20], [sflag:$0x1] =	stream.linear.gather [hbm4b:s8+s4], $0x4000, $0x38;
	[tilespmem:$0x10480] =	vst v63  }
0x29: {  	_ = 	snop  }
0x2a: {  	[tilespmem:s21], [sflag:$0x1] =	stream.linear.gather [hbm4b:s9+s4], $0x4000, $0x38;
	[tilespmem:$0x10480] =	vst v63  }
0x2b: {  	_ =	swait.ge [sflag:s22], $0x4000  }
0x2c: {  	[sflag:s22] =	ssyncset.done $0x0  }
0x2d: {  	s19 =	simm.s32 $0x500;
	[sflag:s22] =	ssyncadd.s32 $0xFFFFC000  }
0x2e: {  	v2 =	vld [tilespmem:s19+$0x70]  }
0x2f: {  	v3 =	vld [tilespmem:s19+$0xFFFFFF90]  }
0x30: {  	v4 =	vld [tilespmem:s19+$0xFFFFFFA0]  }
0x31: {  	v5 =	vld [tilespmem:s19+$0xFFFFFFB0]  }
0x32: {  	v6 =	vld [tilespmem:s19+$0xFFFFFFC0]  }
0x33: {  	v7 =	vld [tilespmem:s19+$0xFFFFFFD0]  }
0x34: {  	v8 =	vld [tilespmem:s19+$0xFFFFFFE0]  }
0x35: {  	v9 =	vld [tilespmem:s19+$0xFFFFFFF0]  }
0x36: {  	v10 =	vld [tilespmem:s19+$0x0]  }
0x37: {  	v11 =	vld [tilespmem:s19+$0x10]  }
0x38: {  	v12 =	vld [tilespmem:s19+$0x20];
	v2 =	vmul.f32 v2, v0;
	v3 =	vmul.f32 v3, v0  }
0x39: {  	v13 =	vld [tilespmem:s19+$0x30];
	v4 =	vmul.f32 v4, v0;
	v5 =	vmul.f32 v5, v0  }
0x3a: {  	v15 =	vld [tilespmem:s19+$0x40];
	v6 =	vmul.f32 v6, v0;
	v7 =	vmul.f32 v7, v0  }
0x3b: {  	v16 =	vld [tilespmem:s19+$0x50];
	v8 =	vmul.f32 v8, v0;
	v9 =	vmul.f32 v9, v0  }
0x3c: {  	v17 =	vld [tilespmem:s19+$0x60];
	v10 =	vmul.f32 v10, v0;
	v11 =	vmul.f32 v11, v0;
	v2 =	vadd.f32 v2, v1  }
0x3d: {  	v18 =	vld [tilespmem:s19+$0xFFFFFF80];
	v12 =	vmul.f32 v12, v0;
	v3 =	vadd.f32 v3, v1;
	v4 =	vadd.f32 v4, v1  }
0x3e: {  	v13 =	vmul.f32 v13, v0;
	v5 =	vadd.f32 v5, v1;
	v6 =	vadd.f32 v6, v1  }
0x3f: {  	v15 =	vmul.f32 v15, v0;
	v7 =	vadd.f32 v7, v1;
	v8 =	vadd.f32 v8, v1  }
0x40: {  	v16 =	vmul.f32 v16, v0;
	v9 =	vadd.f32 v9, v1;
	v10 =	vadd.f32 v10, v1  }
0x41: {  	v17 =	vmul.f32 v17, v0;
	v11 =	vadd.f32 v11, v1;
	v12 =	vadd.f32 v12, v1  }
0x42: {  	v18 =	vmul.f32 v18, v0;
	v13 =	vadd.f32 v13, v1;
	v15 =	vadd.f32 v15, v1  }
0x43: {  	v16 =	vadd.f32 v16, v1;
	v17 =	vadd.f32 v17, v1  }
0x44: {  	v18 =	vadd.f32 v18, v1;
	v2 =	vmax.f32 v2, $0.0e+00;
	v3 =	vmax.f32 v3, $0.0e+00  }
0x45: {  	v4 =	vmax.f32 v4, $0.0e+00;
	v5 =	vmax.f32 v5, $0.0e+00;
	v6 =	vmax.f32 v6, $0.0e+00  }
0x46: {  	v7 =	vmax.f32 v7, $0.0e+00;
	v8 =	vmax.f32 v8, $0.0e+00;
	v9 =	vmax.f32 v9, $0.0e+00  }
0x47: {  	v10 =	vmax.f32 v10, $0.0e+00;
	v11 =	vmax.f32 v11, $0.0e+00;
	v13 =	vmax.f32 v13, $0.0e+00  }
0x48: {  	v15 =	vmax.f32 v15, $0.0e+00;
	v16 =	vmax.f32 v16, $0.0e+00;
	v18 =	vmax.f32 v18, $0.0e+00  }
0x49: {  	v2 =	vmin.f32 v2, $3.779999690e+02;
	v22 =	vmin.f32 v18, $3.779999690e+02;
	v3 =	vmin.f32 v3, $3.779999690e+02  }
0x4a: {  	v4 =	vmin.f32 v4, $3.779999690e+02;
	v23 =	vmin.f32 v5, $3.779999690e+02;
	v14 =	vtrunc.f32 v2  }
0x4b: {  	v6 =	vmin.f32 v6, $3.779999690e+02;
	v24 =	vmin.f32 v7, $3.779999690e+02;
	v14 =	vcvt.f32.s32 v14  }
0x4c: {  	v25 =	vmin.f32 v8, $3.779999690e+02;
	v5 =	vtrunc.f32 v22;
	v7 =	vtrunc.f32 v3  }
0x4d: {  	v26 =	vmin.f32 v9, $3.779999690e+02;
	v8 =	vtrunc.f32 v4;
	v18 =	vtrunc.f32 v23  }
0x4e: {  	v28 =	vmin.f32 v10, $3.779999690e+02;
	v9 =	vtrunc.f32 v6;
	v27 =	vtrunc.f32 v24  }
0x4f: {  	v34 =	vmin.f32 v15, $3.779999690e+02;
	v10 =	vtrunc.f32 v25;
	v29 =	vtrunc.f32 v26  }
0x50: {  	v30 =	vmin.f32 v11, $3.779999690e+02;
	v11 =	vtrunc.f32 v28;
	v32 =	vtrunc.f32 v34  }
0x51: {  	v17 =	vmax.f32 v17, $0.0e+00;
	v21 =	vcvt.f32.s32 v5;
	v5 =	vtrunc.f32 v30;
	v19 =	vld.idx.msk [tilespmem:v14+s23+$0x0], $0xffff  }
0x52: {  	v35 =	vmin.f32 v16, $3.779999690e+02;
	v18 =	vcvt.f32.s32 v18;
	v20 =	vcvt.s32.f32 v14  }
0x53: {  	v36 =	vmin.f32 v17, $3.779999690e+02;
	v16 =	vcvt.f32.s32 v9;
	v17 =	vcvt.f32.s32 v27  }
0x54: {  	v27 =	vtrunc.f32 v36;
	v15 =	vcvt.f32.s32 v10;
	v2 =	vsub.f32 v2, v20  }
0x55: {  	v33 =	vmin.f32 v13, $3.779999690e+02;
	v13 =	vcvt.f32.s32 v29;
	v20 =	vcvt.f32.s32 v7;
	v14 =	vld.idx.msk [tilespmem:v14+s4+$0x0], $0xffff  }
0x56: {  	v12 =	vmax.f32 v12, $0.0e+00;
	v2 =	vmul.f32 v2, v19;
	v19 =	vcvt.f32.s32 v8  }
0x57: {  	v31 =	vmin.f32 v12, $3.779999690e+02;
	v12 =	vcvt.f32.s32 v11;
	v11 =	vcvt.f32.s32 v5;
	v38 =	vld.idx.msk [tilespmem:v21+s23+$0x0], $0xffff  }
0x58: {  	v5 =	vcvt.f32.s32 v32;
	v7 =	vtrunc.f32 v31;
	v32 =	vld.idx.msk [tilespmem:v18+s23+$0x0], $0xffff  }
0x59: {  	v10 =	vcvt.f32.s32 v7;
	v7 =	vcvt.f32.s32 v27;
	v27 =	vld.idx.msk [tilespmem:v16+s23+$0x0], $0xffff  }
0x5a: {  	v41 =	vld.idx.msk [tilespmem:v17+s23+$0x0], $0xffff;
	v2 =	vadd.f32 v2, v14  }
0x5b: {  	v29 =	vld.idx.msk [tilespmem:v20+s23+$0x0], $0xffff;
	v8 =	vtrunc.f32 v33  }
0x5c: {  	v9 =	vcvt.f32.s32 v8;
	v39 =	vld.idx.msk [tilespmem:v19+s23+$0x0], $0xffff;
	[tilespmem:$0x1FFE0] =	vst v2  }
0x5d: {  	v43 =	vld.idx.msk [tilespmem:v15+s23+$0x0], $0xffff  }
0x5e: {  	v14 =	vmov v5;
	v45 =	vld.idx.msk [tilespmem:v13+s23+$0x0], $0xffff  }
0x5f: {  	v47 =	vld.idx.msk [tilespmem:v12+s23+$0x0], $0xffff  }
0x60: {  	v37 =	vtrunc.f32 v35;
	v55 =	vcvt.s32.f32 v21;
	v49 =	vld.idx.msk [tilespmem:v11+s23+$0x0], $0xffff;
	[tilespmem:$0x1FFF0] =	vst v9  }
0x61: {  	v42 =	vcvt.s32.f32 v18;
	v56 =	vcvt.s32.f32 v16;
	v51 =	vld.idx.msk [tilespmem:v10+s23+$0x0], $0xffff  }
0x62: {  	v44 =	vcvt.s32.f32 v17;
	v57 =	vcvt.s32.f32 v15;
	v53 =	vld.idx.msk [tilespmem:v9+s23+$0x0], $0xffff  }
0x63: {  	s31 =	simm.s32 $0x600;
	v46 =	vcvt.s32.f32 v13;
	v48 =	vcvt.s32.f32 v11;
	v22 =	vsub.f32 v22, v55;
	v61 =	vld.idx.msk [tilespmem:v14+s23+$0x0], $0xffff  }
0x64: {  	v59 =	vcvt.s32.f32 v5;
	v23 =	vsub.f32 v23, v42;
	v6 =	vsub.f32 v6, v56;
	v62 =	vld [tilespmem:s31+$0x70]  }
0x65: {  	v24 =	vsub.f32 v24, v44;
	v40 =	vcvt.s32.f32 v20;
	v58 =	vcvt.s32.f32 v10;
	v63 =	vld [tilespmem:s31+$0xFFFFFF90]  }
0x66: {  	v25 =	vsub.f32 v25, v57;
	v38 =	vmul.f32 v22, v38;
	v22 =	vmul.f32 v6, v27;
	v6 =	vld [tilespmem:s31+$0xFFFFFFA0]  }
0x67: {  	v26 =	vsub.f32 v26, v46;
	v60 =	vcvt.s32.f32 v7;
	v2 =	vcvt.s32.f32 v19;
	v55 =	vld [tilespmem:s31+$0xFFFFFFE0]  }
0x68: {  	v3 =	vsub.f32 v3, v40;
	v32 =	vmul.f32 v23, v32;
	v8 =	vcvt.f32.s32 v37;
	v56 =	vld [tilespmem:s31+$0x0]  }
0x69: {  	v50 =	vcvt.s32.f32 v9;
	v2 =	vsub.f32 v4, v2;
	v4 =	vcvt.s32.f32 v12;
	v21 =	vld.idx.msk [tilespmem:v21+s4+$0x0], $0xffff  }
0x6a: {  	v42 =	vsub.f32 v31, v58;
	v31 =	vmul.f32 v24, v41;
	v52 =	vcvt.s32.f32 v8;
	v20 =	vld.idx.msk [tilespmem:v20+s4+$0x0], $0xffff  }
0x6b: {  	v54 =	vmul.f32 v3, v29;
	v23 =	vsub.f32 v33, v50;
	v19 =	vld.idx.msk [tilespmem:v19+s4+$0x0], $0xffff;
	v4 =	vsub.f32 v28, v4  }
0x6c: {  	v17 =	vld.idx.msk [tilespmem:v17+s4+$0x0], $0xffff;
	v28 =	vsub.f32 v30, v48;
	v39 =	vmul.f32 v2, v39;
	v24 =	vmul.f32 v25, v43  }
0x6d: {  	v3 =	vsub.f32 v35, v52;
	v13 =	vld.idx.msk [tilespmem:v13+s4+$0x0], $0xffff;
	v30 =	vmul.f32 v26, v45;
	v29 =	vmul.f32 v4, v47  }
0x6e: {  	v58 =	vld [tilespmem:s31+$0x20];
	v2 =	vsub.f32 v36, v60;
	v28 =	vmul.f32 v28, v49;
	v50 =	vmul.f32 v62, v0  }
0x6f: {  	v43 =	vld [tilespmem:s31+$0xFFFFFFB0];
	v25 =	vsub.f32 v34, v59;
	v27 =	vmul.f32 v42, v51;
	v52 =	vmul.f32 v63, v0  }
0x70: {  	v4 =	vld [tilespmem:s31+$0xFFFFFFC0];
	v26 =	vmul.f32 v23, v53;
	v6 =	vmul.f32 v6, v0;
	v38 =	vadd.f32 v38, v21  }
0x71: {  	v49 =	vld [tilespmem:s31+$0xFFFFFFD0];
	v37 =	vmul.f32 v55, v0;
	v54 =	vadd.f32 v54, v20;
	v39 =	vadd.f32 v39, v19  }
0x72: {  	v23 =	vld [tilespmem:s31+$0xFFFFFFF0];
	v40 =	vmul.f32 v56, v0;
	v31 =	vadd.f32 v31, v17;
	v30 =	vadd.f32 v30, v13  }
0x73: {  	v62 =	vld [tilespmem:s31+$0x50];
	v42 =	vmul.f32 v58, v0;
	v35 =	vadd.f32 v50, v1;
	v36 =	vadd.f32 v52, v1  }
0x74: {  	v63 =	vld [tilespmem:s31+$0x60];
	v25 =	vmul.f32 v25, v61;
	v6 =	vadd.f32 v6, v1;
	v37 =	vadd.f32 v37, v1  }
0x75: {  	v40 =	vadd.f32 v40, v1;
	v42 =	vadd.f32 v42, v1;
	v33 =	vmul.f32 v43, v0  }
0x76: {  	v4 =	vmul.f32 v4, v0;
	v35 =	vmax.f32 v35, $0.0e+00;
	v34 =	vmul.f32 v49, v0  }
0x77: {  	v61 =	vld [tilespmem:s31+$0x40];
	v36 =	vmax.f32 v36, $0.0e+00;
	v47 =	vmax.f32 v6, $0.0e+00;
	v37 =	vmax.f32 v37, $0.0e+00  }
0x78: {  	v40 =	vmax.f32 v40, $0.0e+00;
	v42 =	vmax.f32 v42, $0.0e+00;
	v23 =	vmul.f32 v23, v0  }
0x79: {  	v57 =	vld [tilespmem:s31+$0x10];
	v35 =	vmin.f32 v35, $3.779999690e+02;
	v55 =	vmul.f32 v62, v0;
	v41 =	vmul.f32 v63, v0  }
0x7a: {  	v52 =	vld [tilespmem:s31+$0xFFFFFF80];
	v36 =	vmin.f32 v36, $3.779999690e+02;
	v46 =	vmin.f32 v47, $3.779999690e+02;
	v37 =	vmin.f32 v37, $3.779999690e+02  }
0x7b: {  	v40 =	vmin.f32 v40, $3.779999690e+02;
	v42 =	vmin.f32 v42, $3.779999690e+02;
	v33 =	vadd.f32 v33, v1  }
0x7c: {  	v59 =	vld [tilespmem:s31+$0x30];
	v4 =	vadd.f32 v4, v1;
	v60 =	vtrunc.f32 v35;
	v53 =	vmul.f32 v61, v0  }
0x7d: {  	v34 =	vadd.f32 v34, v1;
	v51 =	vtrunc.f32 v36;
	v48 =	vtrunc.f32 v37  }
0x7e: {  	v44 =	vcvt.f32.s32 v60;
	v6 =	vadd.f32 v23, v1;
	v23 =	vmul.f32 v57, v0  }
0x7f: {  	v58 =	vmul.f32 v52, v0;
	v45 =	vadd.f32 v55, v1;
	v33 =	vmax.f32 v33, $0.0e+00  }
0x80: {  	v49 =	vmax.f32 v4, $0.0e+00;
	v34 =	vmax.f32 v34, $0.0e+00;
	v4 =	vadd.f32 v23, v1  }
0x81: {  	v23 =	vmul.f32 v59, v0;
	v57 =	vmax.f32 v6, $0.0e+00;
	v6 =	vadd.f32 v53, v1  }
0x82: {  	v59 =	vcvt.s32.f32 v44;
	v61 =	vadd.f32 v58, v1;
	v45 =	vmax.f32 v45, $0.0e+00  }
0x83: {  	v33 =	vmin.f32 v33, $3.779999690e+02;
	v47 =	vmin.f32 v49, $3.779999690e+02;
	v53 =	vtrunc.f32 v46  }
0x84: {  	v12 =	vld.idx.msk [tilespmem:v12+s4+$0x0], $0xffff;
	v55 =	vtrunc.f32 v33;
	v19 =	vcvt.f32.s32 v53;
	v23 =	vadd.f32 v23, v1  }
0x85: {  	v15 =	vld.idx.msk [tilespmem:v15+s4+$0x0], $0xffff;
	v60 =	vmax.f32 v4, $0.0e+00;
	v4 =	vadd.f32 v41, v1;
	v35 =	vsub.f32 v35, v59  }
0x86: {  	v11 =	vld.idx.msk [tilespmem:v11+s4+$0x0], $0xffff;
	v62 =	vmax.f32 v6, $0.0e+00;
	v41 =	vmax.f32 v61, $0.0e+00;
	v59 =	vtrunc.f32 v40  }
0x87: {  	v61 =	vtrunc.f32 v42;
	v20 =	vcvt.f32.s32 v55;
	v41 =	vmin.f32 v41, $3.779999690e+02;
	v56 =	vld.idx.msk [tilespmem:v44+s23+$0x0], $0xffff  }
0x88: {  	v5 =	vmovc v8;
	v49 =	vmin.f32 v60, $3.779999690e+02;
	v43 =	vmin.f32 v62, $3.779999690e+02;
	v13 =	vcvt.f32.s32 v59;
	v44 =	vld.idx.msk [tilespmem:v44+s4+$0x0], $0xffff  }
0x89: {  	v9 =	vmovc v7;
	v59 =	vadd.f32 v29, v12;
	v23 =	vmax.f32 v23, $0.0e+00;
	v63 =	vmax.f32 v4, $0.0e+00;
	v4 =	vld.idx.msk [tilespmem:v7+s23+$0x0], $0xffff  }
0x8a: {  	v50 =	vtrunc.f32 v41;
	v60 =	vtrunc.f32 v49;
	v7 =	vld [tilespmem:$0x1FFE0];
	v52 =	vmin.f32 v23, $3.779999690e+02  }
0x8b: {  	v18 =	vld.idx.msk [tilespmem:v18+s4+$0x0], $0xffff;
	v23 =	vmin.f32 v45, $3.779999690e+02;
	v45 =	vtrunc.f32 v47;
	v21 =	vcvt.f32.s32 v50  }
0x8c: {  	v6 =	vld.idx.msk [tilespmem:v8+s23+$0x0], $0xffff;
	v12 =	vcvt.f32.s32 v60;
	v60 =	vadd.f32 v28, v11;
	v35 =	vmul.f32 v35, v56  }
0x8d: {  	v62 =	vtrunc.f32 v52;
	v17 =	vcvt.f32.s32 v45;
	v45 =	vadd.f32 v24, v15;
	v24 =	vld.idx.msk [tilespmem:v5+s4+$0x0], $0xffff  }
0x8e: {  	s29 =	simm.s32 $0x8500;
	v8 =	vtrunc.f32 v23;
	v5 =	vld.idx.msk [tilespmem:v9+s4+$0x0], $0xffff;
	v11 =	vcvt.f32.s32 v62;
	v35 =	vadd.f32 v35, v44  }
0x8f: {  	s30 =	simm.s32 $0x8600;
	v34 =	vmin.f32 v34, $3.779999690e+02;
	v8 =	vcvt.f32.s32 v8;
	v28 =	vcvt.s32.f32 v21;
	v56 =	vld.idx.msk [tilespmem:v16+s4+$0x0], $0xffff;
	[tilespmem:s29+$0x70] =	vst v7  }
0x90: {  	v62 =	vcvt.s32.f32 v20;
	v16 =	vmin.f32 v63, $3.779999690e+02;
	v63 =	vtrunc.f32 v43;
	v7 =	vld.idx.msk [tilespmem:v10+s4+$0x0], $0xffff;
	[tilespmem:s30+$0x70] =	vst v35  }
0x91: {  	v50 =	vtrunc.f32 v16;
	v44 =	vmin.f32 v57, $3.779999690e+02;
	v57 =	vtrunc.f32 v34;
	v10 =	vld [tilespmem:$0x1FFF0]  }
0x92: {  	v32 =	vadd.f32 v32, v18;
	v55 =	vld.idx.msk [tilespmem:v19+s23+$0x0], $0xffff;
	v9 =	vcvt.f32.s32 v63;
	v18 =	vcvt.f32.s32 v57;
	[tilespmem:s29+$0xFFFFFF80] =	vst v38  }
0x93: {  	v29 =	vld.idx.msk [tilespmem:v20+s23+$0x0], $0xffff;
	v63 =	vcvt.s32.f32 v17;
	v58 =	vtrunc.f32 v44;
	[tilespmem:s29+$0xFFFFFFA0] =	vst v39  }
0x94: {  	v41 =	vsub.f32 v41, v28;
	v53 =	vld.idx.msk [tilespmem:v21+s23+$0x0], $0xffff;
	v15 =	vcvt.f32.s32 v58;
	v58 =	vcvt.s32.f32 v12;
	[tilespmem:s29+$0xFFFFFFD0] =	vst v31  }
0x95: {  	v56 =	vadd.f32 v22, v56;
	v22 =	vcvt.f32.s32 v51;
	v38 =	vld.idx.msk [tilespmem:v14+s4+$0x0], $0xffff;
	v14 =	vcvt.f32.s32 v48;
	[tilespmem:s29+$0xFFFFFFE0] =	vst v45  }
0x96: {  	v28 =	vld.idx.msk [tilespmem:v17+s23+$0x0], $0xffff;
	v27 =	vadd.f32 v27, v7;
	v7 =	vcvt.f32.s32 v50;
	[tilespmem:s29+$0xFFFFFFF0] =	vst v30;
	v48 =	vcvt.s32.f32 v18  }
0x97: {  	[tilespmem:s29+$0x0] =	vst v59;
	v59 =	vcvt.s32.f32 v11;
	v45 =	vld.idx.msk [tilespmem:v12+s23+$0x0], $0xffff;
	v31 =	vcvt.s32.f32 v22  }
0x98: {  	[tilespmem:s29+$0x10] =	vst v60;
	v60 =	vcvt.s32.f32 v9;
	v50 =	vcvt.s32.f32 v15;
	v49 =	vsub.f32 v49, v58;
	v30 =	vld.idx.msk [tilespmem:v18+s23+$0x0], $0xffff  }
0x99: {  	[tilespmem:s29+$0xFFFFFFC0] =	vst v56;
	v39 =	vcvt.s32.f32 v14;
	v51 =	vsub.f32 v34, v48;
	v56 =	vsub.f32 v36, v31;
	v35 =	vld.idx.msk [tilespmem:v10+s4+$0x0], $0xffff  }
0x9a: {  	[tilespmem:s29+$0xFFFFFF90] =	vst v54;
	v36 =	vsub.f32 v33, v62;
	v33 =	vld.idx.msk [tilespmem:v13+s23+$0x0], $0xffff;
	v10 =	vcvt.f32.s32 v61;
	v61 =	vcvt.s32.f32 v19  }
0x9b: {  	[tilespmem:s29+$0xFFFFFFB0] =	vst v32;
	v34 =	vcvt.s32.f32 v7;
	v50 =	vsub.f32 v44, v50;
	v25 =	vadd.f32 v25, v38;
	v54 =	vld.idx.msk [tilespmem:v22+s23+$0x0], $0xffff  }
0x9c: {  	[tilespmem:s29+$0x20] =	vst v27;
	v48 =	vsub.f32 v37, v39;
	v32 =	vld.idx.msk [tilespmem:v15+s23+$0x0], $0xffff;
	v57 =	vsub.f32 v46, v61;
	v46 =	vcvt.s32.f32 v13  }
0x9d: {  	v31 =	vld.idx.msk [tilespmem:v14+s23+$0x0], $0xffff;
	[tilespmem:s29+$0x40] =	vst v25;
	v25 =	vmul.f32 v41, v53;
	v41 =	vsub.f32 v43, v60;
	v27 =	vcvt.s32.f32 v10  }
0x9e: {  	v38 =	vcvt.s32.f32 v8;
	v46 =	vsub.f32 v40, v46;
	v40 =	vld.idx.msk [tilespmem:v11+s23+$0x0], $0xffff;
	v26 =	vadd.f32 v26, v35  }
0x9f: {  	v44 =	vsub.f32 v42, v27;
	v27 =	vmul.f32 v57, v55;
	v42 =	vld.idx.msk [tilespmem:v9+s23+$0x0], $0xffff;
	v35 =	vsub.f32 v47, v63  }
0xa0: {  	s2 =	simm.s32 $0x100;
	s0 =	simm.s32 $0x8600;
	s19 =	simm.s32 $0x700;
	v47 =	vsub.f32 v52, v59;
	v39 =	vld.idx.msk [tilespmem:v10+s23+$0x0], $0xffff;
	[tilespmem:s29+$0x30] =	vst v26;
	v26 =	vmul.f32 v56, v54  }
.LBB2_4:
0xa1: {  	v43 =	vld [tilespmem:s19+$0x70];
	s2 =	sadd.s32 $0x100, s2;
	v37 =	vmul.f32 v36, v29;
	v23 =	vsub.f32 v23, v38;
	v16 =	vsub.f32 v16, v34  }
0xa2: {  	v38 =	vmul.f32 v35, v28;
	v36 =	vmul.f32 v51, v30;
	v52 =	vld [tilespmem:s19+$0xFFFFFF90];
	p0 =	slt.u32 s2, $0x3F00  }
0xa3: {  	v35 =	vmul.f32 v48, v31;
	v34 =	vmul.f32 v50, v32;
	v30 =	vld [tilespmem:s19+$0xFFFFFFA0]  }
0xa4: {  	v33 =	vmul.f32 v46, v33;
	v32 =	vmul.f32 v49, v45;
	v48 =	vld [tilespmem:s19+$0xFFFFFFB0]  }
0xa5: {  	v31 =	vmul.f32 v44, v39;
	v29 =	vmul.f32 v47, v40;
	v45 =	vld [tilespmem:s19+$0xFFFFFFC0]  }
0xa6: {  	v28 =	vmul.f32 v41, v42;
	v39 =	vld [tilespmem:s19+$0xFFFFFFD0];
	v40 =	vmul.f32 v43, v0  }
0xa7: {  	v6 =	vmul.f32 v3, v6;
	v3 =	vmov v23;
	v41 =	vmul.f32 v52, v0;
	v42 =	vld [tilespmem:s19+$0xFFFFFFE0]  }
0xa8: {  	v23 =	vmul.f32 v30, v0;
	v43 =	vld [tilespmem:s19+$0xFFFFFFF0];
	v40 =	vadd.f32 v40, v1;
	v30 =	vmul.f32 v2, v4;
	v2 =	vmovc v16  }
0xa9: {  	v6 =	vadd.f32 v6, v24;
	v4 =	vadd.f32 v41, v1;
	v16 =	vmul.f32 v48, v0;
	v41 =	vld [tilespmem:s19+$0x0]  }
0xaa: {  	v23 =	vadd.f32 v23, v1;
	v24 =	vmul.f32 v45, v0;
	v44 =	vld [tilespmem:s19+$0x10];
	v40 =	vmax.f32 v40, $0.0e+00  }
0xab: {  	v16 =	vadd.f32 v16, v1;
	v39 =	vmul.f32 v39, v0;
	v45 =	vld [tilespmem:s19+$0x20];
	v40 =	vmin.f32 v40, $3.779999690e+02;
	[tilespmem:s29+$0x50] =	vst v6  }
0xac: {  	v6 =	vadd.f32 v24, v1;
	v24 =	vmul.f32 v42, v0;
	v42 =	vld [tilespmem:s19+$0x30];
	v46 =	vtrunc.f32 v40  }
0xad: {  	v39 =	vadd.f32 v39, v1;
	v43 =	vmul.f32 v43, v0;
	v47 =	vld [tilespmem:s19+$0x40];
	v46 =	vcvt.f32.s32 v46  }
0xae: {  	v48 =	vmax.f32 v4, $0.0e+00;
	v24 =	vadd.f32 v24, v1;
	v4 =	vmul.f32 v41, v0;
	v41 =	vld [tilespmem:s19+$0x50]  }
0xaf: {  	v23 =	vmax.f32 v23, $0.0e+00;
	v43 =	vadd.f32 v43, v1;
	v44 =	vmul.f32 v44, v0;
	v49 =	vld [tilespmem:s19+$0x60]  }
0xb0: {  	v16 =	vmax.f32 v16, $0.0e+00;
	v50 =	vld [tilespmem:s19+$0xFFFFFF80];
	v51 =	vadd.f32 v4, v1;
	v4 =	vmul.f32 v45, v0  }
0xb1: {  	v45 =	vmax.f32 v6, $0.0e+00;
	v44 =	vadd.f32 v44, v1;
	v42 =	vmul.f32 v42, v0;
	v6 =	vld.idx.msk [tilespmem:v8+s23+$0x0], $0xffff  }
0xb2: {  	v39 =	vmax.f32 v39, $0.0e+00;
	v52 =	vadd.f32 v4, v1;
	v47 =	vmul.f32 v47, v0;
	v4 =	vld.idx.msk [tilespmem:v7+s23+$0x0], $0xffff  }
0xb3: {  	v24 =	vmax.f32 v24, $0.0e+00;
	v42 =	vadd.f32 v42, v1;
	v41 =	vmul.f32 v41, v0;
	v53 =	vld.idx.msk [tilespmem:v46+s23+$0x0], $0xffff  }
0xb4: {  	v43 =	vmax.f32 v43, $0.0e+00;
	v47 =	vadd.f32 v47, v1;
	v49 =	vmul.f32 v49, v0;
	v21 =	vld.idx.msk [tilespmem:v21+s4+$0x0], $0xffff  }
0xb5: {  	v54 =	vcvt.s32.f32 v46;
	v50 =	vmul.f32 v50, v0;
	v41 =	vadd.f32 v41, v1;
	v46 =	vld.idx.msk [tilespmem:v46+s4+$0x0], $0xffff  }
0xb6: {  	v51 =	vmax.f32 v51, $0.0e+00;
	v55 =	vmax.f32 v44, $0.0e+00;
	v44 =	vadd.f32 v49, v1;
	v22 =	vld.idx.msk [tilespmem:v22+s4+$0x0], $0xffff  }
0xb7: {  	v40 =	vsub.f32 v40, v54;
	v49 =	vadd.f32 v50, v1;
	v50 =	vmax.f32 v52, $0.0e+00;
	v19 =	vld.idx.msk [tilespmem:v19+s4+$0x0], $0xffff  }
0xb8: {  	v42 =	vmax.f32 v42, $0.0e+00;
	v52 =	vmax.f32 v47, $0.0e+00;
	v54 =	vmax.f32 v41, $0.0e+00;
	v20 =	vld.idx.msk [tilespmem:v20+s4+$0x0], $0xffff  }
0xb9: {  	v40 =	vmul.f32 v40, v53;
	v41 =	vmax.f32 v49, $0.0e+00;
	v49 =	vmax.f32 v44, $0.0e+00;
	v17 =	vld.idx.msk [tilespmem:v17+s4+$0x0], $0xffff  }
0xba: {  	v56 =	vmin.f32 v48, $3.779999690e+02;
	v57 =	vmin.f32 v23, $3.779999690e+02;
	v53 =	vmin.f32 v41, $3.779999690e+02;
	v18 =	vld.idx.msk [tilespmem:v18+s4+$0x0], $0xffff  }
0xbb: {  	v48 =	vmin.f32 v16, $3.779999690e+02;
	v47 =	vmin.f32 v45, $3.779999690e+02;
	v16 =	vadd.f32 v40, v46;
	v14 =	vld.idx.msk [tilespmem:v14+s4+$0x0], $0xffff  }
0xbc: {  	s30 =	sadd.s32 $0x100, s30;
	v45 =	vmin.f32 v39, $3.779999690e+02;
	v39 =	vmin.f32 v43, $3.779999690e+02;
	v46 =	vmin.f32 v24, $3.779999690e+02;
	v15 =	vld.idx.msk [tilespmem:v15+s4+$0x0], $0xffff  }
0xbd: {  	v44 =	vmin.f32 v51, $3.779999690e+02;
	v40 =	vmin.f32 v55, $3.779999690e+02;
	v41 =	vmin.f32 v50, $3.779999690e+02;
	[tilespmem:s30+$0x70] =	vst v16;
	v13 =	vld.idx.msk [tilespmem:v13+s4+$0x0], $0xffff  }
0xbe: {  	v42 =	vmin.f32 v42, $3.779999690e+02;
	v43 =	vmin.f32 v52, $3.779999690e+02;
	v23 =	vmin.f32 v54, $3.779999690e+02;
	v12 =	vld.idx.msk [tilespmem:v12+s4+$0x0], $0xffff  }
0xbf: {  	v51 =	vtrunc.f32 v56;
	v50 =	vtrunc.f32 v53;
	v16 =	vmin.f32 v49, $3.779999690e+02;
	v10 =	vld.idx.msk [tilespmem:v10+s4+$0x0], $0xffff  }
0xc0: {  	v52 =	vtrunc.f32 v48;
	v21 =	vadd.f32 v25, v21;
	v49 =	vtrunc.f32 v57;
	v11 =	vld.idx.msk [tilespmem:v11+s4+$0x0], $0xffff  }
0xc1: {  	v54 =	vtrunc.f32 v45;
	v25 =	vtrunc.f32 v47;
	v22 =	vadd.f32 v26, v22;
	v26 =	vld.idx.msk [tilespmem:v9+s4+$0x0], $0xffff  }
0xc2: {  	v55 =	vtrunc.f32 v39;
	v19 =	vadd.f32 v27, v19;
	v9 =	vtrunc.f32 v46;
	[tilespmem:s0+$0xFFFFFF80] =	vst v21;
	v24 =	vld.idx.msk [tilespmem:v8+s4+$0x0], $0xffff  }
0xc3: {  	v27 =	vtrunc.f32 v40;
	v20 =	vadd.f32 v37, v20;
	v8 =	vtrunc.f32 v44;
	[tilespmem:s0+$0xFFFFFF90] =	vst v22;
	v37 =	vld.idx.msk [tilespmem:v7+s4+$0x0], $0xffff  }
0xc4: {  	v58 =	vtrunc.f32 v42;
	v17 =	vadd.f32 v38, v17;
	v7 =	vtrunc.f32 v41;
	[tilespmem:s0+$0xFFFFFFA0] =	vst v19  }
0xc5: {  	v59 =	vtrunc.f32 v23;
	v38 =	vtrunc.f32 v43;
	v18 =	vadd.f32 v36, v18;
	[tilespmem:s0+$0xFFFFFFB0] =	vst v20  }
0xc6: {  	v36 =	vtrunc.f32 v16;
	v14 =	vadd.f32 v35, v14;
	v21 =	vcvt.f32.s32 v50;
	[tilespmem:s0+$0xFFFFFFC0] =	vst v17  }
0xc7: {  	v15 =	vadd.f32 v34, v15;
	v22 =	vcvt.f32.s32 v51;
	v19 =	vcvt.f32.s32 v49;
	[tilespmem:s0+$0xFFFFFFD0] =	vst v18  }
0xc8: {  	v20 =	vcvt.f32.s32 v52;
	v17 =	vcvt.f32.s32 v25;
	v25 =	vadd.f32 v33, v13;
	[tilespmem:s0+$0xFFFFFFE0] =	vst v14  }
0xc9: {  	v18 =	vcvt.f32.s32 v54;
	v14 =	vcvt.f32.s32 v9;
	v9 =	vadd.f32 v32, v12;
	[tilespmem:s0+$0xFFFFFFF0] =	vst v15  }
0xca: {  	v13 =	vcvt.f32.s32 v8;
	v8 =	vadd.f32 v31, v10;
	v15 =	vcvt.f32.s32 v55;
	[tilespmem:s0+$0x0] =	vst v25  }
0xcb: {  	v10 =	vcvt.f32.s32 v7;
	v12 =	vcvt.f32.s32 v27;
	v25 =	vadd.f32 v29, v11;
	[tilespmem:s0+$0x10] =	vst v9  }
0xcc: {  	v26 =	vadd.f32 v28, v26;
	v11 =	vcvt.f32.s32 v58;
	v9 =	vcvt.f32.s32 v38;
	v27 =	vld.idx.msk [tilespmem:v21+s23+$0x0], $0xffff;
	[tilespmem:s0+$0x20] =	vst v8  }
0xcd: {  	v7 =	vcvt.f32.s32 v36;
	v8 =	vcvt.f32.s32 v59;
	v49 =	vld.idx.msk [tilespmem:v22+s23+$0x0], $0xffff;
	[tilespmem:s0+$0x30] =	vst v25;
	v25 =	vadd.f32 v30, v5;
	v5 =	vmovc v37  }
0xce: {  	v28 =	vcvt.s32.f32 v21;
	v30 =	vcvt.s32.f32 v22;
	v37 =	vld.idx.msk [tilespmem:v19+s23+$0x0], $0xffff;
	[tilespmem:s0+$0x40] =	vst v26  }
0xcf: {  	v32 =	vcvt.s32.f32 v20;
	v26 =	vcvt.s32.f32 v19;
	v29 =	vld.idx.msk [tilespmem:v20+s23+$0x0], $0xffff;
	[tilespmem:s29+$0x60] =	vst v25;
	s29 =	smov.u32 s0;
	s0 =	smov.u32 s30  }
0xd0: {  	v33 =	vcvt.s32.f32 v17;
	v34 =	vcvt.s32.f32 v18;
	v25 =	vsub.f32 v53, v28;
	v28 =	vld.idx.msk [tilespmem:v17+s23+$0x0], $0xffff  }
0xd1: {  	v50 =	vcvt.s32.f32 v14;
	v52 =	vsub.f32 v56, v30;
	v53 =	vcvt.s32.f32 v15;
	v30 =	vld.idx.msk [tilespmem:v18+s23+$0x0], $0xffff  }
0xd2: {  	v55 =	vcvt.s32.f32 v12;
	v54 =	vsub.f32 v57, v26;
	v26 =	vcvt.s32.f32 v13;
	v31 =	vld.idx.msk [tilespmem:v14+s23+$0x0], $0xffff  }
0xd3: {  	v36 =	vsub.f32 v48, v32;
	v56 =	vcvt.s32.f32 v10;
	v57 =	vcvt.s32.f32 v11;
	v32 =	vld.idx.msk [tilespmem:v15+s23+$0x0], $0xffff  }
.Ltmp1:
0xd4: {  	v35 =	vsub.f32 v47, v33;
	v58 =	vcvt.s32.f32 v9;
	v38 =	vcvt.s32.f32 v8;
	v33 =	vld.idx.msk [tilespmem:v13+s23+$0x0], $0xffff;
	(pc) =	sbr.rel @p0 .LBB2_4-.Ltmp1, $4  }
0xd5: {  	v51 =	vsub.f32 v45, v34;
	v34 =	vcvt.s32.f32 v7;
	v48 =	vsub.f32 v46, v50;
	v45 =	vld.idx.msk [tilespmem:v12+s23+$0x0], $0xffff  }
0xd6: {  	v25 =	vmul.f32 v25, v27;
	v50 =	vsub.f32 v39, v53;
	v46 =	vsub.f32 v44, v26;
	v39 =	vld.idx.msk [tilespmem:v10+s23+$0x0], $0xffff  }
0xd7: {  	v26 =	vmul.f32 v52, v49;
	v49 =	vsub.f32 v40, v55;
	v44 =	vsub.f32 v41, v56;
	v40 =	vld.idx.msk [tilespmem:v11+s23+$0x0], $0xffff  }
0xd8: {  	s19 =	sadd.s32 $0x100, s19;
	v47 =	vsub.f32 v42, v57;
	v41 =	vsub.f32 v43, v58;
	v27 =	vmul.f32 v54, v37;
	v42 =	vld.idx.msk [tilespmem:v9+s23+$0x0], $0xffff  }
0xd9: {  	_ =	sdelay $0x3  }
0xda: {  	v37 =	vld.idx.msk [tilespmem:v8+s23+$0x0], $0xffff  }
0xdb: {  	v21 =	vld.idx.msk [tilespmem:v21+s4+$0x0], $0xffff  }
0xdc: {  	v22 =	vld.idx.msk [tilespmem:v22+s4+$0x0], $0xffff  }
0xdd: {  	v3 =	vmul.f32 v3, v6;
	v6 =	vld.idx.msk [tilespmem:v19+s4+$0x0], $0xffff  }
0xde: {  	v19 =	vld.idx.msk [tilespmem:v20+s4+$0x0], $0xffff  }
0xdf: {  	v17 =	vld.idx.msk [tilespmem:v17+s4+$0x0], $0xffff  }
0xe0: {  	v18 =	vld.idx.msk [tilespmem:v18+s4+$0x0], $0xffff  }
0xe1: {  	v15 =	vld.idx.msk [tilespmem:v15+s4+$0x0], $0xffff;
	v3 =	vadd.f32 v3, v24  }
0xe2: {  	v20 =	vmul.f32 v36, v29;
	v13 =	vld.idx.msk [tilespmem:v13+s4+$0x0], $0xffff;
	v21 =	vadd.f32 v25, v21  }
0xe3: {  	v23 =	vsub.f32 v23, v38;
	[tilespmem:s29+$0x50] =	vst v3;
	v3 =	vld.idx.msk [tilespmem:v14+s4+$0x0], $0xffff;
	v14 =	vadd.f32 v26, v22  }
0xe4: {  	v12 =	vld.idx.msk [tilespmem:v12+s4+$0x0], $0xffff;
	v22 =	vmul.f32 v35, v28;
	v6 =	vadd.f32 v27, v6;
	[tilespmem:s0+$0xFFFFFF80] =	vst v21  }
0xe5: {  	v10 =	vld.idx.msk [tilespmem:v10+s4+$0x0], $0xffff;
	v21 =	vmul.f32 v51, v30;
	[tilespmem:s0+$0xFFFFFF90] =	vst v14;
	v14 =	vadd.f32 v20, v19  }
0xe6: {  	v11 =	vld.idx.msk [tilespmem:v11+s4+$0x0], $0xffff;
	v19 =	vmul.f32 v48, v31;
	[tilespmem:s0+$0xFFFFFFA0] =	vst v6;
	v6 =	vadd.f32 v22, v17  }
0xe7: {  	v2 =	vmul.f32 v2, v4;
	v17 =	vmul.f32 v50, v32;
	[tilespmem:s0+$0xFFFFFFB0] =	vst v14;
	v14 =	vadd.f32 v21, v18  }
0xe8: {  	v9 =	vld.idx.msk [tilespmem:v9+s4+$0x0], $0xffff;
	v18 =	vmul.f32 v46, v33;
	[tilespmem:s0+$0xFFFFFFC0] =	vst v6;
	v3 =	vadd.f32 v19, v3  }
0xe9: {  	v2 =	vadd.f32 v2, v5;
	v6 =	vmul.f32 v49, v45;
	[tilespmem:s0+$0xFFFFFFD0] =	vst v14;
	v14 =	vadd.f32 v17, v15  }
0xea: {  	v15 =	vmul.f32 v44, v39;
	v17 =	vld.idx.msk [tilespmem:v7+s23+$0x0], $0xffff;
	[tilespmem:s0+$0xFFFFFFE0] =	vst v3;
	v3 =	vadd.f32 v18, v13  }
0xeb: {  	v8 =	vld.idx.msk [tilespmem:v8+s4+$0x0], $0xffff;
	[tilespmem:s29+$0x60] =	vst v2;
	v13 =	vmul.f32 v47, v40;
	v6 =	vadd.f32 v6, v12  }
0xec: {  	v12 =	vmul.f32 v41, v42;
	v7 =	vld.idx.msk [tilespmem:v7+s4+$0x0], $0xffff;
	[tilespmem:s0+$0x0] =	vst v3;
	v3 =	vadd.f32 v15, v10  }
0xed: {  	v10 =	vsub.f32 v16, v34;
	[tilespmem:s0+$0x10] =	vst v6;
	v4 =	vadd.f32 v13, v11  }
0xee: {  	v6 =	vmul.f32 v23, v37;
	[tilespmem:s0+$0x20] =	vst v3;
	v3 =	vadd.f32 v12, v9  }
0xef: {  	[tilespmem:s0+$0x30] =	vst v4;
	v4 =	vmul.f32 v10, v17  }
0xf0: {  	[tilespmem:s0+$0x40] =	vst v3;
	v3 =	vadd.f32 v6, v8  }
0xf1: {  	[tilespmem:s0+$0xFFFFFFF0] =	vst v14;
	v2 =	vadd.f32 v4, v7  }
0xf2: {  	[tilespmem:s0+$0x50] =	vst v3  }
0xf3: {  	s31 =	simm.s32 $0x0;
	[tilespmem:s0+$0x60] =	vst v2  }
0xf4: {  	[hbm4b:s10+s31] =	stream.linear.scatter [tilespmem:s24], [sflag:$0x2], $0x4000, $0x38;
	[tilespmem:$0x10480] =	vst v63  }
0xf5: {  	_ = 	snop  }
0xf6: {  	[tilespmem:s20], [sflag:$0x1] =	stream.linear.gather [hbm4b:s11+s31], $0x4000, $0x38;
	[tilespmem:$0x10480] =	vst v63  }
0xf7: {  	_ =	swait.ge [sflag:s22], $0x4000  }
0xf8: {  	[sflag:s22] =	ssyncset.done $0x0  }
0xf9: {  	s29 =	simm.s32 $0x0;
	[sflag:s22] =	ssyncadd.s32 $0xFFFFC000  }
0xfa: {  	v2 =	vld [tilespmem:s29+$0x4570]  }
0xfb: {  	v3 =	vld [tilespmem:s29+$0x4480]  }
0xfc: {  	v4 =	vld [tilespmem:s29+$0x4490]  }
0xfd: {  	v5 =	vld [tilespmem:s29+$0x44A0]  }
0xfe: {  	v6 =	vld [tilespmem:s29+$0x44B0]  }
0xff: {  	v7 =	vld [tilespmem:s29+$0x44C0]  }
0x100: {  	v8 =	vld [tilespmem:s29+$0x44D0]  }
0x101: {  	v9 =	vld [tilespmem:s29+$0x44E0]  }
0x102: {  	v10 =	vld [tilespmem:s29+$0x44F0]  }
0x103: {  	v11 =	vld [tilespmem:s29+$0x4500]  }
0x104: {  	v12 =	vld [tilespmem:s29+$0x4510];
	v2 =	vmul.f32 v2, v0;
	v3 =	vmul.f32 v3, v0  }
0x105: {  	v13 =	vld [tilespmem:s29+$0x4520];
	v4 =	vmul.f32 v4, v0;
	v5 =	vmul.f32 v5, v0  }
0x106: {  	v15 =	vld [tilespmem:s29+$0x4530];
	v6 =	vmul.f32 v6, v0;
	v7 =	vmul.f32 v7, v0  }
0x107: {  	v16 =	vld [tilespmem:s29+$0x4540];
	v8 =	vmul.f32 v8, v0;
	v9 =	vmul.f32 v9, v0  }
0x108: {  	v17 =	vld [tilespmem:s29+$0x4550];
	v10 =	vmul.f32 v10, v0;
	v11 =	vmul.f32 v11, v0  }
0x109: {  	v18 =	vld [tilespmem:s29+$0x4560];
	v12 =	vmul.f32 v12, v0;
	v2 =	vadd.f32 v2, v1;
	v3 =	vadd.f32 v3, v1  }
0x10a: {  	v13 =	vmul.f32 v13, v0;
	v4 =	vadd.f32 v4, v1;
	v5 =	vadd.f32 v5, v1  }
0x10b: {  	v15 =	vmul.f32 v15, v0;
	v6 =	vadd.f32 v6, v1;
	v7 =	vadd.f32 v7, v1  }
0x10c: {  	v16 =	vmul.f32 v16, v0;
	v8 =	vadd.f32 v8, v1;
	v9 =	vadd.f32 v9, v1  }
0x10d: {  	v17 =	vmul.f32 v17, v0;
	v10 =	vadd.f32 v10, v1;
	v11 =	vadd.f32 v11, v1  }
0x10e: {  	v18 =	vmul.f32 v18, v0;
	v12 =	vadd.f32 v12, v1;
	v13 =	vadd.f32 v13, v1  }
0x10f: {  	v15 =	vadd.f32 v15, v1;
	v16 =	vadd.f32 v16, v1  }
0x110: {  	v17 =	vadd.f32 v17, v1;
	v18 =	vadd.f32 v18, v1;
	v2 =	vmax.f32 v2, $0.0e+00  }
0x111: {  	v3 =	vmax.f32 v3, $0.0e+00;
	v4 =	vmax.f32 v4, $0.0e+00;
	v5 =	vmax.f32 v5, $0.0e+00  }
0x112: {  	v6 =	vmax.f32 v6, $0.0e+00;
	v7 =	vmax.f32 v7, $0.0e+00;
	v8 =	vmax.f32 v8, $0.0e+00  }
0x113: {  	v9 =	vmax.f32 v9, $0.0e+00;
	v10 =	vmax.f32 v10, $0.0e+00;
	v2 =	vmin.f32 v2, $3.779999690e+02  }
0x114: {  	v11 =	vmax.f32 v11, $0.0e+00;
	v12 =	vmax.f32 v12, $0.0e+00;
	v14 =	vtrunc.f32 v2  }
0x115: {  	v13 =	vmax.f32 v13, $0.0e+00;
	v16 =	vmax.f32 v16, $0.0e+00;
	v14 =	vcvt.f32.s32 v14  }
0x116: {  	v17 =	vmax.f32 v17, $0.0e+00;
	v22 =	vmax.f32 v18, $0.0e+00;
	v3 =	vmin.f32 v3, $3.779999690e+02  }
0x117: {  	v4 =	vmin.f32 v4, $3.779999690e+02;
	v23 =	vmin.f32 v5, $3.779999690e+02;
	v6 =	vmin.f32 v6, $3.779999690e+02  }
0x118: {  	v24 =	vmin.f32 v7, $3.779999690e+02;
	v25 =	vmin.f32 v8, $3.779999690e+02;
	v5 =	vtrunc.f32 v3  }
0x119: {  	v26 =	vmin.f32 v9, $3.779999690e+02;
	v7 =	vtrunc.f32 v4;
	v8 =	vtrunc.f32 v23  }
0x11a: {  	v27 =	vmin.f32 v10, $3.779999690e+02;
	v9 =	vtrunc.f32 v6;
	v10 =	vtrunc.f32 v24  }
0x11b: {  	v29 =	vmin.f32 v11, $3.779999690e+02;
	v28 =	vtrunc.f32 v25;
	v21 =	vcvt.f32.s32 v5;
	v19 =	vld.idx.msk [tilespmem:v14+s23+$0x0], $0xffff  }
0x11c: {  	v35 =	vmin.f32 v16, $3.779999690e+02;
	v18 =	vcvt.f32.s32 v9;
	v20 =	vcvt.s32.f32 v14  }
0x11d: {  	v36 =	vmin.f32 v17, $3.779999690e+02;
	v11 =	vtrunc.f32 v26;
	v16 =	vcvt.f32.s32 v10  }
0x11e: {  	v30 =	vtrunc.f32 v27;
	v17 =	vcvt.f32.s32 v28;
	v2 =	vsub.f32 v2, v20  }
0x11f: {  	v31 =	vmin.f32 v12, $3.779999690e+02;
	v12 =	vtrunc.f32 v29;
	v20 =	vcvt.f32.s32 v7;
	v58 =	vld.idx.msk [tilespmem:v14+s4+$0x0], $0xffff  }
0x120: {  	v15 =	vmax.f32 v15, $0.0e+00;
	v2 =	vmul.f32 v2, v19;
	v19 =	vcvt.f32.s32 v8  }
0x121: {  	v37 =	vmin.f32 v22, $3.779999690e+02;
	v5 =	vtrunc.f32 v31;
	v14 =	vcvt.f32.s32 v11;
	v38 =	vld.idx.msk [tilespmem:v21+s23+$0x0], $0xffff  }
0x122: {  	v32 =	vmin.f32 v13, $3.779999690e+02;
	v28 =	vtrunc.f32 v37;
	v13 =	vcvt.f32.s32 v30;
	v40 =	vld.idx.msk [tilespmem:v18+s23+$0x0], $0xffff  }
0x123: {  	v33 =	vmin.f32 v15, $3.779999690e+02;
	v12 =	vcvt.f32.s32 v12;
	v9 =	vcvt.f32.s32 v28;
	v28 =	vld.idx.msk [tilespmem:v16+s23+$0x0], $0xffff  }
0x124: {  	v7 =	vtrunc.f32 v32;
	v11 =	vcvt.f32.s32 v5;
	v42 =	vld.idx.msk [tilespmem:v17+s23+$0x0], $0xffff;
	v2 =	vadd.f32 v2, v58  }
0x125: {  	v10 =	vcvt.f32.s32 v7;
	v30 =	vld.idx.msk [tilespmem:v20+s23+$0x0], $0xffff;
	v8 =	vtrunc.f32 v33  }
0x126: {  	v15 =	vtrunc.f32 v35;
	v8 =	vcvt.f32.s32 v8;
	v39 =	vld.idx.msk [tilespmem:v19+s23+$0x0], $0xffff;
	[tilespmem:$0x1FFC0] =	vst v2  }
0x127: {  	v15 =	vcvt.f32.s32 v15;
	v43 =	vld.idx.msk [tilespmem:v14+s23+$0x0], $0xffff  }
0x128: {  	v22 =	vtrunc.f32 v36;
	v60 =	vcvt.s32.f32 v18;
	v45 =	vld.idx.msk [tilespmem:v13+s23+$0x0], $0xffff  }
0x129: {  	v61 =	vcvt.s32.f32 v17;
	v46 =	vcvt.s32.f32 v13;
	v47 =	vld.idx.msk [tilespmem:v12+s23+$0x0], $0xffff  }
0x12a: {  	v5 =	vcvt.f32.s32 v22;
	v22 =	vcvt.s32.f32 v21;
	v57 =	vld.idx.msk [tilespmem:v11+s23+$0x0], $0xffff;
	[tilespmem:$0x1FFD0] =	vst v8  }
0x12b: {  	v6 =	vsub.f32 v6, v60;
	v59 =	vcvt.s32.f32 v20;
	v62 =	vcvt.s32.f32 v14;
	v60 =	vld.idx.msk [tilespmem:v10+s23+$0x0], $0xffff  }
0x12c: {  	v25 =	vsub.f32 v25, v61;
	v3 =	vsub.f32 v3, v22;
	v22 =	vcvt.s32.f32 v16;
	v54 =	vld.idx.msk [tilespmem:v8+s23+$0x0], $0xffff  }
0x12d: {  	s30 =	simm.s32 $0x100;
	v4 =	vsub.f32 v4, v59;
	v63 =	vcvt.s32.f32 v11;
	v26 =	vsub.f32 v26, v62;
	v62 =	vld.idx.msk [tilespmem:v15+s23+$0x0], $0xffff  }
0x12e: {  	v24 =	vsub.f32 v24, v22;
	v38 =	vmul.f32 v3, v38;
	v3 =	vsub.f32 v27, v46;
	v27 =	vld [tilespmem:s30+$0x4570]  }
0x12f: {  	v59 =	vcvt.s32.f32 v8;
	v46 =	vmul.f32 v4, v30;
	v4 =	vsub.f32 v31, v63;
	v63 =	vld [tilespmem:s30+$0x4480]  }
0x130: {  	v52 =	vcvt.s32.f32 v15;
	v22 =	vmul.f32 v6, v40;
	v6 =	vld [tilespmem:s30+$0x4490]  }
0x131: {  	v34 =	vmul.f32 v24, v28;
	v24 =	vsub.f32 v33, v59;
	v33 =	vmul.f32 v25, v42;
	v25 =	vld [tilespmem:s30+$0x44A0]  }
0x132: {  	v35 =	vsub.f32 v35, v52;
	v52 =	vld [tilespmem:s30+$0x44D0]  }
0x133: {  	v2 =	vcvt.s32.f32 v19;
	v55 =	vld [tilespmem:s30+$0x44F0]  }
0x134: {  	v21 =	vld.idx.msk [tilespmem:v21+s4+$0x0], $0xffff  }
0x135: {  	v2 =	vsub.f32 v23, v2;
	v23 =	vcvt.s32.f32 v12;
	v20 =	vld.idx.msk [tilespmem:v20+s4+$0x0], $0xffff  }
0x136: {  	v61 =	vcvt.s32.f32 v9;
	v58 =	vcvt.s32.f32 v10;
	v19 =	vld.idx.msk [tilespmem:v19+s4+$0x0], $0xffff  }
0x137: {  	v53 =	vcvt.s32.f32 v5;
	v18 =	vld.idx.msk [tilespmem:v18+s4+$0x0], $0xffff;
	v23 =	vsub.f32 v29, v23;
	v39 =	vmul.f32 v2, v39  }
0x138: {  	v17 =	vld.idx.msk [tilespmem:v17+s4+$0x0], $0xffff;
	v29 =	vsub.f32 v32, v58;
	v26 =	vmul.f32 v26, v43;
	v32 =	vmul.f32 v3, v45  }
0x139: {  	v13 =	vld.idx.msk [tilespmem:v13+s4+$0x0], $0xffff;
	v31 =	vmul.f32 v23, v47;
	v30 =	vmul.f32 v4, v57  }
0x13a: {  	v58 =	vld [tilespmem:s30+$0x4520];
	v2 =	vsub.f32 v37, v61;
	v27 =	vmul.f32 v27, v0;
	v29 =	vmul.f32 v29, v60  }
0x13b: {  	v61 =	vld [tilespmem:s30+$0x4540];
	v3 =	vsub.f32 v36, v53;
	v51 =	vmul.f32 v63, v0;
	v28 =	vmul.f32 v24, v54  }
0x13c: {  	v23 =	vld [tilespmem:s30+$0x44B0];
	v6 =	vmul.f32 v6, v0;
	v38 =	vadd.f32 v38, v21;
	v46 =	vadd.f32 v46, v20  }
0x13d: {  	v4 =	vld [tilespmem:s30+$0x44C0];
	v25 =	vmul.f32 v25, v0;
	v39 =	vadd.f32 v39, v19;
	v7 =	vadd.f32 v22, v18  }
0x13e: {  	v57 =	vld [tilespmem:s30+$0x4510];
	v37 =	vmul.f32 v52, v0;
	v33 =	vadd.f32 v33, v17;
	v32 =	vadd.f32 v32, v13  }
0x13f: {  	v45 =	vld.idx.msk [tilespmem:v16+s4+$0x0], $0xffff;
	v36 =	vmul.f32 v55, v0;
	v53 =	vadd.f32 v27, v1;
	v54 =	vadd.f32 v51, v1  }
0x140: {  	v24 =	vld [tilespmem:s30+$0x44E0];
	v27 =	vmul.f32 v35, v62;
	v6 =	vadd.f32 v6, v1;
	v25 =	vadd.f32 v25, v1  }
0x141: {  	v60 =	vld [tilespmem:s30+$0x4530];
	v37 =	vadd.f32 v37, v1;
	v36 =	vadd.f32 v36, v1;
	v43 =	vmul.f32 v58, v0  }
0x142: {  	v55 =	vmul.f32 v61, v0;
	v23 =	vmul.f32 v23, v0;
	v40 =	vmax.f32 v53, $0.0e+00  }
0x143: {  	v4 =	vmul.f32 v4, v0;
	v35 =	vmax.f32 v54, $0.0e+00;
	v48 =	vmax.f32 v6, $0.0e+00  }
0x144: {  	v56 =	vld [tilespmem:s30+$0x4500];
	v25 =	vmax.f32 v25, $0.0e+00;
	v42 =	vmul.f32 v57, v0;
	v43 =	vadd.f32 v43, v1  }
0x145: {  	v62 =	vld [tilespmem:s30+$0x4550];
	v36 =	vmax.f32 v36, $0.0e+00;
	v34 =	vadd.f32 v34, v45;
	v40 =	vmin.f32 v40, $3.779999690e+02  }
0x146: {  	v63 =	vld [tilespmem:s30+$0x4560];
	v24 =	vmul.f32 v24, v0;
	v54 =	vmul.f32 v60, v0;
	v58 =	vadd.f32 v55, v1  }
0x147: {  	v35 =	vmin.f32 v35, $3.779999690e+02;
	v47 =	vmin.f32 v48, $3.779999690e+02;
	v48 =	vmin.f32 v25, $3.779999690e+02  }
0x148: {  	v55 =	vmin.f32 v36, $3.779999690e+02;
	v23 =	vadd.f32 v23, v1;
	v59 =	vtrunc.f32 v40  }
0x149: {  	v4 =	vadd.f32 v4, v1;
	v36 =	vtrunc.f32 v35;
	v44 =	vcvt.f32.s32 v59  }
0x14a: {  	v6 =	vadd.f32 v24, v1;
	v24 =	vmul.f32 v56, v0;
	v41 =	vmul.f32 v62, v0  }
0x14b: {  	v43 =	vmax.f32 v43, $0.0e+00;
	v59 =	vmul.f32 v63, v0;
	v22 =	vcvt.f32.s32 v36  }
0x14c: {  	v23 =	vmax.f32 v23, $0.0e+00;
	v50 =	vmax.f32 v4, $0.0e+00;
	v4 =	vadd.f32 v42, v1  }
0x14d: {  	v42 =	vmax.f32 v58, $0.0e+00;
	v58 =	vtrunc.f32 v55;
	v24 =	vadd.f32 v24, v1  }
0x14e: {  	v57 =	vmax.f32 v6, $0.0e+00;
	v6 =	vadd.f32 v54, v1;
	v60 =	vcvt.s32.f32 v44  }
0x14f: {  	v41 =	vadd.f32 v41, v1;
	v53 =	vmin.f32 v23, $3.779999690e+02;
	v50 =	vmin.f32 v50, $3.779999690e+02  }
0x150: {  	v25 =	vmin.f32 v42, $3.779999690e+02;
	v42 =	vtrunc.f32 v48;
	v61 =	vmax.f32 v4, $0.0e+00  }
0x151: {  	v4 =	vadd.f32 v59, v1;
	v54 =	vmin.f32 v57, $3.779999690e+02;
	v57 =	vmin.f32 v43, $3.779999690e+02  }
0x152: {  	v43 =	vtrunc.f32 v53;
	v19 =	vcvt.f32.s32 v42;
	v40 =	vsub.f32 v40, v60;
	v56 =	vld.idx.msk [tilespmem:v44+s23+$0x0], $0xffff  }
0x153: {  	v14 =	vld.idx.msk [tilespmem:v14+s4+$0x0], $0xffff;
	v41 =	vmax.f32 v41, $0.0e+00;
	v52 =	vmin.f32 v61, $3.779999690e+02;
	v49 =	vtrunc.f32 v54  }
0x154: {  	v61 =	vtrunc.f32 v57;
	v20 =	vcvt.f32.s32 v43;
	v63 =	vmax.f32 v4, $0.0e+00;
	v44 =	vld.idx.msk [tilespmem:v44+s4+$0x0], $0xffff  }
0x155: {  	v18 =	vld [tilespmem:$0x1FFC0];
	v23 =	vmin.f32 v41, $3.779999690e+02;
	v41 =	vtrunc.f32 v50;
	v60 =	vtrunc.f32 v52  }
0x156: {  	v12 =	vld.idx.msk [tilespmem:v12+s4+$0x0], $0xffff;
	v16 =	vmin.f32 v63, $3.779999690e+02;
	v63 =	vtrunc.f32 v25;
	v8 =	vtrunc.f32 v23  }
0x157: {  	v11 =	vld.idx.msk [tilespmem:v11+s4+$0x0], $0xffff;
	v24 =	vmax.f32 v24, $0.0e+00;
	v17 =	vcvt.f32.s32 v41;
	v40 =	vmul.f32 v40, v56  }
0x158: {  	v45 =	vld.idx.msk [tilespmem:v10+s4+$0x0], $0xffff;
	v62 =	vmax.f32 v6, $0.0e+00;
	v36 =	vtrunc.f32 v16;
	v8 =	vcvt.f32.s32 v8  }
0x159: {  	v6 =	vld.idx.msk [tilespmem:v5+s23+$0x0], $0xffff;
	v56 =	vmin.f32 v24, $3.779999690e+02;
	v24 =	vmin.f32 v62, $3.779999690e+02;
	v40 =	vadd.f32 v40, v44  }
0x15a: {  	v37 =	vmax.f32 v37, $0.0e+00;
	[tilespmem:s29+$0xC570] =	vst v18;
	v4 =	vld.idx.msk [tilespmem:v9+s23+$0x0], $0xffff;
	v59 =	vtrunc.f32 v56;
	v62 =	vtrunc.f32 v24  }
0x15b: {  	v42 =	vld.idx.msk [tilespmem:v22+s23+$0x0], $0xffff;
	v44 =	vmin.f32 v37, $3.779999690e+02;
	v37 =	vtrunc.f32 v47;
	v13 =	vcvt.f32.s32 v59;
	[tilespmem:s30+$0xC570] =	vst v40  }
0x15c: {  	v41 =	vadd.f32 v30, v11;
	v11 =	vcvt.f32.s32 v62;
	v62 =	vcvt.s32.f32 v19;
	v10 =	vld [tilespmem:$0x1FFD0]  }
0x15d: {  	v30 =	vld.idx.msk [tilespmem:v20+s23+$0x0], $0xffff;
	v51 =	vtrunc.f32 v44;
	v21 =	vcvt.f32.s32 v37  }
0x15e: {  	v40 =	vadd.f32 v26, v14;
	v18 =	vcvt.f32.s32 v51;
	v14 =	vcvt.f32.s32 v49;
	v26 =	vld.idx.msk [tilespmem:v5+s4+$0x0], $0xffff;
	[tilespmem:s29+$0xC480] =	vst v38  }
0x15f: {  	v5 =	vld.idx.msk [tilespmem:v9+s4+$0x0], $0xffff;
	v51 =	vadd.f32 v31, v12;
	v12 =	vcvt.f32.s32 v60;
	v9 =	vcvt.f32.s32 v63;
	[tilespmem:s29+$0xC490] =	vst v46  }
0x160: {  	v31 =	vld.idx.msk [tilespmem:v19+s23+$0x0], $0xffff;
	v63 =	vcvt.s32.f32 v20;
	[tilespmem:s29+$0xC4C0] =	vst v34;
	v34 =	vadd.f32 v29, v45;
	v29 =	vcvt.s32.f32 v22  }
0x161: {  	v38 =	vld.idx.msk [tilespmem:v15+s4+$0x0], $0xffff;
	v15 =	vcvt.f32.s32 v58;
	[tilespmem:s29+$0xC4B0] =	vst v7;
	v7 =	vcvt.f32.s32 v36  }
0x162: {  	[tilespmem:s29+$0xC4A0] =	vst v39;
	v39 =	vcvt.s32.f32 v8;
	v45 =	vcvt.s32.f32 v18;
	v43 =	vsub.f32 v35, v29;
	v29 =	vld.idx.msk [tilespmem:v17+s23+$0x0], $0xffff  }
0x163: {  	[tilespmem:s29+$0xC510] =	vst v41;
	v46 =	vcvt.s32.f32 v14;
	v35 =	vcvt.s32.f32 v17;
	v41 =	vld.idx.msk [tilespmem:v11+s23+$0x0], $0xffff  }
0x164: {  	[tilespmem:s29+$0xC4E0] =	vst v40;
	v40 =	vcvt.s32.f32 v11;
	v60 =	vcvt.s32.f32 v15;
	v37 =	vld.idx.msk [tilespmem:v10+s4+$0x0], $0xffff  }
0x165: {  	[tilespmem:s29+$0xC4D0] =	vst v33;
	v46 =	vsub.f32 v54, v46;
	v58 =	vld.idx.msk [tilespmem:v21+s23+$0x0], $0xffff;
	v36 =	vsub.f32 v50, v35;
	v10 =	vcvt.f32.s32 v61  }
0x166: {  	[tilespmem:s29+$0xC4F0] =	vst v32;
	v50 =	vsub.f32 v44, v45;
	v49 =	vsub.f32 v55, v60;
	v32 =	vld.idx.msk [tilespmem:v18+s23+$0x0], $0xffff;
	v61 =	vcvt.s32.f32 v21  }
0x167: {  	[tilespmem:s29+$0xC500] =	vst v51;
	v51 =	vcvt.s32.f32 v9;
	v27 =	vadd.f32 v27, v38;
	v38 =	vsub.f32 v48, v62;
	v33 =	vld.idx.msk [tilespmem:v14+s23+$0x0], $0xffff  }
0x168: {  	[tilespmem:s29+$0xC520] =	vst v34;
	v62 =	vcvt.s32.f32 v12;
	v45 =	vld.idx.msk [tilespmem:v12+s23+$0x0], $0xffff;
	v59 =	vsub.f32 v47, v61;
	v61 =	vcvt.s32.f32 v13  }
0x169: {  	v34 =	vld.idx.msk [tilespmem:v15+s23+$0x0], $0xffff;
	[tilespmem:s29+$0xC540] =	vst v27;
	v28 =	vadd.f32 v28, v37;
	v37 =	vsub.f32 v53, v63;
	v63 =	vcvt.s32.f32 v10  }
0x16a: {  	v27 =	vmul.f32 v43, v42;
	v48 =	vsub.f32 v52, v62;
	v47 =	vld.idx.msk [tilespmem:v13+s23+$0x0], $0xffff;
	v44 =	vsub.f32 v56, v61  }
0x16b: {  	s2 =	simm.s32 $0x800;
	s0 =	simm.s32 $0x100;
	v35 =	vcvt.s32.f32 v7;
	v43 =	vld.idx.msk [tilespmem:v10+s23+$0x0], $0xffff;
	[tilespmem:s29+$0xC530] =	vst v28;
	v28 =	vmul.f32 v59, v58;
	v42 =	vsub.f32 v57, v63  }
.LBB2_6:
0x16c: {  	s19 =	sshra.s32 s2, $0x2;
	s0 =	sadd.s32 $0x100, s0;
	v38 =	vmul.f32 v38, v31;
	v24 =	vsub.f32 v24, v40;
	v25 =	vsub.f32 v25, v51;
	v31 =	vld.idx.msk [tilespmem:v9+s23+$0x0], $0xffff  }
0x16d: {  	v40 =	vmul.f32 v37, v30;
	v23 =	vsub.f32 v23, v39;
	v16 =	vsub.f32 v16, v35;
	v51 =	vld [tilespmem:s19+$0x4570];
	p0 =	slt.u32 s0, $0x3F00  }
0x16e: {  	v39 =	vmul.f32 v36, v29;
	v37 =	vmul.f32 v50, v32;
	v52 =	vld [tilespmem:s19+$0x4480]  }
0x16f: {  	v36 =	vmul.f32 v46, v33;
	v35 =	vmul.f32 v49, v34;
	v50 =	vld [tilespmem:s19+$0x4490]  }
0x170: {  	v34 =	vmul.f32 v44, v47;
	v33 =	vmul.f32 v48, v45;
	v46 =	vld [tilespmem:s19+$0x44A0]  }
0x171: {  	v32 =	vmul.f32 v42, v43;
	v30 =	vmul.f32 v24, v41;
	v44 =	vld [tilespmem:s19+$0x44B0]  }
0x172: {  	v29 =	vmul.f32 v25, v31;
	v24 =	vld [tilespmem:s19+$0x44C0];
	v41 =	vmul.f32 v51, v0  }
0x173: {  	v6 =	vmul.f32 v3, v6;
	v3 =	vmov v23;
	v25 =	vmul.f32 v52, v0;
	v42 =	vld [tilespmem:s19+$0x44D0]  }
0x174: {  	v31 =	vmul.f32 v2, v4;
	v2 =	vmovc v16;
	v23 =	vmul.f32 v50, v0;
	v43 =	vld [tilespmem:s19+$0x44E0];
	v41 =	vadd.f32 v41, v1  }
0x175: {  	v6 =	vadd.f32 v6, v26;
	v4 =	vadd.f32 v25, v1;
	v16 =	vmul.f32 v46, v0;
	v25 =	vld [tilespmem:s19+$0x44F0]  }
0x176: {  	v23 =	vadd.f32 v23, v1;
	v26 =	vmul.f32 v44, v0;
	v44 =	vld [tilespmem:s19+$0x4500];
	v41 =	vmax.f32 v41, $0.0e+00  }
0x177: {  	v16 =	vadd.f32 v16, v1;
	v24 =	vmul.f32 v24, v0;
	v45 =	vld [tilespmem:s19+$0x4510];
	v41 =	vmin.f32 v41, $3.779999690e+02;
	[tilespmem:s29+$0xC550] =	vst v6  }
0x178: {  	v6 =	vadd.f32 v26, v1;
	v26 =	vmul.f32 v42, v0;
	v42 =	vld [tilespmem:s19+$0x4520];
	v46 =	vtrunc.f32 v41  }
0x179: {  	v24 =	vadd.f32 v24, v1;
	v43 =	vmul.f32 v43, v0;
	v47 =	vld [tilespmem:s19+$0x4530];
	v46 =	vcvt.f32.s32 v46  }
0x17a: {  	v48 =	vmax.f32 v4, $0.0e+00;
	v26 =	vadd.f32 v26, v1;
	v4 =	vmul.f32 v25, v0;
	v25 =	vld [tilespmem:s19+$0x4540]  }
0x17b: {  	v23 =	vmax.f32 v23, $0.0e+00;
	v43 =	vadd.f32 v43, v1;
	v44 =	vmul.f32 v44, v0;
	v49 =	vld [tilespmem:s19+$0x4550]  }
0x17c: {  	v16 =	vmax.f32 v16, $0.0e+00;
	v50 =	vadd.f32 v4, v1;
	v4 =	vmul.f32 v45, v0;
	v45 =	vld [tilespmem:s19+$0x4560]  }
0x17d: {  	v51 =	vmax.f32 v6, $0.0e+00;
	v44 =	vadd.f32 v44, v1;
	v42 =	vmul.f32 v42, v0;
	v6 =	vld.idx.msk [tilespmem:v8+s23+$0x0], $0xffff  }
0x17e: {  	v24 =	vmax.f32 v24, $0.0e+00;
	v52 =	vadd.f32 v4, v1;
	v47 =	vmul.f32 v47, v0;
	v4 =	vld.idx.msk [tilespmem:v7+s23+$0x0], $0xffff  }
0x17f: {  	v26 =	vmax.f32 v26, $0.0e+00;
	v42 =	vadd.f32 v42, v1;
	v25 =	vmul.f32 v25, v0;
	v53 =	vld.idx.msk [tilespmem:v46+s23+$0x0], $0xffff  }
0x180: {  	v43 =	vmax.f32 v43, $0.0e+00;
	v47 =	vadd.f32 v47, v1;
	v49 =	vmul.f32 v49, v0;
	v22 =	vld.idx.msk [tilespmem:v22+s4+$0x0], $0xffff  }
0x181: {  	v54 =	vcvt.s32.f32 v46;
	v25 =	vadd.f32 v25, v1;
	v45 =	vmul.f32 v45, v0;
	v46 =	vld.idx.msk [tilespmem:v46+s4+$0x0], $0xffff  }
0x182: {  	v50 =	vmax.f32 v50, $0.0e+00;
	v44 =	vmax.f32 v44, $0.0e+00;
	v49 =	vadd.f32 v49, v1;
	v21 =	vld.idx.msk [tilespmem:v21+s4+$0x0], $0xffff  }
0x183: {  	v41 =	vsub.f32 v41, v54;
	v52 =	vmax.f32 v52, $0.0e+00;
	v45 =	vadd.f32 v45, v1;
	v19 =	vld.idx.msk [tilespmem:v19+s4+$0x0], $0xffff  }
0x184: {  	v42 =	vmax.f32 v42, $0.0e+00;
	v54 =	vmax.f32 v47, $0.0e+00;
	v25 =	vmax.f32 v25, $0.0e+00;
	v20 =	vld.idx.msk [tilespmem:v20+s4+$0x0], $0xffff  }
0x185: {  	v49 =	vmax.f32 v49, $0.0e+00;
	v41 =	vmul.f32 v41, v53;
	v55 =	vmax.f32 v45, $0.0e+00;
	v17 =	vld.idx.msk [tilespmem:v17+s4+$0x0], $0xffff  }
0x186: {  	v48 =	vmin.f32 v48, $3.779999690e+02;
	v56 =	vmin.f32 v16, $3.779999690e+02;
	v53 =	vmin.f32 v23, $3.779999690e+02;
	v18 =	vld.idx.msk [tilespmem:v18+s4+$0x0], $0xffff  }
0x187: {  	v51 =	vmin.f32 v51, $3.779999690e+02;
	v47 =	vmin.f32 v24, $3.779999690e+02;
	v16 =	vadd.f32 v41, v46;
	v14 =	vld.idx.msk [tilespmem:v14+s4+$0x0], $0xffff  }
0x188: {  	v45 =	vmin.f32 v26, $3.779999690e+02;
	v46 =	vmin.f32 v43, $3.779999690e+02;
	v43 =	vmin.f32 v50, $3.779999690e+02;
	v15 =	vld.idx.msk [tilespmem:v15+s4+$0x0], $0xffff  }
0x189: {  	v44 =	vmin.f32 v44, $3.779999690e+02;
	v42 =	vmin.f32 v42, $3.779999690e+02;
	v41 =	vmin.f32 v52, $3.779999690e+02;
	[tilespmem:s19+$0xC570] =	vst v16;
	v13 =	vld.idx.msk [tilespmem:v13+s4+$0x0], $0xffff  }
0x18a: {  	v24 =	vmin.f32 v54, $3.779999690e+02;
	v25 =	vmin.f32 v25, $3.779999690e+02;
	v23 =	vmin.f32 v49, $3.779999690e+02;
	v12 =	vld.idx.msk [tilespmem:v12+s4+$0x0], $0xffff  }
0x18b: {  	v49 =	vtrunc.f32 v48;
	v50 =	vtrunc.f32 v53;
	v16 =	vmin.f32 v55, $3.779999690e+02;
	v10 =	vld.idx.msk [tilespmem:v10+s4+$0x0], $0xffff  }
0x18c: {  	v54 =	vtrunc.f32 v51;
	v22 =	vadd.f32 v27, v22;
	v52 =	vtrunc.f32 v56;
	v11 =	vld.idx.msk [tilespmem:v11+s4+$0x0], $0xffff  }
0x18d: {  	v27 =	vtrunc.f32 v47;
	v21 =	vadd.f32 v28, v21;
	v55 =	vtrunc.f32 v45;
	v28 =	vld.idx.msk [tilespmem:v9+s4+$0x0], $0xffff  }
0x18e: {  	v57 =	vtrunc.f32 v43;
	v19 =	vadd.f32 v38, v19;
	v9 =	vtrunc.f32 v46;
	[tilespmem:s30+$0xC480] =	vst v22;
	v26 =	vld.idx.msk [tilespmem:v8+s4+$0x0], $0xffff  }
0x18f: {  	v38 =	vtrunc.f32 v41;
	v20 =	vadd.f32 v40, v20;
	v8 =	vtrunc.f32 v44;
	[tilespmem:s30+$0xC490] =	vst v21;
	v40 =	vld.idx.msk [tilespmem:v7+s4+$0x0], $0xffff  }
0x190: {  	v58 =	vtrunc.f32 v24;
	v17 =	vadd.f32 v39, v17;
	v7 =	vtrunc.f32 v42;
	[tilespmem:s30+$0xC4A0] =	vst v19  }
0x191: {  	v59 =	vtrunc.f32 v23;
	v39 =	vtrunc.f32 v25;
	v18 =	vadd.f32 v37, v18;
	[tilespmem:s30+$0xC4B0] =	vst v20  }
0x192: {  	v37 =	vtrunc.f32 v16;
	v14 =	vadd.f32 v36, v14;
	v22 =	vcvt.f32.s32 v49;
	[tilespmem:s30+$0xC4C0] =	vst v17  }
0x193: {  	v15 =	vadd.f32 v35, v15;
	v21 =	vcvt.f32.s32 v50;
	v19 =	vcvt.f32.s32 v52;
	[tilespmem:s30+$0xC4D0] =	vst v18  }
0x194: {  	v20 =	vcvt.f32.s32 v54;
	v17 =	vcvt.f32.s32 v27;
	v27 =	vadd.f32 v34, v13;
	[tilespmem:s30+$0xC4E0] =	vst v14  }
0x195: {  	v18 =	vcvt.f32.s32 v55;
	v14 =	vcvt.f32.s32 v9;
	v9 =	vadd.f32 v33, v12;
	[tilespmem:s30+$0xC4F0] =	vst v15  }
0x196: {  	v13 =	vcvt.f32.s32 v8;
	v8 =	vadd.f32 v32, v10;
	v15 =	vcvt.f32.s32 v57;
	[tilespmem:s30+$0xC500] =	vst v27  }
0x197: {  	v10 =	vcvt.f32.s32 v7;
	v12 =	vcvt.f32.s32 v38;
	v27 =	vadd.f32 v30, v11;
	[tilespmem:s30+$0xC510] =	vst v9  }
0x198: {  	v28 =	vadd.f32 v29, v28;
	v11 =	vcvt.f32.s32 v58;
	v9 =	vcvt.f32.s32 v39;
	v49 =	vld.idx.msk [tilespmem:v22+s23+$0x0], $0xffff;
	[tilespmem:s30+$0xC520] =	vst v8  }
0x199: {  	v7 =	vcvt.f32.s32 v37;
	v8 =	vcvt.f32.s32 v59;
	v52 =	vld.idx.msk [tilespmem:v21+s23+$0x0], $0xffff;
	[tilespmem:s30+$0xC530] =	vst v27;
	v27 =	vadd.f32 v31, v5;
	v5 =	vmovc v40  }
0x19a: {  	v29 =	vcvt.s32.f32 v22;
	v32 =	vcvt.s32.f32 v21;
	v31 =	vld.idx.msk [tilespmem:v19+s23+$0x0], $0xffff;
	[tilespmem:s30+$0xC540] =	vst v28  }
0x19b: {  	v34 =	vcvt.s32.f32 v20;
	v28 =	vcvt.s32.f32 v19;
	v30 =	vld.idx.msk [tilespmem:v20+s23+$0x0], $0xffff;
	[tilespmem:s29+$0xC560] =	vst v27;
	s29 =	smov.u32 s30;
	s30 =	smov.u32 s19  }
0x19c: {  	v35 =	vcvt.s32.f32 v17;
	v27 =	vsub.f32 v48, v29;
	v48 =	vcvt.s32.f32 v18;
	v29 =	vld.idx.msk [tilespmem:v17+s23+$0x0], $0xffff  }
0x19d: {  	v53 =	vsub.f32 v53, v32;
	v54 =	vcvt.s32.f32 v14;
	v55 =	vcvt.s32.f32 v15;
	v32 =	vld.idx.msk [tilespmem:v18+s23+$0x0], $0xffff  }
0x19e: {  	v38 =	vsub.f32 v56, v28;
	v28 =	vcvt.s32.f32 v13;
	v56 =	vcvt.s32.f32 v12;
	v33 =	vld.idx.msk [tilespmem:v14+s23+$0x0], $0xffff  }
.Ltmp2:
0x19f: {  	v37 =	vsub.f32 v51, v34;
	v57 =	vcvt.s32.f32 v10;
	v40 =	vcvt.s32.f32 v11;
	v34 =	vld.idx.msk [tilespmem:v15+s23+$0x0], $0xffff;
	(pc) =	sbr.rel @p0 .LBB2_6-.Ltmp2, $4  }
0x1a0: {  	v36 =	vsub.f32 v47, v35;
	v51 =	vcvt.s32.f32 v9;
	v39 =	vcvt.s32.f32 v8;
	v47 =	vld.idx.msk [tilespmem:v13+s23+$0x0], $0xffff  }
0x1a1: {  	v35 =	vcvt.s32.f32 v7;
	v46 =	vsub.f32 v46, v54;
	v50 =	vsub.f32 v45, v48;
	v45 =	vld.idx.msk [tilespmem:v12+s23+$0x0], $0xffff  }
0x1a2: {  	v27 =	vmul.f32 v27, v49;
	v49 =	vsub.f32 v43, v55;
	v44 =	vsub.f32 v44, v28;
	v43 =	vld.idx.msk [tilespmem:v10+s23+$0x0], $0xffff  }
0x1a3: {  	s2 =	sadd.s32 $0x400, s2;
	v42 =	vsub.f32 v42, v57;
	v28 =	vmul.f32 v53, v52;
	v48 =	vsub.f32 v41, v56;
	v41 =	vld.idx.msk [tilespmem:v11+s23+$0x0], $0xffff  }
0x1a4: {  	_ =	sdelay $0x3  }
0x1a5: {  	v52 =	vld.idx.msk [tilespmem:v9+s23+$0x0], $0xffff  }
0x1a6: {  	v53 =	vld.idx.msk [tilespmem:v8+s23+$0x0], $0xffff  }
0x1a7: {  	v22 =	vld.idx.msk [tilespmem:v22+s4+$0x0], $0xffff  }
0x1a8: {  	v21 =	vld.idx.msk [tilespmem:v21+s4+$0x0], $0xffff  }
0x1a9: {  	v60 =	vld.idx.msk [tilespmem:v19+s4+$0x0], $0xffff  }
0x1aa: {  	v3 =	vmul.f32 v3, v6;
	v61 =	vld.idx.msk [tilespmem:v20+s4+$0x0], $0xffff  }
0x1ab: {  	v17 =	vld.idx.msk [tilespmem:v17+s4+$0x0], $0xffff;
	v2 =	vmul.f32 v2, v4  }
0x1ac: {  	v24 =	vsub.f32 v24, v40;
	v18 =	vld.idx.msk [tilespmem:v18+s4+$0x0], $0xffff;
	v3 =	vadd.f32 v3, v26  }
0x1ad: {  	v62 =	vmul.f32 v38, v31;
	v25 =	vsub.f32 v25, v51;
	v15 =	vld.idx.msk [tilespmem:v15+s4+$0x0], $0xffff;
	v2 =	vadd.f32 v2, v5  }
0x1ae: {  	v63 =	vmul.f32 v37, v30;
	v13 =	vld.idx.msk [tilespmem:v13+s4+$0x0], $0xffff;
	[tilespmem:s29+$0xC550] =	vst v3;
	v22 =	vadd.f32 v27, v22  }
0x1af: {  	v23 =	vsub.f32 v23, v39;
	v3 =	vld.idx.msk [tilespmem:v14+s4+$0x0], $0xffff;
	[tilespmem:s29+$0xC560] =	vst v2;
	v30 =	vadd.f32 v28, v21  }
0x1b0: {  	v31 =	vmul.f32 v36, v29;
	v12 =	vld.idx.msk [tilespmem:v12+s4+$0x0], $0xffff;
	v6 =	vadd.f32 v62, v60;
	[tilespmem:s30+$0xC480] =	vst v22  }
0x1b1: {  	v36 =	vmul.f32 v50, v32;
	v10 =	vld.idx.msk [tilespmem:v10+s4+$0x0], $0xffff;
	v37 =	vadd.f32 v63, v61;
	[tilespmem:s30+$0xC490] =	vst v30  }
0x1b2: {  	v38 =	vmul.f32 v46, v33;
	v11 =	vld.idx.msk [tilespmem:v11+s4+$0x0], $0xffff;
	v39 =	vadd.f32 v31, v17;
	[tilespmem:s30+$0xC4A0] =	vst v6  }
0x1b3: {  	v40 =	vmul.f32 v49, v34;
	v50 =	vld.idx.msk [tilespmem:v9+s4+$0x0], $0xffff;
	v46 =	vadd.f32 v36, v18;
	[tilespmem:s30+$0xC4B0] =	vst v37  }
0x1b4: {  	v55 =	vld.idx.msk [tilespmem:v7+s23+$0x0], $0xffff;
	v47 =	vmul.f32 v44, v47;
	[tilespmem:s30+$0xC4C0] =	vst v39;
	v3 =	vadd.f32 v38, v3  }
0x1b5: {  	v57 =	vld.idx.msk [tilespmem:v8+s4+$0x0], $0xffff;
	v56 =	vmul.f32 v24, v41;
	v51 =	vadd.f32 v40, v15;
	[tilespmem:s30+$0xC4D0] =	vst v46  }
0x1b6: {  	v59 =	vld.idx.msk [tilespmem:v7+s4+$0x0], $0xffff;
	v54 =	vmul.f32 v42, v43;
	[tilespmem:s30+$0xC4E0] =	vst v3;
	v3 =	vadd.f32 v47, v13  }
0x1b7: {  	v49 =	vmul.f32 v48, v45;
	v60 =	vsub.f32 v16, v35;
	v61 =	vadd.f32 v56, v11;
	[tilespmem:s30+$0xC4F0] =	vst v51  }
0x1b8: {  	v58 =	vmul.f32 v25, v52;
	[tilespmem:s30+$0xC500] =	vst v3;
	v3 =	vadd.f32 v54, v10  }
0x1b9: {  	v6 =	vadd.f32 v49, v12;
	v63 =	vmul.f32 v60, v55;
	[tilespmem:s30+$0xC530] =	vst v61  }
0x1ba: {  	v62 =	vmul.f32 v23, v53;
	[tilespmem:s30+$0xC520] =	vst v3;
	v3 =	vadd.f32 v58, v50  }
0x1bb: {  	[tilespmem:s30+$0xC510] =	vst v6;
	v2 =	vadd.f32 v63, v59  }
0x1bc: {  	[tilespmem:s30+$0xC540] =	vst v3;
	v3 =	vadd.f32 v62, v57  }
0x1bd: {  	[tilespmem:s30+$0xC560] =	vst v2  }
0x1be: {  	[tilespmem:s30+$0xC550] =	vst v3  }
0x1bf: {  	[hbm4b:s12+s4] =	stream.linear.scatter [tilespmem:s25], [sflag:$0x2], $0x4000, $0x38;
	[tilespmem:$0x10480] =	vst v63  }
0x1c0: {  	p0 =	por $0x0, $0x0;
	s29 =	simm.s32 $0x2  }
0x1c1: {  	[tilespmem:s21], [sflag:$0x1] =	stream.linear.gather [hbm4b:s13+s4], $0x4000, $0x38;
	[tilespmem:$0x10480] =	vst v63  }
.LBB2_8:
0x1c2: {  	_ =	swait.ge [sflag:s22], $0x4000  }
0x1c3: {  	[sflag:s22] =	ssyncset.done $0x0  }
0x1c4: {  	s0 =	simm.s32 $0x1;
	[sflag:s22] =	ssyncadd.s32 $0xFFFFC000  }
0x1c5: {  	s0 =	simm.s32 @!p0 $0x0;
	_ =	swait.ge [sflag:s26], $0x4000  }
0x1c6: {  	s0 =	sshll.u32 s0, $0xE;
	[sflag:s26] =	ssyncset.done $0x0  }
0x1c7: {  	s2 =	sor.u32 $0x500, s0;
	[sflag:s26] =	ssyncadd.s32 $0xFFFFC000  }
0x1c8: {  	v2 =	vld [tilespmem:s2+$0x70]  }
0x1c9: {  	v3 =	vld [tilespmem:s2+$0xFFFFFF90]  }
0x1ca: {  	v4 =	vld [tilespmem:s2+$0xFFFFFFA0]  }
0x1cb: {  	v5 =	vld [tilespmem:s2+$0xFFFFFFB0]  }
0x1cc: {  	v6 =	vld [tilespmem:s2+$0xFFFFFFC0]  }
0x1cd: {  	v7 =	vld [tilespmem:s2+$0xFFFFFFD0]  }
0x1ce: {  	v8 =	vld [tilespmem:s2+$0xFFFFFFE0]  }
0x1cf: {  	v9 =	vld [tilespmem:s2+$0xFFFFFFF0]  }
0x1d0: {  	v10 =	vld [tilespmem:s2+$0x0]  }
0x1d1: {  	v11 =	vld [tilespmem:s2+$0x10]  }
0x1d2: {  	v12 =	vld [tilespmem:s2+$0x20];
	v2 =	vmul.f32 v2, v0;
	v3 =	vmul.f32 v3, v0  }
0x1d3: {  	v13 =	vld [tilespmem:s2+$0x30];
	v4 =	vmul.f32 v4, v0;
	v5 =	vmul.f32 v5, v0  }
0x1d4: {  	v15 =	vld [tilespmem:s2+$0x40];
	v6 =	vmul.f32 v6, v0;
	v7 =	vmul.f32 v7, v0  }
0x1d5: {  	v16 =	vld [tilespmem:s2+$0x50];
	v8 =	vmul.f32 v8, v0;
	v9 =	vmul.f32 v9, v0  }
0x1d6: {  	v17 =	vld [tilespmem:s2+$0x60];
	v10 =	vmul.f32 v10, v0;
	v11 =	vmul.f32 v11, v0;
	v2 =	vadd.f32 v2, v1  }
0x1d7: {  	v18 =	vld [tilespmem:s2+$0xFFFFFF80];
	v12 =	vmul.f32 v12, v0;
	v3 =	vadd.f32 v3, v1;
	v4 =	vadd.f32 v4, v1  }
0x1d8: {  	v13 =	vmul.f32 v13, v0;
	v5 =	vadd.f32 v5, v1;
	v6 =	vadd.f32 v6, v1  }
0x1d9: {  	v15 =	vmul.f32 v15, v0;
	v7 =	vadd.f32 v7, v1;
	v8 =	vadd.f32 v8, v1  }
0x1da: {  	v16 =	vmul.f32 v16, v0;
	v9 =	vadd.f32 v9, v1;
	v10 =	vadd.f32 v10, v1  }
0x1db: {  	v17 =	vmul.f32 v17, v0;
	v11 =	vadd.f32 v11, v1;
	v12 =	vadd.f32 v12, v1  }
0x1dc: {  	v18 =	vmul.f32 v18, v0;
	v13 =	vadd.f32 v13, v1;
	v15 =	vadd.f32 v15, v1  }
0x1dd: {  	v16 =	vadd.f32 v16, v1;
	v17 =	vadd.f32 v17, v1  }
0x1de: {  	v18 =	vadd.f32 v18, v1;
	v2 =	vmax.f32 v2, $0.0e+00;
	v3 =	vmax.f32 v3, $0.0e+00  }
0x1df: {  	v4 =	vmax.f32 v4, $0.0e+00;
	v5 =	vmax.f32 v5, $0.0e+00;
	v6 =	vmax.f32 v6, $0.0e+00  }
0x1e0: {  	v7 =	vmax.f32 v7, $0.0e+00;
	v8 =	vmax.f32 v8, $0.0e+00;
	v9 =	vmax.f32 v9, $0.0e+00  }
0x1e1: {  	v10 =	vmax.f32 v10, $0.0e+00;
	v11 =	vmax.f32 v11, $0.0e+00;
	v13 =	vmax.f32 v13, $0.0e+00  }
0x1e2: {  	v15 =	vmax.f32 v15, $0.0e+00;
	v16 =	vmax.f32 v16, $0.0e+00;
	v18 =	vmax.f32 v18, $0.0e+00  }
0x1e3: {  	v2 =	vmin.f32 v2, $3.779999690e+02;
	v22 =	vmin.f32 v18, $3.779999690e+02;
	v3 =	vmin.f32 v3, $3.779999690e+02  }
0x1e4: {  	v4 =	vmin.f32 v4, $3.779999690e+02;
	v23 =	vmin.f32 v5, $3.779999690e+02;
	v14 =	vtrunc.f32 v2  }
0x1e5: {  	v6 =	vmin.f32 v6, $3.779999690e+02;
	v24 =	vmin.f32 v7, $3.779999690e+02;
	v14 =	vcvt.f32.s32 v14  }
0x1e6: {  	v25 =	vmin.f32 v8, $3.779999690e+02;
	v5 =	vtrunc.f32 v22;
	v7 =	vtrunc.f32 v3  }
0x1e7: {  	v26 =	vmin.f32 v9, $3.779999690e+02;
	v8 =	vtrunc.f32 v4;
	v18 =	vtrunc.f32 v23  }
0x1e8: {  	v28 =	vmin.f32 v10, $3.779999690e+02;
	v9 =	vtrunc.f32 v6;
	v27 =	vtrunc.f32 v24  }
0x1e9: {  	v34 =	vmin.f32 v15, $3.779999690e+02;
	v10 =	vtrunc.f32 v25;
	v29 =	vtrunc.f32 v26  }
0x1ea: {  	v30 =	vmin.f32 v11, $3.779999690e+02;
	v11 =	vtrunc.f32 v28;
	v32 =	vtrunc.f32 v34  }
0x1eb: {  	v17 =	vmax.f32 v17, $0.0e+00;
	v21 =	vcvt.f32.s32 v5;
	v5 =	vtrunc.f32 v30;
	v19 =	vld.idx.msk [tilespmem:v14+s23+$0x0], $0xffff  }
0x1ec: {  	v35 =	vmin.f32 v16, $3.779999690e+02;
	v18 =	vcvt.f32.s32 v18;
	v20 =	vcvt.s32.f32 v14  }
0x1ed: {  	v36 =	vmin.f32 v17, $3.779999690e+02;
	v16 =	vcvt.f32.s32 v9;
	v17 =	vcvt.f32.s32 v27  }
0x1ee: {  	v27 =	vtrunc.f32 v36;
	v15 =	vcvt.f32.s32 v10;
	v2 =	vsub.f32 v2, v20  }
0x1ef: {  	v33 =	vmin.f32 v13, $3.779999690e+02;
	v13 =	vcvt.f32.s32 v29;
	v20 =	vcvt.f32.s32 v7;
	v14 =	vld.idx.msk [tilespmem:v14+s4+$0x0], $0xffff  }
0x1f0: {  	v12 =	vmax.f32 v12, $0.0e+00;
	v2 =	vmul.f32 v2, v19;
	v19 =	vcvt.f32.s32 v8  }
0x1f1: {  	v31 =	vmin.f32 v12, $3.779999690e+02;
	v12 =	vcvt.f32.s32 v11;
	v11 =	vcvt.f32.s32 v5;
	v38 =	vld.idx.msk [tilespmem:v21+s23+$0x0], $0xffff  }
0x1f2: {  	v5 =	vcvt.f32.s32 v32;
	v7 =	vtrunc.f32 v31;
	v32 =	vld.idx.msk [tilespmem:v18+s23+$0x0], $0xffff  }
0x1f3: {  	v10 =	vcvt.f32.s32 v7;
	v7 =	vcvt.f32.s32 v27;
	v27 =	vld.idx.msk [tilespmem:v16+s23+$0x0], $0xffff  }
0x1f4: {  	v41 =	vld.idx.msk [tilespmem:v17+s23+$0x0], $0xffff;
	v2 =	vadd.f32 v2, v14  }
0x1f5: {  	v29 =	vld.idx.msk [tilespmem:v20+s23+$0x0], $0xffff;
	v8 =	vtrunc.f32 v33  }
0x1f6: {  	v9 =	vcvt.f32.s32 v8;
	v39 =	vld.idx.msk [tilespmem:v19+s23+$0x0], $0xffff;
	[tilespmem:$0x1FFA0] =	vst v2  }
0x1f7: {  	v43 =	vld.idx.msk [tilespmem:v15+s23+$0x0], $0xffff  }
0x1f8: {  	v14 =	vmov v5;
	v45 =	vld.idx.msk [tilespmem:v13+s23+$0x0], $0xffff  }
0x1f9: {  	v47 =	vld.idx.msk [tilespmem:v12+s23+$0x0], $0xffff  }
0x1fa: {  	v37 =	vtrunc.f32 v35;
	v55 =	vcvt.s32.f32 v21;
	v49 =	vld.idx.msk [tilespmem:v11+s23+$0x0], $0xffff;
	[tilespmem:$0x1FFB0] =	vst v9  }
0x1fb: {  	v42 =	vcvt.s32.f32 v18;
	v56 =	vcvt.s32.f32 v16;
	v51 =	vld.idx.msk [tilespmem:v10+s23+$0x0], $0xffff  }
0x1fc: {  	v44 =	vcvt.s32.f32 v17;
	v57 =	vcvt.s32.f32 v15;
	v53 =	vld.idx.msk [tilespmem:v9+s23+$0x0], $0xffff  }
0x1fd: {  	s21 =	sadd.s32 $0x100, s2;
	v46 =	vcvt.s32.f32 v13;
	v48 =	vcvt.s32.f32 v11;
	v22 =	vsub.f32 v22, v55;
	v61 =	vld.idx.msk [tilespmem:v14+s23+$0x0], $0xffff  }
0x1fe: {  	v59 =	vcvt.s32.f32 v5;
	v23 =	vsub.f32 v23, v42;
	v6 =	vsub.f32 v6, v56;
	v62 =	vld [tilespmem:s21+$0x70]  }
0x1ff: {  	v24 =	vsub.f32 v24, v44;
	v40 =	vcvt.s32.f32 v20;
	v58 =	vcvt.s32.f32 v10;
	v63 =	vld [tilespmem:s21+$0xFFFFFF90]  }
0x200: {  	v25 =	vsub.f32 v25, v57;
	v38 =	vmul.f32 v22, v38;
	v22 =	vmul.f32 v6, v27;
	v6 =	vld [tilespmem:s21+$0xFFFFFFA0]  }
0x201: {  	v26 =	vsub.f32 v26, v46;
	v60 =	vcvt.s32.f32 v7;
	v2 =	vcvt.s32.f32 v19;
	v55 =	vld [tilespmem:s21+$0xFFFFFFE0]  }
0x202: {  	v3 =	vsub.f32 v3, v40;
	v32 =	vmul.f32 v23, v32;
	v8 =	vcvt.f32.s32 v37;
	v56 =	vld [tilespmem:s21+$0x0]  }
0x203: {  	v50 =	vcvt.s32.f32 v9;
	v2 =	vsub.f32 v4, v2;
	v4 =	vcvt.s32.f32 v12;
	v21 =	vld.idx.msk [tilespmem:v21+s4+$0x0], $0xffff  }
0x204: {  	v42 =	vsub.f32 v31, v58;
	v31 =	vmul.f32 v24, v41;
	v52 =	vcvt.s32.f32 v8;
	v20 =	vld.idx.msk [tilespmem:v20+s4+$0x0], $0xffff  }
0x205: {  	v54 =	vmul.f32 v3, v29;
	v23 =	vsub.f32 v33, v50;
	v19 =	vld.idx.msk [tilespmem:v19+s4+$0x0], $0xffff;
	v4 =	vsub.f32 v28, v4  }
0x206: {  	v17 =	vld.idx.msk [tilespmem:v17+s4+$0x0], $0xffff;
	v28 =	vsub.f32 v30, v48;
	v39 =	vmul.f32 v2, v39;
	v24 =	vmul.f32 v25, v43  }
0x207: {  	v3 =	vsub.f32 v35, v52;
	v13 =	vld.idx.msk [tilespmem:v13+s4+$0x0], $0xffff;
	v30 =	vmul.f32 v26, v45;
	v29 =	vmul.f32 v4, v47  }
0x208: {  	v58 =	vld [tilespmem:s21+$0x20];
	v2 =	vsub.f32 v36, v60;
	v28 =	vmul.f32 v28, v49;
	v50 =	vmul.f32 v62, v0  }
0x209: {  	v43 =	vld [tilespmem:s21+$0xFFFFFFB0];
	v25 =	vsub.f32 v34, v59;
	v27 =	vmul.f32 v42, v51;
	v52 =	vmul.f32 v63, v0  }
0x20a: {  	v4 =	vld [tilespmem:s21+$0xFFFFFFC0];
	v26 =	vmul.f32 v23, v53;
	v6 =	vmul.f32 v6, v0;
	v38 =	vadd.f32 v38, v21  }
0x20b: {  	v49 =	vld [tilespmem:s21+$0xFFFFFFD0];
	v37 =	vmul.f32 v55, v0;
	v54 =	vadd.f32 v54, v20;
	v39 =	vadd.f32 v39, v19  }
0x20c: {  	v23 =	vld [tilespmem:s21+$0xFFFFFFF0];
	v40 =	vmul.f32 v56, v0;
	v31 =	vadd.f32 v31, v17;
	v30 =	vadd.f32 v30, v13  }
0x20d: {  	v62 =	vld [tilespmem:s21+$0x50];
	v42 =	vmul.f32 v58, v0;
	v35 =	vadd.f32 v50, v1;
	v36 =	vadd.f32 v52, v1  }
0x20e: {  	v63 =	vld [tilespmem:s21+$0x60];
	v25 =	vmul.f32 v25, v61;
	v6 =	vadd.f32 v6, v1;
	v37 =	vadd.f32 v37, v1  }
0x20f: {  	v40 =	vadd.f32 v40, v1;
	v42 =	vadd.f32 v42, v1;
	v33 =	vmul.f32 v43, v0  }
0x210: {  	v4 =	vmul.f32 v4, v0;
	v35 =	vmax.f32 v35, $0.0e+00;
	v34 =	vmul.f32 v49, v0  }
0x211: {  	v61 =	vld [tilespmem:s21+$0x40];
	v36 =	vmax.f32 v36, $0.0e+00;
	v47 =	vmax.f32 v6, $0.0e+00;
	v37 =	vmax.f32 v37, $0.0e+00  }
0x212: {  	v40 =	vmax.f32 v40, $0.0e+00;
	v42 =	vmax.f32 v42, $0.0e+00;
	v23 =	vmul.f32 v23, v0  }
0x213: {  	v57 =	vld [tilespmem:s21+$0x10];
	v35 =	vmin.f32 v35, $3.779999690e+02;
	v55 =	vmul.f32 v62, v0;
	v41 =	vmul.f32 v63, v0  }
0x214: {  	v52 =	vld [tilespmem:s21+$0xFFFFFF80];
	v36 =	vmin.f32 v36, $3.779999690e+02;
	v46 =	vmin.f32 v47, $3.779999690e+02;
	v37 =	vmin.f32 v37, $3.779999690e+02  }
0x215: {  	v40 =	vmin.f32 v40, $3.779999690e+02;
	v42 =	vmin.f32 v42, $3.779999690e+02;
	v33 =	vadd.f32 v33, v1  }
0x216: {  	v59 =	vld [tilespmem:s21+$0x30];
	v4 =	vadd.f32 v4, v1;
	v60 =	vtrunc.f32 v35;
	v53 =	vmul.f32 v61, v0  }
0x217: {  	v34 =	vadd.f32 v34, v1;
	v51 =	vtrunc.f32 v36;
	v48 =	vtrunc.f32 v37  }
0x218: {  	v44 =	vcvt.f32.s32 v60;
	v6 =	vadd.f32 v23, v1;
	v23 =	vmul.f32 v57, v0  }
0x219: {  	v58 =	vmul.f32 v52, v0;
	v45 =	vadd.f32 v55, v1;
	v33 =	vmax.f32 v33, $0.0e+00  }
0x21a: {  	v49 =	vmax.f32 v4, $0.0e+00;
	v34 =	vmax.f32 v34, $0.0e+00;
	v4 =	vadd.f32 v23, v1  }
0x21b: {  	v23 =	vmul.f32 v59, v0;
	v57 =	vmax.f32 v6, $0.0e+00;
	v6 =	vadd.f32 v53, v1  }
0x21c: {  	v59 =	vcvt.s32.f32 v44;
	v61 =	vadd.f32 v58, v1;
	v45 =	vmax.f32 v45, $0.0e+00  }
0x21d: {  	v33 =	vmin.f32 v33, $3.779999690e+02;
	v47 =	vmin.f32 v49, $3.779999690e+02;
	v53 =	vtrunc.f32 v46  }
0x21e: {  	v12 =	vld.idx.msk [tilespmem:v12+s4+$0x0], $0xffff;
	v55 =	vtrunc.f32 v33;
	v19 =	vcvt.f32.s32 v53;
	v23 =	vadd.f32 v23, v1  }
0x21f: {  	v15 =	vld.idx.msk [tilespmem:v15+s4+$0x0], $0xffff;
	v60 =	vmax.f32 v4, $0.0e+00;
	v4 =	vadd.f32 v41, v1;
	v35 =	vsub.f32 v35, v59  }
0x220: {  	v11 =	vld.idx.msk [tilespmem:v11+s4+$0x0], $0xffff;
	v62 =	vmax.f32 v6, $0.0e+00;
	v41 =	vmax.f32 v61, $0.0e+00;
	v59 =	vtrunc.f32 v40  }
0x221: {  	v61 =	vtrunc.f32 v42;
	v20 =	vcvt.f32.s32 v55;
	v41 =	vmin.f32 v41, $3.779999690e+02;
	v56 =	vld.idx.msk [tilespmem:v44+s23+$0x0], $0xffff  }
0x222: {  	v5 =	vmovc v8;
	v49 =	vmin.f32 v60, $3.779999690e+02;
	v43 =	vmin.f32 v62, $3.779999690e+02;
	v13 =	vcvt.f32.s32 v59;
	v44 =	vld.idx.msk [tilespmem:v44+s4+$0x0], $0xffff  }
0x223: {  	v9 =	vmovc v7;
	v59 =	vadd.f32 v29, v12;
	v23 =	vmax.f32 v23, $0.0e+00;
	v63 =	vmax.f32 v4, $0.0e+00;
	v4 =	vld.idx.msk [tilespmem:v7+s23+$0x0], $0xffff  }
0x224: {  	v50 =	vtrunc.f32 v41;
	v60 =	vtrunc.f32 v49;
	v7 =	vld [tilespmem:$0x1FFA0];
	v52 =	vmin.f32 v23, $3.779999690e+02  }
0x225: {  	v18 =	vld.idx.msk [tilespmem:v18+s4+$0x0], $0xffff;
	v23 =	vmin.f32 v45, $3.779999690e+02;
	v45 =	vtrunc.f32 v47;
	v21 =	vcvt.f32.s32 v50  }
0x226: {  	v6 =	vld.idx.msk [tilespmem:v8+s23+$0x0], $0xffff;
	v12 =	vcvt.f32.s32 v60;
	v60 =	vadd.f32 v28, v11;
	v35 =	vmul.f32 v35, v56  }
0x227: {  	v62 =	vtrunc.f32 v52;
	v17 =	vcvt.f32.s32 v45;
	v45 =	vadd.f32 v24, v15;
	v24 =	vld.idx.msk [tilespmem:v5+s4+$0x0], $0xffff  }
0x228: {  	s30 =	sor.u32 $0x8500, s0;
	v8 =	vtrunc.f32 v23;
	v5 =	vld.idx.msk [tilespmem:v9+s4+$0x0], $0xffff;
	v11 =	vcvt.f32.s32 v62;
	v35 =	vadd.f32 v35, v44  }
0x229: {  	s19 =	sadd.s32 $0x100, s30;
	v34 =	vmin.f32 v34, $3.779999690e+02;
	v8 =	vcvt.f32.s32 v8;
	v28 =	vcvt.s32.f32 v21;
	v56 =	vld.idx.msk [tilespmem:v16+s4+$0x0], $0xffff;
	[tilespmem:s30+$0x70] =	vst v7  }
0x22a: {  	v62 =	vcvt.s32.f32 v20;
	v16 =	vmin.f32 v63, $3.779999690e+02;
	v63 =	vtrunc.f32 v43;
	v7 =	vld.idx.msk [tilespmem:v10+s4+$0x0], $0xffff;
	[tilespmem:s19+$0x70] =	vst v35  }
0x22b: {  	v50 =	vtrunc.f32 v16;
	v44 =	vmin.f32 v57, $3.779999690e+02;
	v57 =	vtrunc.f32 v34;
	v10 =	vld [tilespmem:$0x1FFB0];
	[tilespmem:s30+$0xFFFFFF80] =	vst v38  }
0x22c: {  	v32 =	vadd.f32 v32, v18;
	v29 =	vld.idx.msk [tilespmem:v20+s23+$0x0], $0xffff;
	v9 =	vcvt.f32.s32 v63;
	v18 =	vcvt.f32.s32 v57;
	[tilespmem:s30+$0xFFFFFF90] =	vst v54  }
0x22d: {  	v41 =	vsub.f32 v41, v28;
	v63 =	vcvt.s32.f32 v17;
	v58 =	vtrunc.f32 v44;
	v28 =	vld.idx.msk [tilespmem:v17+s23+$0x0], $0xffff;
	[tilespmem:s30+$0xFFFFFFA0] =	vst v39  }
0x22e: {  	v15 =	vcvt.f32.s32 v58;
	v58 =	vcvt.s32.f32 v12;
	v38 =	vld.idx.msk [tilespmem:v14+s4+$0x0], $0xffff;
	[tilespmem:s30+$0xFFFFFFD0] =	vst v31  }
0x22f: {  	v56 =	vadd.f32 v22, v56;
	v22 =	vcvt.f32.s32 v51;
	v14 =	vcvt.f32.s32 v48;
	v48 =	vld.idx.msk [tilespmem:v21+s23+$0x0], $0xffff;
	[tilespmem:s30+$0xFFFFFFE0] =	vst v45  }
0x230: {  	v27 =	vadd.f32 v27, v7;
	v7 =	vcvt.f32.s32 v50;
	v54 =	vld.idx.msk [tilespmem:v19+s23+$0x0], $0xffff;
	[tilespmem:s30+$0xFFFFFFF0] =	vst v30;
	v50 =	vcvt.s32.f32 v18  }
0x231: {  	[tilespmem:s30+$0x0] =	vst v59;
	v59 =	vcvt.s32.f32 v11;
	v45 =	vld.idx.msk [tilespmem:v12+s23+$0x0], $0xffff;
	v31 =	vcvt.s32.f32 v22  }
0x232: {  	[tilespmem:s30+$0x10] =	vst v60;
	v60 =	vcvt.s32.f32 v9;
	v49 =	vsub.f32 v49, v58;
	v39 =	vcvt.s32.f32 v14;
	v30 =	vld.idx.msk [tilespmem:v18+s23+$0x0], $0xffff  }
0x233: {  	[tilespmem:s30+$0xFFFFFFC0] =	vst v56;
	v56 =	vcvt.s32.f32 v15;
	v55 =	vsub.f32 v36, v31;
	v36 =	vsub.f32 v33, v62;
	v35 =	vld.idx.msk [tilespmem:v10+s4+$0x0], $0xffff  }
0x234: {  	v33 =	vld.idx.msk [tilespmem:v13+s23+$0x0], $0xffff;
	v25 =	vadd.f32 v25, v38;
	v10 =	vcvt.f32.s32 v61;
	v61 =	vcvt.s32.f32 v19  }
0x235: {  	[tilespmem:s30+$0xFFFFFFB0] =	vst v32;
	v51 =	vsub.f32 v34, v50;
	v34 =	vcvt.s32.f32 v7;
	v50 =	vsub.f32 v44, v56;
	v53 =	vld.idx.msk [tilespmem:v22+s23+$0x0], $0xffff  }
0x236: {  	v32 =	vld.idx.msk [tilespmem:v15+s23+$0x0], $0xffff;
	[tilespmem:s30+$0x40] =	vst v25;
	v25 =	vmul.f32 v41, v48;
	v57 =	vsub.f32 v46, v61;
	v46 =	vcvt.s32.f32 v13  }
0x237: {  	[tilespmem:s30+$0x20] =	vst v27;
	v31 =	vld.idx.msk [tilespmem:v14+s23+$0x0], $0xffff;
	v48 =	vsub.f32 v52, v59;
	v41 =	vsub.f32 v43, v60;
	v27 =	vcvt.s32.f32 v10  }
0x238: {  	v38 =	vcvt.s32.f32 v8;
	v46 =	vsub.f32 v40, v46;
	v40 =	vld.idx.msk [tilespmem:v11+s23+$0x0], $0xffff;
	v26 =	vadd.f32 v26, v35  }
0x239: {  	s20 =	simm.s32 $0x100;
	s0 =	sshll.u32 s29, $0xE;
	v44 =	vsub.f32 v42, v27;
	v27 =	vmul.f32 v57, v54;
	v42 =	vld.idx.msk [tilespmem:v9+s23+$0x0], $0xffff;
	v35 =	vsub.f32 v47, v63  }
0x23a: {  	s31 =	smov.u32 s19;
	s2 =	sand.u32 $0x4000, s0;
	s21 =	sadd.s32 $0x100, s21;
	v47 =	vsub.f32 v37, v39;
	v39 =	vld.idx.msk [tilespmem:v10+s23+$0x0], $0xffff;
	[tilespmem:s30+$0x30] =	vst v26;
	v26 =	vmul.f32 v55, v53  }
.LBB2_9:
0x23b: {  	v43 =	vld [tilespmem:s21+$0x70];
	s20 =	sadd.s32 $0x100, s20;
	v37 =	vmul.f32 v36, v29;
	v23 =	vsub.f32 v23, v38;
	v16 =	vsub.f32 v16, v34  }
0x23c: {  	v38 =	vmul.f32 v35, v28;
	v36 =	vmul.f32 v51, v30;
	v52 =	vld [tilespmem:s21+$0xFFFFFF90];
	p1 =	slt.u32 s20, $0x3F00  }
0x23d: {  	v35 =	vmul.f32 v47, v31;
	v34 =	vmul.f32 v50, v32;
	v30 =	vld [tilespmem:s21+$0xFFFFFFA0]  }
0x23e: {  	v33 =	vmul.f32 v46, v33;
	v32 =	vmul.f32 v49, v45;
	v47 =	vld [tilespmem:s21+$0xFFFFFFB0]  }
0x23f: {  	v31 =	vmul.f32 v44, v39;
	v29 =	vmul.f32 v48, v40;
	v45 =	vld [tilespmem:s21+$0xFFFFFFC0]  }
0x240: {  	v28 =	vmul.f32 v41, v42;
	v39 =	vld [tilespmem:s21+$0xFFFFFFD0];
	v40 =	vmul.f32 v43, v0  }
0x241: {  	v6 =	vmul.f32 v3, v6;
	v3 =	vmov v23;
	v41 =	vmul.f32 v52, v0;
	v42 =	vld [tilespmem:s21+$0xFFFFFFE0]  }
0x242: {  	v23 =	vmul.f32 v30, v0;
	v43 =	vld [tilespmem:s21+$0xFFFFFFF0];
	v40 =	vadd.f32 v40, v1;
	v30 =	vmul.f32 v2, v4;
	v2 =	vmovc v16  }
0x243: {  	v6 =	vadd.f32 v6, v24;
	v4 =	vadd.f32 v41, v1;
	v16 =	vmul.f32 v47, v0;
	v41 =	vld [tilespmem:s21+$0x0]  }
0x244: {  	v23 =	vadd.f32 v23, v1;
	v24 =	vmul.f32 v45, v0;
	v44 =	vld [tilespmem:s21+$0x10];
	v40 =	vmax.f32 v40, $0.0e+00  }
0x245: {  	v16 =	vadd.f32 v16, v1;
	v39 =	vmul.f32 v39, v0;
	v45 =	vld [tilespmem:s21+$0x20];
	v40 =	vmin.f32 v40, $3.779999690e+02;
	[tilespmem:s30+$0x50] =	vst v6  }
0x246: {  	v6 =	vadd.f32 v24, v1;
	v24 =	vmul.f32 v42, v0;
	v42 =	vld [tilespmem:s21+$0x30];
	v46 =	vtrunc.f32 v40  }
0x247: {  	v39 =	vadd.f32 v39, v1;
	v43 =	vmul.f32 v43, v0;
	v47 =	vld [tilespmem:s21+$0x40];
	v46 =	vcvt.f32.s32 v46  }
0x248: {  	v48 =	vmax.f32 v4, $0.0e+00;
	v24 =	vadd.f32 v24, v1;
	v4 =	vmul.f32 v41, v0;
	v41 =	vld [tilespmem:s21+$0x50]  }
0x249: {  	v23 =	vmax.f32 v23, $0.0e+00;
	v43 =	vadd.f32 v43, v1;
	v44 =	vmul.f32 v44, v0;
	v49 =	vld [tilespmem:s21+$0x60]  }
0x24a: {  	v16 =	vmax.f32 v16, $0.0e+00;
	v50 =	vld [tilespmem:s21+$0xFFFFFF80];
	v51 =	vadd.f32 v4, v1;
	v4 =	vmul.f32 v45, v0  }
0x24b: {  	v45 =	vmax.f32 v6, $0.0e+00;
	v44 =	vadd.f32 v44, v1;
	v42 =	vmul.f32 v42, v0;
	v6 =	vld.idx.msk [tilespmem:v8+s23+$0x0], $0xffff  }
0x24c: {  	v39 =	vmax.f32 v39, $0.0e+00;
	v52 =	vadd.f32 v4, v1;
	v47 =	vmul.f32 v47, v0;
	v4 =	vld.idx.msk [tilespmem:v7+s23+$0x0], $0xffff  }
0x24d: {  	v24 =	vmax.f32 v24, $0.0e+00;
	v42 =	vadd.f32 v42, v1;
	v41 =	vmul.f32 v41, v0;
	v53 =	vld.idx.msk [tilespmem:v46+s23+$0x0], $0xffff  }
0x24e: {  	v43 =	vmax.f32 v43, $0.0e+00;
	v47 =	vadd.f32 v47, v1;
	v49 =	vmul.f32 v49, v0;
	v21 =	vld.idx.msk [tilespmem:v21+s4+$0x0], $0xffff  }
0x24f: {  	v54 =	vcvt.s32.f32 v46;
	v50 =	vmul.f32 v50, v0;
	v41 =	vadd.f32 v41, v1;
	v46 =	vld.idx.msk [tilespmem:v46+s4+$0x0], $0xffff  }
0x250: {  	v51 =	vmax.f32 v51, $0.0e+00;
	v55 =	vmax.f32 v44, $0.0e+00;
	v44 =	vadd.f32 v49, v1;
	v22 =	vld.idx.msk [tilespmem:v22+s4+$0x0], $0xffff  }
0x251: {  	v40 =	vsub.f32 v40, v54;
	v49 =	vadd.f32 v50, v1;
	v50 =	vmax.f32 v52, $0.0e+00;
	v19 =	vld.idx.msk [tilespmem:v19+s4+$0x0], $0xffff  }
0x252: {  	v42 =	vmax.f32 v42, $0.0e+00;
	v52 =	vmax.f32 v47, $0.0e+00;
	v54 =	vmax.f32 v41, $0.0e+00;
	v20 =	vld.idx.msk [tilespmem:v20+s4+$0x0], $0xffff  }
0x253: {  	v40 =	vmul.f32 v40, v53;
	v41 =	vmax.f32 v49, $0.0e+00;
	v49 =	vmax.f32 v44, $0.0e+00;
	v17 =	vld.idx.msk [tilespmem:v17+s4+$0x0], $0xffff  }
0x254: {  	v56 =	vmin.f32 v48, $3.779999690e+02;
	v57 =	vmin.f32 v23, $3.779999690e+02;
	v53 =	vmin.f32 v41, $3.779999690e+02;
	v18 =	vld.idx.msk [tilespmem:v18+s4+$0x0], $0xffff  }
0x255: {  	v48 =	vmin.f32 v16, $3.779999690e+02;
	v47 =	vmin.f32 v45, $3.779999690e+02;
	v16 =	vadd.f32 v40, v46;
	v14 =	vld.idx.msk [tilespmem:v14+s4+$0x0], $0xffff  }
0x256: {  	s19 =	sadd.s32 $0x100, s19;
	v45 =	vmin.f32 v39, $3.779999690e+02;
	v39 =	vmin.f32 v43, $3.779999690e+02;
	v46 =	vmin.f32 v24, $3.779999690e+02;
	v15 =	vld.idx.msk [tilespmem:v15+s4+$0x0], $0xffff  }
0x257: {  	v44 =	vmin.f32 v51, $3.779999690e+02;
	v40 =	vmin.f32 v55, $3.779999690e+02;
	v41 =	vmin.f32 v50, $3.779999690e+02;
	[tilespmem:s19+$0x70] =	vst v16;
	v13 =	vld.idx.msk [tilespmem:v13+s4+$0x0], $0xffff  }
0x258: {  	v42 =	vmin.f32 v42, $3.779999690e+02;
	v43 =	vmin.f32 v52, $3.779999690e+02;
	v23 =	vmin.f32 v54, $3.779999690e+02;
	v12 =	vld.idx.msk [tilespmem:v12+s4+$0x0], $0xffff  }
0x259: {  	v51 =	vtrunc.f32 v56;
	v50 =	vtrunc.f32 v53;
	v16 =	vmin.f32 v49, $3.779999690e+02;
	v10 =	vld.idx.msk [tilespmem:v10+s4+$0x0], $0xffff  }
0x25a: {  	v52 =	vtrunc.f32 v48;
	v21 =	vadd.f32 v25, v21;
	v49 =	vtrunc.f32 v57;
	v11 =	vld.idx.msk [tilespmem:v11+s4+$0x0], $0xffff  }
0x25b: {  	v54 =	vtrunc.f32 v45;
	v25 =	vtrunc.f32 v47;
	v22 =	vadd.f32 v26, v22;
	v26 =	vld.idx.msk [tilespmem:v9+s4+$0x0], $0xffff  }
0x25c: {  	v55 =	vtrunc.f32 v39;
	v19 =	vadd.f32 v27, v19;
	v9 =	vtrunc.f32 v46;
	[tilespmem:s31+$0xFFFFFF80] =	vst v21;
	v24 =	vld.idx.msk [tilespmem:v8+s4+$0x0], $0xffff  }
0x25d: {  	v27 =	vtrunc.f32 v40;
	v20 =	vadd.f32 v37, v20;
	v8 =	vtrunc.f32 v44;
	[tilespmem:s31+$0xFFFFFF90] =	vst v22;
	v37 =	vld.idx.msk [tilespmem:v7+s4+$0x0], $0xffff  }
0x25e: {  	v58 =	vtrunc.f32 v42;
	v17 =	vadd.f32 v38, v17;
	v7 =	vtrunc.f32 v41;
	[tilespmem:s31+$0xFFFFFFA0] =	vst v19  }
0x25f: {  	v59 =	vtrunc.f32 v23;
	v38 =	vtrunc.f32 v43;
	v18 =	vadd.f32 v36, v18;
	[tilespmem:s31+$0xFFFFFFB0] =	vst v20  }
0x260: {  	v36 =	vtrunc.f32 v16;
	v14 =	vadd.f32 v35, v14;
	v21 =	vcvt.f32.s32 v50;
	[tilespmem:s31+$0xFFFFFFC0] =	vst v17  }
0x261: {  	v15 =	vadd.f32 v34, v15;
	v22 =	vcvt.f32.s32 v51;
	v19 =	vcvt.f32.s32 v49;
	[tilespmem:s31+$0xFFFFFFD0] =	vst v18  }
0x262: {  	v20 =	vcvt.f32.s32 v52;
	v17 =	vcvt.f32.s32 v25;
	v25 =	vadd.f32 v33, v13;
	[tilespmem:s31+$0xFFFFFFE0] =	vst v14  }
0x263: {  	v18 =	vcvt.f32.s32 v54;
	v14 =	vcvt.f32.s32 v9;
	v9 =	vadd.f32 v32, v12;
	[tilespmem:s31+$0xFFFFFFF0] =	vst v15  }
0x264: {  	v13 =	vcvt.f32.s32 v8;
	v8 =	vadd.f32 v31, v10;
	v15 =	vcvt.f32.s32 v55;
	[tilespmem:s31+$0x0] =	vst v25  }
0x265: {  	v10 =	vcvt.f32.s32 v7;
	v12 =	vcvt.f32.s32 v27;
	v25 =	vadd.f32 v29, v11;
	[tilespmem:s31+$0x10] =	vst v9  }
0x266: {  	v26 =	vadd.f32 v28, v26;
	v11 =	vcvt.f32.s32 v58;
	v9 =	vcvt.f32.s32 v38;
	v27 =	vld.idx.msk [tilespmem:v21+s23+$0x0], $0xffff;
	[tilespmem:s31+$0x20] =	vst v8  }
0x267: {  	v7 =	vcvt.f32.s32 v36;
	v8 =	vcvt.f32.s32 v59;
	v49 =	vld.idx.msk [tilespmem:v22+s23+$0x0], $0xffff;
	[tilespmem:s31+$0x30] =	vst v25;
	v25 =	vadd.f32 v30, v5;
	v5 =	vmovc v37  }
0x268: {  	v28 =	vcvt.s32.f32 v21;
	v30 =	vcvt.s32.f32 v22;
	v37 =	vld.idx.msk [tilespmem:v19+s23+$0x0], $0xffff;
	[tilespmem:s31+$0x40] =	vst v26  }
0x269: {  	v32 =	vcvt.s32.f32 v20;
	v26 =	vcvt.s32.f32 v19;
	v29 =	vld.idx.msk [tilespmem:v20+s23+$0x0], $0xffff;
	[tilespmem:s30+$0x60] =	vst v25;
	s30 =	smov.u32 s31;
	s31 =	smov.u32 s19  }
0x26a: {  	v33 =	vcvt.s32.f32 v17;
	v34 =	vcvt.s32.f32 v18;
	v25 =	vsub.f32 v53, v28;
	v28 =	vld.idx.msk [tilespmem:v17+s23+$0x0], $0xffff  }
0x26b: {  	v50 =	vcvt.s32.f32 v14;
	v52 =	vsub.f32 v56, v30;
	v53 =	vcvt.s32.f32 v15;
	v30 =	vld.idx.msk [tilespmem:v18+s23+$0x0], $0xffff  }
0x26c: {  	v55 =	vcvt.s32.f32 v12;
	v54 =	vsub.f32 v57, v26;
	v26 =	vcvt.s32.f32 v13;
	v31 =	vld.idx.msk [tilespmem:v14+s23+$0x0], $0xffff  }
0x26d: {  	v36 =	vsub.f32 v48, v32;
	v48 =	vcvt.s32.f32 v10;
	v56 =	vcvt.s32.f32 v11;
	v32 =	vld.idx.msk [tilespmem:v15+s23+$0x0], $0xffff  }
.Ltmp3:
0x26e: {  	v35 =	vsub.f32 v47, v33;
	v38 =	vcvt.s32.f32 v8;
	v57 =	vcvt.s32.f32 v9;
	v33 =	vld.idx.msk [tilespmem:v13+s23+$0x0], $0xffff;
	(pc) =	sbr.rel @p1 .LBB2_9-.Ltmp3, $4  }
0x26f: {  	v51 =	vsub.f32 v45, v34;
	v34 =	vcvt.s32.f32 v7;
	v47 =	vsub.f32 v46, v50;
	v45 =	vld.idx.msk [tilespmem:v12+s23+$0x0], $0xffff  }
0x270: {  	v25 =	vmul.f32 v25, v27;
	v50 =	vsub.f32 v39, v53;
	v46 =	vsub.f32 v44, v26;
	v39 =	vld.idx.msk [tilespmem:v10+s23+$0x0], $0xffff  }
0x271: {  	v26 =	vmul.f32 v52, v49;
	v49 =	vsub.f32 v40, v55;
	v44 =	vsub.f32 v41, v48;
	v40 =	vld.idx.msk [tilespmem:v11+s23+$0x0], $0xffff  }
0x272: {  	s21 =	sadd.s32 $0x100, s21;
	v48 =	vsub.f32 v42, v56;
	v41 =	vsub.f32 v43, v57;
	v27 =	vmul.f32 v54, v37;
	v42 =	vld.idx.msk [tilespmem:v9+s23+$0x0], $0xffff  }
0x273: {  	_ =	sdelay $0x3  }
0x274: {  	v37 =	vld.idx.msk [tilespmem:v8+s23+$0x0], $0xffff  }
0x275: {  	v21 =	vld.idx.msk [tilespmem:v21+s4+$0x0], $0xffff  }
0x276: {  	v22 =	vld.idx.msk [tilespmem:v22+s4+$0x0], $0xffff  }
0x277: {  	v62 =	vld.idx.msk [tilespmem:v19+s4+$0x0], $0xffff  }
0x278: {  	v3 =	vmul.f32 v3, v6;
	v63 =	vld.idx.msk [tilespmem:v20+s4+$0x0], $0xffff  }
0x279: {  	v17 =	vld.idx.msk [tilespmem:v17+s4+$0x0], $0xffff;
	v2 =	vmul.f32 v2, v4  }
0x27a: {  	v18 =	vld.idx.msk [tilespmem:v18+s4+$0x0], $0xffff;
	v3 =	vadd.f32 v3, v24  }
0x27b: {  	v15 =	vld.idx.msk [tilespmem:v15+s4+$0x0], $0xffff;
	v2 =	vadd.f32 v2, v5  }
0x27c: {  	v23 =	vsub.f32 v23, v38;
	v13 =	vld.idx.msk [tilespmem:v13+s4+$0x0], $0xffff;
	[tilespmem:s30+$0x50] =	vst v3;
	v21 =	vadd.f32 v25, v21  }
0x27d: {  	v24 =	vmul.f32 v36, v29;
	v3 =	vld.idx.msk [tilespmem:v14+s4+$0x0], $0xffff;
	[tilespmem:s30+$0x60] =	vst v2;
	v26 =	vadd.f32 v26, v22  }
0x27e: {  	v12 =	vld.idx.msk [tilespmem:v12+s4+$0x0], $0xffff;
	v29 =	vmul.f32 v35, v28;
	v6 =	vadd.f32 v27, v62;
	[tilespmem:s31+$0xFFFFFF80] =	vst v21  }
0x27f: {  	v10 =	vld.idx.msk [tilespmem:v10+s4+$0x0], $0xffff;
	v35 =	vmul.f32 v51, v30;
	v36 =	vadd.f32 v24, v63;
	[tilespmem:s31+$0xFFFFFF90] =	vst v26  }
0x280: {  	v38 =	vmul.f32 v47, v31;
	v11 =	vld.idx.msk [tilespmem:v11+s4+$0x0], $0xffff;
	v43 =	vadd.f32 v29, v17;
	[tilespmem:s31+$0xFFFFFFA0] =	vst v6  }
0x281: {  	v47 =	vmul.f32 v50, v32;
	v9 =	vld.idx.msk [tilespmem:v9+s4+$0x0], $0xffff;
	v50 =	vadd.f32 v35, v18;
	[tilespmem:s31+$0xFFFFFFB0] =	vst v36  }
0x282: {  	v55 =	vld.idx.msk [tilespmem:v7+s23+$0x0], $0xffff;
	v51 =	vmul.f32 v46, v33;
	[tilespmem:s31+$0xFFFFFFC0] =	vst v43;
	v3 =	vadd.f32 v38, v3  }
0x283: {  	v57 =	vld.idx.msk [tilespmem:v8+s4+$0x0], $0xffff;
	v56 =	vmul.f32 v48, v40;
	v53 =	vadd.f32 v47, v15;
	[tilespmem:s31+$0xFFFFFFD0] =	vst v50  }
0x284: {  	v59 =	vld.idx.msk [tilespmem:v7+s4+$0x0], $0xffff;
	v54 =	vmul.f32 v44, v39;
	[tilespmem:s31+$0xFFFFFFE0] =	vst v3;
	v3 =	vadd.f32 v51, v13  }
0x285: {  	v60 =	vsub.f32 v16, v34;
	v52 =	vmul.f32 v49, v45;
	v61 =	vadd.f32 v56, v11;
	[tilespmem:s31+$0xFFFFFFF0] =	vst v53  }
0x286: {  	v58 =	vmul.f32 v41, v42;
	[tilespmem:s31+$0x0] =	vst v3;
	v3 =	vadd.f32 v54, v10  }
0x287: {  	v63 =	vmul.f32 v60, v55;
	v6 =	vadd.f32 v52, v12;
	[tilespmem:s31+$0x30] =	vst v61  }
0x288: {  	v62 =	vmul.f32 v23, v37;
	[tilespmem:s31+$0x20] =	vst v3;
	v3 =	vadd.f32 v58, v9  }
0x289: {  	s29 =	sadd.s32 $0x1, s29;
	v2 =	vadd.f32 v63, v59;
	[tilespmem:s31+$0x10] =	vst v6  }
0x28a: {  	s19 =	sor.u32 s5, s0;
	p1 =	sne.s32 s29, $0xE;
	[tilespmem:s31+$0x40] =	vst v3;
	v3 =	vadd.f32 v62, v57  }
.Ltmp4:
0x28b: {  	s19 =	sshrl.u32 s19, $0x3;
	s30 =	sadd.s32 s0, s14;
	[tilespmem:s31+$0x60] =	vst v2;
	(pc) =	sbr.rel @p1 .LBB2_8-.Ltmp4, $4  }
0x28c: {  	s20 =	sadd.s32 $0x8480, s2;
	s19 =	sadd.s32 s3, s19;
	s0 =	sshrl.u32 s30, $0x3;
	[tilespmem:s31+$0x50] =	vst v3  }
0x28d: {  	[hbm4b:s19+s4] =	stream.linear.scatter [tilespmem:s20], [sflag:$0x2], $0x4000, $0x38;
	[tilespmem:$0x10480] =	vst v63  }
0x28e: {  	p0 =	por !p0, !p0;
	s0 =	sadd.s32 s1, s0;
	s31 =	sadd.s32 $0x480, s2  }
0x28f: {  	[tilespmem:s31], [sflag:$0x1] =	stream.linear.gather [hbm4b:s0+s4], $0x4000, $0x38;
	[tilespmem:$0x10480] =	vst v63  }
0x290: {  	_ =	swait.ge [sflag:s22], $0x4000  }
0x291: {  	[sflag:s22] =	ssyncset.done $0x0  }
0x292: {  	[sflag:s22] =	ssyncadd.s32 $0xFFFFC000  }
0x293: {  	_ =	swait.ge [sflag:s26], $0x4000  }
0x294: {  	[sflag:s26] =	ssyncset.done $0x0  }
0x295: {  	s0 =	simm.s32 $0x500;
	[sflag:s26] =	ssyncadd.s32 $0xFFFFC000  }
0x296: {  	v2 =	vld [tilespmem:s0+$0x70]  }
0x297: {  	v3 =	vld [tilespmem:s0+$0xFFFFFF90]  }
0x298: {  	v4 =	vld [tilespmem:s0+$0xFFFFFFA0]  }
0x299: {  	v5 =	vld [tilespmem:s0+$0xFFFFFFB0]  }
0x29a: {  	v6 =	vld [tilespmem:s0+$0xFFFFFFC0]  }
0x29b: {  	v7 =	vld [tilespmem:s0+$0xFFFFFFD0]  }
0x29c: {  	v8 =	vld [tilespmem:s0+$0xFFFFFFE0]  }
0x29d: {  	v9 =	vld [tilespmem:s0+$0xFFFFFFF0]  }
0x29e: {  	v10 =	vld [tilespmem:s0+$0x0]  }
0x29f: {  	v11 =	vld [tilespmem:s0+$0x10]  }
0x2a0: {  	v12 =	vld [tilespmem:s0+$0x20];
	v2 =	vmul.f32 v2, v0;
	v3 =	vmul.f32 v3, v0  }
0x2a1: {  	v13 =	vld [tilespmem:s0+$0x30];
	v4 =	vmul.f32 v4, v0;
	v5 =	vmul.f32 v5, v0  }
0x2a2: {  	v15 =	vld [tilespmem:s0+$0x40];
	v6 =	vmul.f32 v6, v0;
	v7 =	vmul.f32 v7, v0  }
0x2a3: {  	v16 =	vld [tilespmem:s0+$0x50];
	v8 =	vmul.f32 v8, v0;
	v9 =	vmul.f32 v9, v0  }
0x2a4: {  	v17 =	vld [tilespmem:s0+$0x60];
	v10 =	vmul.f32 v10, v0;
	v11 =	vmul.f32 v11, v0;
	v2 =	vadd.f32 v2, v1  }
0x2a5: {  	v18 =	vld [tilespmem:s0+$0xFFFFFF80];
	v12 =	vmul.f32 v12, v0;
	v3 =	vadd.f32 v3, v1;
	v4 =	vadd.f32 v4, v1  }
0x2a6: {  	v13 =	vmul.f32 v13, v0;
	v5 =	vadd.f32 v5, v1;
	v6 =	vadd.f32 v6, v1  }
0x2a7: {  	v15 =	vmul.f32 v15, v0;
	v7 =	vadd.f32 v7, v1;
	v8 =	vadd.f32 v8, v1  }
0x2a8: {  	v16 =	vmul.f32 v16, v0;
	v9 =	vadd.f32 v9, v1;
	v10 =	vadd.f32 v10, v1  }
0x2a9: {  	v17 =	vmul.f32 v17, v0;
	v11 =	vadd.f32 v11, v1;
	v12 =	vadd.f32 v12, v1  }
0x2aa: {  	v18 =	vmul.f32 v18, v0;
	v13 =	vadd.f32 v13, v1;
	v15 =	vadd.f32 v15, v1  }
0x2ab: {  	v16 =	vadd.f32 v16, v1;
	v17 =	vadd.f32 v17, v1  }
0x2ac: {  	v18 =	vadd.f32 v18, v1;
	v2 =	vmax.f32 v2, $0.0e+00;
	v3 =	vmax.f32 v3, $0.0e+00  }
0x2ad: {  	v4 =	vmax.f32 v4, $0.0e+00;
	v5 =	vmax.f32 v5, $0.0e+00;
	v6 =	vmax.f32 v6, $0.0e+00  }
0x2ae: {  	v7 =	vmax.f32 v7, $0.0e+00;
	v8 =	vmax.f32 v8, $0.0e+00;
	v9 =	vmax.f32 v9, $0.0e+00  }
0x2af: {  	v10 =	vmax.f32 v10, $0.0e+00;
	v11 =	vmax.f32 v11, $0.0e+00;
	v13 =	vmax.f32 v13, $0.0e+00  }
0x2b0: {  	v15 =	vmax.f32 v15, $0.0e+00;
	v16 =	vmax.f32 v16, $0.0e+00;
	v18 =	vmax.f32 v18, $0.0e+00  }
0x2b1: {  	v2 =	vmin.f32 v2, $3.779999690e+02;
	v22 =	vmin.f32 v18, $3.779999690e+02;
	v3 =	vmin.f32 v3, $3.779999690e+02  }
0x2b2: {  	v4 =	vmin.f32 v4, $3.779999690e+02;
	v23 =	vmin.f32 v5, $3.779999690e+02;
	v14 =	vtrunc.f32 v2  }
0x2b3: {  	v6 =	vmin.f32 v6, $3.779999690e+02;
	v24 =	vmin.f32 v7, $3.779999690e+02;
	v14 =	vcvt.f32.s32 v14  }
0x2b4: {  	v25 =	vmin.f32 v8, $3.779999690e+02;
	v5 =	vtrunc.f32 v22;
	v7 =	vtrunc.f32 v3  }
0x2b5: {  	v26 =	vmin.f32 v9, $3.779999690e+02;
	v8 =	vtrunc.f32 v4;
	v18 =	vtrunc.f32 v23  }
0x2b6: {  	v28 =	vmin.f32 v10, $3.779999690e+02;
	v9 =	vtrunc.f32 v6;
	v27 =	vtrunc.f32 v24  }
0x2b7: {  	v34 =	vmin.f32 v15, $3.779999690e+02;
	v10 =	vtrunc.f32 v25;
	v29 =	vtrunc.f32 v26  }
0x2b8: {  	v30 =	vmin.f32 v11, $3.779999690e+02;
	v11 =	vtrunc.f32 v28;
	v32 =	vtrunc.f32 v34  }
0x2b9: {  	v17 =	vmax.f32 v17, $0.0e+00;
	v21 =	vcvt.f32.s32 v5;
	v5 =	vtrunc.f32 v30;
	v19 =	vld.idx.msk [tilespmem:v14+s23+$0x0], $0xffff  }
0x2ba: {  	v35 =	vmin.f32 v16, $3.779999690e+02;
	v18 =	vcvt.f32.s32 v18;
	v20 =	vcvt.s32.f32 v14  }
0x2bb: {  	v36 =	vmin.f32 v17, $3.779999690e+02;
	v16 =	vcvt.f32.s32 v9;
	v17 =	vcvt.f32.s32 v27  }
0x2bc: {  	v27 =	vtrunc.f32 v36;
	v15 =	vcvt.f32.s32 v10;
	v2 =	vsub.f32 v2, v20  }
0x2bd: {  	v33 =	vmin.f32 v13, $3.779999690e+02;
	v13 =	vcvt.f32.s32 v29;
	v20 =	vcvt.f32.s32 v7;
	v14 =	vld.idx.msk [tilespmem:v14+s4+$0x0], $0xffff  }
0x2be: {  	v12 =	vmax.f32 v12, $0.0e+00;
	v2 =	vmul.f32 v2, v19;
	v19 =	vcvt.f32.s32 v8  }
0x2bf: {  	v31 =	vmin.f32 v12, $3.779999690e+02;
	v12 =	vcvt.f32.s32 v11;
	v11 =	vcvt.f32.s32 v5;
	v38 =	vld.idx.msk [tilespmem:v21+s23+$0x0], $0xffff  }
0x2c0: {  	v5 =	vcvt.f32.s32 v32;
	v7 =	vtrunc.f32 v31;
	v32 =	vld.idx.msk [tilespmem:v18+s23+$0x0], $0xffff  }
0x2c1: {  	v10 =	vcvt.f32.s32 v7;
	v7 =	vcvt.f32.s32 v27;
	v27 =	vld.idx.msk [tilespmem:v16+s23+$0x0], $0xffff  }
0x2c2: {  	v41 =	vld.idx.msk [tilespmem:v17+s23+$0x0], $0xffff;
	v2 =	vadd.f32 v2, v14  }
0x2c3: {  	v29 =	vld.idx.msk [tilespmem:v20+s23+$0x0], $0xffff;
	v8 =	vtrunc.f32 v33  }
0x2c4: {  	v9 =	vcvt.f32.s32 v8;
	v39 =	vld.idx.msk [tilespmem:v19+s23+$0x0], $0xffff;
	[tilespmem:$0x1FF80] =	vst v2  }
0x2c5: {  	v43 =	vld.idx.msk [tilespmem:v15+s23+$0x0], $0xffff  }
0x2c6: {  	v14 =	vmov v5;
	v45 =	vld.idx.msk [tilespmem:v13+s23+$0x0], $0xffff  }
0x2c7: {  	v47 =	vld.idx.msk [tilespmem:v12+s23+$0x0], $0xffff  }
0x2c8: {  	v37 =	vtrunc.f32 v35;
	v55 =	vcvt.s32.f32 v21;
	v49 =	vld.idx.msk [tilespmem:v11+s23+$0x0], $0xffff;
	[tilespmem:$0x1FF90] =	vst v9  }
0x2c9: {  	v42 =	vcvt.s32.f32 v18;
	v56 =	vcvt.s32.f32 v16;
	v51 =	vld.idx.msk [tilespmem:v10+s23+$0x0], $0xffff  }
0x2ca: {  	v44 =	vcvt.s32.f32 v17;
	v57 =	vcvt.s32.f32 v15;
	v53 =	vld.idx.msk [tilespmem:v9+s23+$0x0], $0xffff  }
0x2cb: {  	s31 =	simm.s32 $0x600;
	v46 =	vcvt.s32.f32 v13;
	v48 =	vcvt.s32.f32 v11;
	v22 =	vsub.f32 v22, v55;
	v61 =	vld.idx.msk [tilespmem:v14+s23+$0x0], $0xffff  }
0x2cc: {  	v59 =	vcvt.s32.f32 v5;
	v23 =	vsub.f32 v23, v42;
	v6 =	vsub.f32 v6, v56;
	v62 =	vld [tilespmem:s31+$0x70]  }
0x2cd: {  	v24 =	vsub.f32 v24, v44;
	v40 =	vcvt.s32.f32 v20;
	v58 =	vcvt.s32.f32 v10;
	v63 =	vld [tilespmem:s31+$0xFFFFFF90]  }
0x2ce: {  	v25 =	vsub.f32 v25, v57;
	v38 =	vmul.f32 v22, v38;
	v22 =	vmul.f32 v6, v27;
	v6 =	vld [tilespmem:s31+$0xFFFFFFA0]  }
0x2cf: {  	v26 =	vsub.f32 v26, v46;
	v60 =	vcvt.s32.f32 v7;
	v2 =	vcvt.s32.f32 v19;
	v55 =	vld [tilespmem:s31+$0xFFFFFFE0]  }
0x2d0: {  	v3 =	vsub.f32 v3, v40;
	v32 =	vmul.f32 v23, v32;
	v8 =	vcvt.f32.s32 v37;
	v56 =	vld [tilespmem:s31+$0x0]  }
0x2d1: {  	v50 =	vcvt.s32.f32 v9;
	v2 =	vsub.f32 v4, v2;
	v4 =	vcvt.s32.f32 v12;
	v21 =	vld.idx.msk [tilespmem:v21+s4+$0x0], $0xffff  }
0x2d2: {  	v42 =	vsub.f32 v31, v58;
	v31 =	vmul.f32 v24, v41;
	v52 =	vcvt.s32.f32 v8;
	v20 =	vld.idx.msk [tilespmem:v20+s4+$0x0], $0xffff  }
0x2d3: {  	v54 =	vmul.f32 v3, v29;
	v23 =	vsub.f32 v33, v50;
	v19 =	vld.idx.msk [tilespmem:v19+s4+$0x0], $0xffff;
	v4 =	vsub.f32 v28, v4  }
0x2d4: {  	v17 =	vld.idx.msk [tilespmem:v17+s4+$0x0], $0xffff;
	v28 =	vsub.f32 v30, v48;
	v39 =	vmul.f32 v2, v39;
	v24 =	vmul.f32 v25, v43  }
0x2d5: {  	v3 =	vsub.f32 v35, v52;
	v13 =	vld.idx.msk [tilespmem:v13+s4+$0x0], $0xffff;
	v30 =	vmul.f32 v26, v45;
	v29 =	vmul.f32 v4, v47  }
0x2d6: {  	v58 =	vld [tilespmem:s31+$0x20];
	v2 =	vsub.f32 v36, v60;
	v28 =	vmul.f32 v28, v49;
	v50 =	vmul.f32 v62, v0  }
0x2d7: {  	v43 =	vld [tilespmem:s31+$0xFFFFFFB0];
	v25 =	vsub.f32 v34, v59;
	v27 =	vmul.f32 v42, v51;
	v52 =	vmul.f32 v63, v0  }
0x2d8: {  	v4 =	vld [tilespmem:s31+$0xFFFFFFC0];
	v26 =	vmul.f32 v23, v53;
	v6 =	vmul.f32 v6, v0;
	v38 =	vadd.f32 v38, v21  }
0x2d9: {  	v49 =	vld [tilespmem:s31+$0xFFFFFFD0];
	v37 =	vmul.f32 v55, v0;
	v54 =	vadd.f32 v54, v20;
	v39 =	vadd.f32 v39, v19  }
0x2da: {  	v23 =	vld [tilespmem:s31+$0xFFFFFFF0];
	v40 =	vmul.f32 v56, v0;
	v31 =	vadd.f32 v31, v17;
	v30 =	vadd.f32 v30, v13  }
0x2db: {  	v62 =	vld [tilespmem:s31+$0x50];
	v42 =	vmul.f32 v58, v0;
	v35 =	vadd.f32 v50, v1;
	v36 =	vadd.f32 v52, v1  }
0x2dc: {  	v63 =	vld [tilespmem:s31+$0x60];
	v25 =	vmul.f32 v25, v61;
	v6 =	vadd.f32 v6, v1;
	v37 =	vadd.f32 v37, v1  }
0x2dd: {  	v40 =	vadd.f32 v40, v1;
	v42 =	vadd.f32 v42, v1;
	v33 =	vmul.f32 v43, v0  }
0x2de: {  	v4 =	vmul.f32 v4, v0;
	v35 =	vmax.f32 v35, $0.0e+00;
	v34 =	vmul.f32 v49, v0  }
0x2df: {  	v61 =	vld [tilespmem:s31+$0x40];
	v36 =	vmax.f32 v36, $0.0e+00;
	v47 =	vmax.f32 v6, $0.0e+00;
	v37 =	vmax.f32 v37, $0.0e+00  }
0x2e0: {  	v40 =	vmax.f32 v40, $0.0e+00;
	v42 =	vmax.f32 v42, $0.0e+00;
	v23 =	vmul.f32 v23, v0  }
0x2e1: {  	v57 =	vld [tilespmem:s31+$0x10];
	v35 =	vmin.f32 v35, $3.779999690e+02;
	v55 =	vmul.f32 v62, v0;
	v41 =	vmul.f32 v63, v0  }
0x2e2: {  	v52 =	vld [tilespmem:s31+$0xFFFFFF80];
	v36 =	vmin.f32 v36, $3.779999690e+02;
	v46 =	vmin.f32 v47, $3.779999690e+02;
	v37 =	vmin.f32 v37, $3.779999690e+02  }
0x2e3: {  	v40 =	vmin.f32 v40, $3.779999690e+02;
	v42 =	vmin.f32 v42, $3.779999690e+02;
	v33 =	vadd.f32 v33, v1  }
0x2e4: {  	v59 =	vld [tilespmem:s31+$0x30];
	v4 =	vadd.f32 v4, v1;
	v60 =	vtrunc.f32 v35;
	v53 =	vmul.f32 v61, v0  }
0x2e5: {  	v34 =	vadd.f32 v34, v1;
	v51 =	vtrunc.f32 v36;
	v48 =	vtrunc.f32 v37  }
0x2e6: {  	v44 =	vcvt.f32.s32 v60;
	v6 =	vadd.f32 v23, v1;
	v23 =	vmul.f32 v57, v0  }
0x2e7: {  	v58 =	vmul.f32 v52, v0;
	v45 =	vadd.f32 v55, v1;
	v33 =	vmax.f32 v33, $0.0e+00  }
0x2e8: {  	v49 =	vmax.f32 v4, $0.0e+00;
	v34 =	vmax.f32 v34, $0.0e+00;
	v4 =	vadd.f32 v23, v1  }
0x2e9: {  	v23 =	vmul.f32 v59, v0;
	v57 =	vmax.f32 v6, $0.0e+00;
	v6 =	vadd.f32 v53, v1  }
0x2ea: {  	v59 =	vcvt.s32.f32 v44;
	v61 =	vadd.f32 v58, v1;
	v45 =	vmax.f32 v45, $0.0e+00  }
0x2eb: {  	v33 =	vmin.f32 v33, $3.779999690e+02;
	v47 =	vmin.f32 v49, $3.779999690e+02;
	v53 =	vtrunc.f32 v46  }
0x2ec: {  	v12 =	vld.idx.msk [tilespmem:v12+s4+$0x0], $0xffff;
	v55 =	vtrunc.f32 v33;
	v19 =	vcvt.f32.s32 v53;
	v23 =	vadd.f32 v23, v1  }
0x2ed: {  	v15 =	vld.idx.msk [tilespmem:v15+s4+$0x0], $0xffff;
	v60 =	vmax.f32 v4, $0.0e+00;
	v4 =	vadd.f32 v41, v1;
	v35 =	vsub.f32 v35, v59  }
0x2ee: {  	v11 =	vld.idx.msk [tilespmem:v11+s4+$0x0], $0xffff;
	v62 =	vmax.f32 v6, $0.0e+00;
	v41 =	vmax.f32 v61, $0.0e+00;
	v59 =	vtrunc.f32 v40  }
0x2ef: {  	v61 =	vtrunc.f32 v42;
	v20 =	vcvt.f32.s32 v55;
	v41 =	vmin.f32 v41, $3.779999690e+02;
	v56 =	vld.idx.msk [tilespmem:v44+s23+$0x0], $0xffff  }
0x2f0: {  	v5 =	vmovc v8;
	v49 =	vmin.f32 v60, $3.779999690e+02;
	v43 =	vmin.f32 v62, $3.779999690e+02;
	v13 =	vcvt.f32.s32 v59;
	v44 =	vld.idx.msk [tilespmem:v44+s4+$0x0], $0xffff  }
0x2f1: {  	v9 =	vmovc v7;
	v59 =	vadd.f32 v29, v12;
	v23 =	vmax.f32 v23, $0.0e+00;
	v63 =	vmax.f32 v4, $0.0e+00;
	v4 =	vld.idx.msk [tilespmem:v7+s23+$0x0], $0xffff  }
0x2f2: {  	v50 =	vtrunc.f32 v41;
	v60 =	vtrunc.f32 v49;
	v7 =	vld [tilespmem:$0x1FF80];
	v52 =	vmin.f32 v23, $3.779999690e+02  }
0x2f3: {  	v18 =	vld.idx.msk [tilespmem:v18+s4+$0x0], $0xffff;
	v23 =	vmin.f32 v45, $3.779999690e+02;
	v45 =	vtrunc.f32 v47;
	v21 =	vcvt.f32.s32 v50  }
0x2f4: {  	v6 =	vld.idx.msk [tilespmem:v8+s23+$0x0], $0xffff;
	v12 =	vcvt.f32.s32 v60;
	v60 =	vadd.f32 v28, v11;
	v35 =	vmul.f32 v35, v56  }
0x2f5: {  	v62 =	vtrunc.f32 v52;
	v17 =	vcvt.f32.s32 v45;
	v45 =	vadd.f32 v24, v15;
	v24 =	vld.idx.msk [tilespmem:v5+s4+$0x0], $0xffff  }
0x2f6: {  	s29 =	simm.s32 $0x8500;
	v8 =	vtrunc.f32 v23;
	v5 =	vld.idx.msk [tilespmem:v9+s4+$0x0], $0xffff;
	v11 =	vcvt.f32.s32 v62;
	v35 =	vadd.f32 v35, v44  }
0x2f7: {  	s30 =	simm.s32 $0x8600;
	v34 =	vmin.f32 v34, $3.779999690e+02;
	v8 =	vcvt.f32.s32 v8;
	v28 =	vcvt.s32.f32 v21;
	v56 =	vld.idx.msk [tilespmem:v16+s4+$0x0], $0xffff;
	[tilespmem:s29+$0x70] =	vst v7  }
0x2f8: {  	v62 =	vcvt.s32.f32 v20;
	v16 =	vmin.f32 v63, $3.779999690e+02;
	v63 =	vtrunc.f32 v43;
	v7 =	vld.idx.msk [tilespmem:v10+s4+$0x0], $0xffff;
	[tilespmem:s30+$0x70] =	vst v35  }
0x2f9: {  	v50 =	vtrunc.f32 v16;
	v44 =	vmin.f32 v57, $3.779999690e+02;
	v57 =	vtrunc.f32 v34;
	v10 =	vld [tilespmem:$0x1FF90]  }
0x2fa: {  	v32 =	vadd.f32 v32, v18;
	v55 =	vld.idx.msk [tilespmem:v19+s23+$0x0], $0xffff;
	v9 =	vcvt.f32.s32 v63;
	v18 =	vcvt.f32.s32 v57;
	[tilespmem:s29+$0xFFFFFF80] =	vst v38  }
0x2fb: {  	v29 =	vld.idx.msk [tilespmem:v20+s23+$0x0], $0xffff;
	v63 =	vcvt.s32.f32 v17;
	v58 =	vtrunc.f32 v44;
	[tilespmem:s29+$0xFFFFFFA0] =	vst v39  }
0x2fc: {  	v41 =	vsub.f32 v41, v28;
	v53 =	vld.idx.msk [tilespmem:v21+s23+$0x0], $0xffff;
	v15 =	vcvt.f32.s32 v58;
	v58 =	vcvt.s32.f32 v12;
	[tilespmem:s29+$0xFFFFFFD0] =	vst v31  }
0x2fd: {  	v56 =	vadd.f32 v22, v56;
	v22 =	vcvt.f32.s32 v51;
	v38 =	vld.idx.msk [tilespmem:v14+s4+$0x0], $0xffff;
	v14 =	vcvt.f32.s32 v48;
	[tilespmem:s29+$0xFFFFFFE0] =	vst v45  }
0x2fe: {  	v28 =	vld.idx.msk [tilespmem:v17+s23+$0x0], $0xffff;
	v27 =	vadd.f32 v27, v7;
	v7 =	vcvt.f32.s32 v50;
	[tilespmem:s29+$0xFFFFFFF0] =	vst v30;
	v48 =	vcvt.s32.f32 v18  }
0x2ff: {  	[tilespmem:s29+$0x0] =	vst v59;
	v59 =	vcvt.s32.f32 v11;
	v45 =	vld.idx.msk [tilespmem:v12+s23+$0x0], $0xffff;
	v31 =	vcvt.s32.f32 v22  }
0x300: {  	[tilespmem:s29+$0x10] =	vst v60;
	v60 =	vcvt.s32.f32 v9;
	v50 =	vcvt.s32.f32 v15;
	v49 =	vsub.f32 v49, v58;
	v30 =	vld.idx.msk [tilespmem:v18+s23+$0x0], $0xffff  }
0x301: {  	[tilespmem:s29+$0xFFFFFFC0] =	vst v56;
	v39 =	vcvt.s32.f32 v14;
	v51 =	vsub.f32 v34, v48;
	v56 =	vsub.f32 v36, v31;
	v35 =	vld.idx.msk [tilespmem:v10+s4+$0x0], $0xffff  }
0x302: {  	[tilespmem:s29+$0xFFFFFF90] =	vst v54;
	v36 =	vsub.f32 v33, v62;
	v33 =	vld.idx.msk [tilespmem:v13+s23+$0x0], $0xffff;
	v10 =	vcvt.f32.s32 v61;
	v61 =	vcvt.s32.f32 v19  }
0x303: {  	[tilespmem:s29+$0xFFFFFFB0] =	vst v32;
	v34 =	vcvt.s32.f32 v7;
	v50 =	vsub.f32 v44, v50;
	v25 =	vadd.f32 v25, v38;
	v54 =	vld.idx.msk [tilespmem:v22+s23+$0x0], $0xffff  }
0x304: {  	[tilespmem:s29+$0x20] =	vst v27;
	v48 =	vsub.f32 v37, v39;
	v32 =	vld.idx.msk [tilespmem:v15+s23+$0x0], $0xffff;
	v57 =	vsub.f32 v46, v61;
	v46 =	vcvt.s32.f32 v13  }
0x305: {  	v31 =	vld.idx.msk [tilespmem:v14+s23+$0x0], $0xffff;
	[tilespmem:s29+$0x40] =	vst v25;
	v25 =	vmul.f32 v41, v53;
	v41 =	vsub.f32 v43, v60;
	v27 =	vcvt.s32.f32 v10  }
0x306: {  	v38 =	vcvt.s32.f32 v8;
	v46 =	vsub.f32 v40, v46;
	v40 =	vld.idx.msk [tilespmem:v11+s23+$0x0], $0xffff;
	v26 =	vadd.f32 v26, v35  }
0x307: {  	v44 =	vsub.f32 v42, v27;
	v27 =	vmul.f32 v57, v55;
	v42 =	vld.idx.msk [tilespmem:v9+s23+$0x0], $0xffff;
	v35 =	vsub.f32 v47, v63  }
0x308: {  	s2 =	simm.s32 $0x100;
	s19 =	simm.s32 $0x700;
	s0 =	simm.s32 $0x8600;
	v47 =	vsub.f32 v52, v59;
	v39 =	vld.idx.msk [tilespmem:v10+s23+$0x0], $0xffff;
	[tilespmem:s29+$0x30] =	vst v26;
	v26 =	vmul.f32 v56, v54  }
.LBB2_12:
0x309: {  	v43 =	vld [tilespmem:s19+$0x70];
	s2 =	sadd.s32 $0x100, s2;
	v37 =	vmul.f32 v36, v29;
	v23 =	vsub.f32 v23, v38;
	v16 =	vsub.f32 v16, v34  }
0x30a: {  	v38 =	vmul.f32 v35, v28;
	v36 =	vmul.f32 v51, v30;
	v52 =	vld [tilespmem:s19+$0xFFFFFF90];
	p0 =	slt.u32 s2, $0x3F00  }
0x30b: {  	v35 =	vmul.f32 v48, v31;
	v34 =	vmul.f32 v50, v32;
	v30 =	vld [tilespmem:s19+$0xFFFFFFA0]  }
0x30c: {  	v33 =	vmul.f32 v46, v33;
	v32 =	vmul.f32 v49, v45;
	v48 =	vld [tilespmem:s19+$0xFFFFFFB0]  }
0x30d: {  	v31 =	vmul.f32 v44, v39;
	v29 =	vmul.f32 v47, v40;
	v45 =	vld [tilespmem:s19+$0xFFFFFFC0]  }
0x30e: {  	v28 =	vmul.f32 v41, v42;
	v39 =	vld [tilespmem:s19+$0xFFFFFFD0];
	v40 =	vmul.f32 v43, v0  }
0x30f: {  	v6 =	vmul.f32 v3, v6;
	v3 =	vmov v23;
	v41 =	vmul.f32 v52, v0;
	v42 =	vld [tilespmem:s19+$0xFFFFFFE0]  }
0x310: {  	v23 =	vmul.f32 v30, v0;
	v43 =	vld [tilespmem:s19+$0xFFFFFFF0];
	v40 =	vadd.f32 v40, v1;
	v30 =	vmul.f32 v2, v4;
	v2 =	vmovc v16  }
0x311: {  	v6 =	vadd.f32 v6, v24;
	v4 =	vadd.f32 v41, v1;
	v16 =	vmul.f32 v48, v0;
	v41 =	vld [tilespmem:s19+$0x0]  }
0x312: {  	v23 =	vadd.f32 v23, v1;
	v24 =	vmul.f32 v45, v0;
	v44 =	vld [tilespmem:s19+$0x10];
	v40 =	vmax.f32 v40, $0.0e+00  }
0x313: {  	v16 =	vadd.f32 v16, v1;
	v39 =	vmul.f32 v39, v0;
	v45 =	vld [tilespmem:s19+$0x20];
	v40 =	vmin.f32 v40, $3.779999690e+02;
	[tilespmem:s29+$0x50] =	vst v6  }
0x314: {  	v6 =	vadd.f32 v24, v1;
	v24 =	vmul.f32 v42, v0;
	v42 =	vld [tilespmem:s19+$0x30];
	v46 =	vtrunc.f32 v40  }
0x315: {  	v39 =	vadd.f32 v39, v1;
	v43 =	vmul.f32 v43, v0;
	v47 =	vld [tilespmem:s19+$0x40];
	v46 =	vcvt.f32.s32 v46  }
0x316: {  	v48 =	vmax.f32 v4, $0.0e+00;
	v24 =	vadd.f32 v24, v1;
	v4 =	vmul.f32 v41, v0;
	v41 =	vld [tilespmem:s19+$0x50]  }
0x317: {  	v23 =	vmax.f32 v23, $0.0e+00;
	v43 =	vadd.f32 v43, v1;
	v44 =	vmul.f32 v44, v0;
	v49 =	vld [tilespmem:s19+$0x60]  }
0x318: {  	v16 =	vmax.f32 v16, $0.0e+00;
	v50 =	vld [tilespmem:s19+$0xFFFFFF80];
	v51 =	vadd.f32 v4, v1;
	v4 =	vmul.f32 v45, v0  }
0x319: {  	v45 =	vmax.f32 v6, $0.0e+00;
	v44 =	vadd.f32 v44, v1;
	v42 =	vmul.f32 v42, v0;
	v6 =	vld.idx.msk [tilespmem:v8+s23+$0x0], $0xffff  }
0x31a: {  	v39 =	vmax.f32 v39, $0.0e+00;
	v52 =	vadd.f32 v4, v1;
	v47 =	vmul.f32 v47, v0;
	v4 =	vld.idx.msk [tilespmem:v7+s23+$0x0], $0xffff  }
0x31b: {  	v24 =	vmax.f32 v24, $0.0e+00;
	v42 =	vadd.f32 v42, v1;
	v41 =	vmul.f32 v41, v0;
	v53 =	vld.idx.msk [tilespmem:v46+s23+$0x0], $0xffff  }
0x31c: {  	v43 =	vmax.f32 v43, $0.0e+00;
	v47 =	vadd.f32 v47, v1;
	v49 =	vmul.f32 v49, v0;
	v21 =	vld.idx.msk [tilespmem:v21+s4+$0x0], $0xffff  }
0x31d: {  	v54 =	vcvt.s32.f32 v46;
	v50 =	vmul.f32 v50, v0;
	v41 =	vadd.f32 v41, v1;
	v46 =	vld.idx.msk [tilespmem:v46+s4+$0x0], $0xffff  }
0x31e: {  	v51 =	vmax.f32 v51, $0.0e+00;
	v55 =	vmax.f32 v44, $0.0e+00;
	v44 =	vadd.f32 v49, v1;
	v22 =	vld.idx.msk [tilespmem:v22+s4+$0x0], $0xffff  }
0x31f: {  	v40 =	vsub.f32 v40, v54;
	v49 =	vadd.f32 v50, v1;
	v50 =	vmax.f32 v52, $0.0e+00;
	v19 =	vld.idx.msk [tilespmem:v19+s4+$0x0], $0xffff  }
0x320: {  	v42 =	vmax.f32 v42, $0.0e+00;
	v52 =	vmax.f32 v47, $0.0e+00;
	v54 =	vmax.f32 v41, $0.0e+00;
	v20 =	vld.idx.msk [tilespmem:v20+s4+$0x0], $0xffff  }
0x321: {  	v40 =	vmul.f32 v40, v53;
	v41 =	vmax.f32 v49, $0.0e+00;
	v49 =	vmax.f32 v44, $0.0e+00;
	v17 =	vld.idx.msk [tilespmem:v17+s4+$0x0], $0xffff  }
0x322: {  	v56 =	vmin.f32 v48, $3.779999690e+02;
	v57 =	vmin.f32 v23, $3.779999690e+02;
	v53 =	vmin.f32 v41, $3.779999690e+02;
	v18 =	vld.idx.msk [tilespmem:v18+s4+$0x0], $0xffff  }
0x323: {  	v48 =	vmin.f32 v16, $3.779999690e+02;
	v47 =	vmin.f32 v45, $3.779999690e+02;
	v16 =	vadd.f32 v40, v46;
	v14 =	vld.idx.msk [tilespmem:v14+s4+$0x0], $0xffff  }
0x324: {  	s30 =	sadd.s32 $0x100, s30;
	v45 =	vmin.f32 v39, $3.779999690e+02;
	v39 =	vmin.f32 v43, $3.779999690e+02;
	v46 =	vmin.f32 v24, $3.779999690e+02;
	v15 =	vld.idx.msk [tilespmem:v15+s4+$0x0], $0xffff  }
0x325: {  	v44 =	vmin.f32 v51, $3.779999690e+02;
	v40 =	vmin.f32 v55, $3.779999690e+02;
	v41 =	vmin.f32 v50, $3.779999690e+02;
	[tilespmem:s30+$0x70] =	vst v16;
	v13 =	vld.idx.msk [tilespmem:v13+s4+$0x0], $0xffff  }
0x326: {  	v42 =	vmin.f32 v42, $3.779999690e+02;
	v43 =	vmin.f32 v52, $3.779999690e+02;
	v23 =	vmin.f32 v54, $3.779999690e+02;
	v12 =	vld.idx.msk [tilespmem:v12+s4+$0x0], $0xffff  }
0x327: {  	v51 =	vtrunc.f32 v56;
	v50 =	vtrunc.f32 v53;
	v16 =	vmin.f32 v49, $3.779999690e+02;
	v10 =	vld.idx.msk [tilespmem:v10+s4+$0x0], $0xffff  }
0x328: {  	v52 =	vtrunc.f32 v48;
	v21 =	vadd.f32 v25, v21;
	v49 =	vtrunc.f32 v57;
	v11 =	vld.idx.msk [tilespmem:v11+s4+$0x0], $0xffff  }
0x329: {  	v54 =	vtrunc.f32 v45;
	v25 =	vtrunc.f32 v47;
	v22 =	vadd.f32 v26, v22;
	v26 =	vld.idx.msk [tilespmem:v9+s4+$0x0], $0xffff  }
0x32a: {  	v55 =	vtrunc.f32 v39;
	v19 =	vadd.f32 v27, v19;
	v9 =	vtrunc.f32 v46;
	[tilespmem:s0+$0xFFFFFF80] =	vst v21;
	v24 =	vld.idx.msk [tilespmem:v8+s4+$0x0], $0xffff  }
0x32b: {  	v27 =	vtrunc.f32 v40;
	v20 =	vadd.f32 v37, v20;
	v8 =	vtrunc.f32 v44;
	[tilespmem:s0+$0xFFFFFF90] =	vst v22;
	v37 =	vld.idx.msk [tilespmem:v7+s4+$0x0], $0xffff  }
0x32c: {  	v58 =	vtrunc.f32 v42;
	v17 =	vadd.f32 v38, v17;
	v7 =	vtrunc.f32 v41;
	[tilespmem:s0+$0xFFFFFFA0] =	vst v19  }
0x32d: {  	v59 =	vtrunc.f32 v23;
	v38 =	vtrunc.f32 v43;
	v18 =	vadd.f32 v36, v18;
	[tilespmem:s0+$0xFFFFFFB0] =	vst v20  }
0x32e: {  	v36 =	vtrunc.f32 v16;
	v14 =	vadd.f32 v35, v14;
	v21 =	vcvt.f32.s32 v50;
	[tilespmem:s0+$0xFFFFFFC0] =	vst v17  }
0x32f: {  	v15 =	vadd.f32 v34, v15;
	v22 =	vcvt.f32.s32 v51;
	v19 =	vcvt.f32.s32 v49;
	[tilespmem:s0+$0xFFFFFFD0] =	vst v18  }
0x330: {  	v20 =	vcvt.f32.s32 v52;
	v17 =	vcvt.f32.s32 v25;
	v25 =	vadd.f32 v33, v13;
	[tilespmem:s0+$0xFFFFFFE0] =	vst v14  }
0x331: {  	v18 =	vcvt.f32.s32 v54;
	v14 =	vcvt.f32.s32 v9;
	v9 =	vadd.f32 v32, v12;
	[tilespmem:s0+$0xFFFFFFF0] =	vst v15  }
0x332: {  	v13 =	vcvt.f32.s32 v8;
	v8 =	vadd.f32 v31, v10;
	v15 =	vcvt.f32.s32 v55;
	[tilespmem:s0+$0x0] =	vst v25  }
0x333: {  	v10 =	vcvt.f32.s32 v7;
	v12 =	vcvt.f32.s32 v27;
	v25 =	vadd.f32 v29, v11;
	[tilespmem:s0+$0x10] =	vst v9  }
0x334: {  	v26 =	vadd.f32 v28, v26;
	v11 =	vcvt.f32.s32 v58;
	v9 =	vcvt.f32.s32 v38;
	v27 =	vld.idx.msk [tilespmem:v21+s23+$0x0], $0xffff;
	[tilespmem:s0+$0x20] =	vst v8  }
0x335: {  	v7 =	vcvt.f32.s32 v36;
	v8 =	vcvt.f32.s32 v59;
	v49 =	vld.idx.msk [tilespmem:v22+s23+$0x0], $0xffff;
	[tilespmem:s0+$0x30] =	vst v25;
	v25 =	vadd.f32 v30, v5;
	v5 =	vmovc v37  }
0x336: {  	v28 =	vcvt.s32.f32 v21;
	v30 =	vcvt.s32.f32 v22;
	v37 =	vld.idx.msk [tilespmem:v19+s23+$0x0], $0xffff;
	[tilespmem:s0+$0x40] =	vst v26  }
0x337: {  	v32 =	vcvt.s32.f32 v20;
	v26 =	vcvt.s32.f32 v19;
	v29 =	vld.idx.msk [tilespmem:v20+s23+$0x0], $0xffff;
	[tilespmem:s29+$0x60] =	vst v25;
	s29 =	smov.u32 s0;
	s0 =	smov.u32 s30  }
0x338: {  	v33 =	vcvt.s32.f32 v17;
	v34 =	vcvt.s32.f32 v18;
	v25 =	vsub.f32 v53, v28;
	v28 =	vld.idx.msk [tilespmem:v17+s23+$0x0], $0xffff  }
0x339: {  	v50 =	vcvt.s32.f32 v14;
	v52 =	vsub.f32 v56, v30;
	v53 =	vcvt.s32.f32 v15;
	v30 =	vld.idx.msk [tilespmem:v18+s23+$0x0], $0xffff  }
0x33a: {  	v55 =	vcvt.s32.f32 v12;
	v54 =	vsub.f32 v57, v26;
	v26 =	vcvt.s32.f32 v13;
	v31 =	vld.idx.msk [tilespmem:v14+s23+$0x0], $0xffff  }
0x33b: {  	v36 =	vsub.f32 v48, v32;
	v56 =	vcvt.s32.f32 v10;
	v57 =	vcvt.s32.f32 v11;
	v32 =	vld.idx.msk [tilespmem:v15+s23+$0x0], $0xffff  }
.Ltmp5:
0x33c: {  	v35 =	vsub.f32 v47, v33;
	v58 =	vcvt.s32.f32 v9;
	v38 =	vcvt.s32.f32 v8;
	v33 =	vld.idx.msk [tilespmem:v13+s23+$0x0], $0xffff;
	(pc) =	sbr.rel @p0 .LBB2_12-.Ltmp5, $4  }
0x33d: {  	v51 =	vsub.f32 v45, v34;
	v34 =	vcvt.s32.f32 v7;
	v48 =	vsub.f32 v46, v50;
	v45 =	vld.idx.msk [tilespmem:v12+s23+$0x0], $0xffff  }
0x33e: {  	v25 =	vmul.f32 v25, v27;
	v50 =	vsub.f32 v39, v53;
	v46 =	vsub.f32 v44, v26;
	v39 =	vld.idx.msk [tilespmem:v10+s23+$0x0], $0xffff  }
0x33f: {  	v26 =	vmul.f32 v52, v49;
	v49 =	vsub.f32 v40, v55;
	v44 =	vsub.f32 v41, v56;
	v40 =	vld.idx.msk [tilespmem:v11+s23+$0x0], $0xffff  }
0x340: {  	s19 =	sadd.s32 $0x100, s19;
	v47 =	vsub.f32 v42, v57;
	v41 =	vsub.f32 v43, v58;
	v27 =	vmul.f32 v54, v37;
	v42 =	vld.idx.msk [tilespmem:v9+s23+$0x0], $0xffff  }
0x341: {  	_ =	sdelay $0x3  }
0x342: {  	v37 =	vld.idx.msk [tilespmem:v8+s23+$0x0], $0xffff  }
0x343: {  	v21 =	vld.idx.msk [tilespmem:v21+s4+$0x0], $0xffff  }
0x344: {  	v22 =	vld.idx.msk [tilespmem:v22+s4+$0x0], $0xffff  }
0x345: {  	v3 =	vmul.f32 v3, v6;
	v6 =	vld.idx.msk [tilespmem:v19+s4+$0x0], $0xffff  }
0x346: {  	v19 =	vld.idx.msk [tilespmem:v20+s4+$0x0], $0xffff  }
0x347: {  	v17 =	vld.idx.msk [tilespmem:v17+s4+$0x0], $0xffff  }
0x348: {  	v18 =	vld.idx.msk [tilespmem:v18+s4+$0x0], $0xffff  }
0x349: {  	v15 =	vld.idx.msk [tilespmem:v15+s4+$0x0], $0xffff;
	v3 =	vadd.f32 v3, v24  }
0x34a: {  	v20 =	vmul.f32 v36, v29;
	v13 =	vld.idx.msk [tilespmem:v13+s4+$0x0], $0xffff;
	v21 =	vadd.f32 v25, v21  }
0x34b: {  	v23 =	vsub.f32 v23, v38;
	[tilespmem:s29+$0x50] =	vst v3;
	v3 =	vld.idx.msk [tilespmem:v14+s4+$0x0], $0xffff;
	v14 =	vadd.f32 v26, v22  }
0x34c: {  	v12 =	vld.idx.msk [tilespmem:v12+s4+$0x0], $0xffff;
	v22 =	vmul.f32 v35, v28;
	v6 =	vadd.f32 v27, v6;
	[tilespmem:s0+$0xFFFFFF80] =	vst v21  }
0x34d: {  	v10 =	vld.idx.msk [tilespmem:v10+s4+$0x0], $0xffff;
	v21 =	vmul.f32 v51, v30;
	[tilespmem:s0+$0xFFFFFF90] =	vst v14;
	v14 =	vadd.f32 v20, v19  }
0x34e: {  	v11 =	vld.idx.msk [tilespmem:v11+s4+$0x0], $0xffff;
	v19 =	vmul.f32 v48, v31;
	[tilespmem:s0+$0xFFFFFFA0] =	vst v6;
	v6 =	vadd.f32 v22, v17  }
0x34f: {  	v2 =	vmul.f32 v2, v4;
	v17 =	vmul.f32 v50, v32;
	[tilespmem:s0+$0xFFFFFFB0] =	vst v14;
	v14 =	vadd.f32 v21, v18  }
0x350: {  	v9 =	vld.idx.msk [tilespmem:v9+s4+$0x0], $0xffff;
	v18 =	vmul.f32 v46, v33;
	[tilespmem:s0+$0xFFFFFFC0] =	vst v6;
	v3 =	vadd.f32 v19, v3  }
0x351: {  	v2 =	vadd.f32 v2, v5;
	v6 =	vmul.f32 v49, v45;
	[tilespmem:s0+$0xFFFFFFD0] =	vst v14;
	v14 =	vadd.f32 v17, v15  }
0x352: {  	v15 =	vmul.f32 v44, v39;
	v17 =	vld.idx.msk [tilespmem:v7+s23+$0x0], $0xffff;
	[tilespmem:s0+$0xFFFFFFE0] =	vst v3;
	v3 =	vadd.f32 v18, v13  }
0x353: {  	v8 =	vld.idx.msk [tilespmem:v8+s4+$0x0], $0xffff;
	[tilespmem:s29+$0x60] =	vst v2;
	v13 =	vmul.f32 v47, v40;
	v6 =	vadd.f32 v6, v12  }
0x354: {  	v12 =	vmul.f32 v41, v42;
	v7 =	vld.idx.msk [tilespmem:v7+s4+$0x0], $0xffff;
	[tilespmem:s0+$0x0] =	vst v3;
	v3 =	vadd.f32 v15, v10  }
0x355: {  	v10 =	vsub.f32 v16, v34;
	[tilespmem:s0+$0x10] =	vst v6;
	v4 =	vadd.f32 v13, v11  }
0x356: {  	v6 =	vmul.f32 v23, v37;
	[tilespmem:s0+$0x20] =	vst v3;
	v3 =	vadd.f32 v12, v9  }
0x357: {  	[tilespmem:s0+$0x30] =	vst v4;
	v4 =	vmul.f32 v10, v17  }
0x358: {  	[tilespmem:s0+$0x40] =	vst v3;
	v3 =	vadd.f32 v6, v8  }
0x359: {  	[tilespmem:s0+$0xFFFFFFF0] =	vst v14;
	v2 =	vadd.f32 v4, v7  }
0x35a: {  	[tilespmem:s0+$0x50] =	vst v3  }
0x35b: {  	s31 =	simm.s32 $0x0;
	[tilespmem:s0+$0x60] =	vst v2  }
0x35c: {  	[hbm4b:s15+s31] =	stream.linear.scatter [tilespmem:s24], [sflag:$0x2], $0x4000, $0x38;
	[tilespmem:$0x10480] =	vst v63  }
0x35d: {  	_ =	swait.ge [sflag:s22], $0x4000  }
0x35e: {  	[sflag:s22] =	ssyncset.done $0x0  }
0x35f: {  	[sflag:s22] =	ssyncadd.s32 $0xFFFFC000  }
0x360: {  	_ =	swait.ge [sflag:s26], $0x4000  }
0x361: {  	[sflag:s26] =	ssyncset.done $0x0  }
0x362: {  	s29 =	simm.s32 $0x0;
	[sflag:s26] =	ssyncadd.s32 $0xFFFFC000  }
0x363: {  	v2 =	vld [tilespmem:s29+$0x4570]  }
0x364: {  	v3 =	vld [tilespmem:s29+$0x4480]  }
0x365: {  	v4 =	vld [tilespmem:s29+$0x4490]  }
0x366: {  	v5 =	vld [tilespmem:s29+$0x44A0]  }
0x367: {  	v6 =	vld [tilespmem:s29+$0x44B0]  }
0x368: {  	v7 =	vld [tilespmem:s29+$0x44C0]  }
0x369: {  	v8 =	vld [tilespmem:s29+$0x44D0]  }
0x36a: {  	v9 =	vld [tilespmem:s29+$0x44E0]  }
0x36b: {  	v10 =	vld [tilespmem:s29+$0x44F0]  }
0x36c: {  	v11 =	vld [tilespmem:s29+$0x4500]  }
0x36d: {  	v12 =	vld [tilespmem:s29+$0x4510];
	v2 =	vmul.f32 v2, v0;
	v3 =	vmul.f32 v3, v0  }
0x36e: {  	v13 =	vld [tilespmem:s29+$0x4520];
	v4 =	vmul.f32 v4, v0;
	v5 =	vmul.f32 v5, v0  }
0x36f: {  	v15 =	vld [tilespmem:s29+$0x4530];
	v6 =	vmul.f32 v6, v0;
	v7 =	vmul.f32 v7, v0  }
0x370: {  	v16 =	vld [tilespmem:s29+$0x4540];
	v8 =	vmul.f32 v8, v0;
	v9 =	vmul.f32 v9, v0  }
0x371: {  	v17 =	vld [tilespmem:s29+$0x4550];
	v10 =	vmul.f32 v10, v0;
	v11 =	vmul.f32 v11, v0  }
0x372: {  	v18 =	vld [tilespmem:s29+$0x4560];
	v12 =	vmul.f32 v12, v0;
	v2 =	vadd.f32 v2, v1;
	v3 =	vadd.f32 v3, v1  }
0x373: {  	v13 =	vmul.f32 v13, v0;
	v4 =	vadd.f32 v4, v1;
	v5 =	vadd.f32 v5, v1  }
0x374: {  	v15 =	vmul.f32 v15, v0;
	v6 =	vadd.f32 v6, v1;
	v7 =	vadd.f32 v7, v1  }
0x375: {  	v16 =	vmul.f32 v16, v0;
	v8 =	vadd.f32 v8, v1;
	v9 =	vadd.f32 v9, v1  }
0x376: {  	v17 =	vmul.f32 v17, v0;
	v10 =	vadd.f32 v10, v1;
	v11 =	vadd.f32 v11, v1  }
0x377: {  	v18 =	vmul.f32 v18, v0;
	v12 =	vadd.f32 v12, v1;
	v13 =	vadd.f32 v13, v1  }
0x378: {  	v15 =	vadd.f32 v15, v1;
	v16 =	vadd.f32 v16, v1  }
0x379: {  	v17 =	vadd.f32 v17, v1;
	v18 =	vadd.f32 v18, v1;
	v2 =	vmax.f32 v2, $0.0e+00  }
0x37a: {  	v3 =	vmax.f32 v3, $0.0e+00;
	v4 =	vmax.f32 v4, $0.0e+00;
	v5 =	vmax.f32 v5, $0.0e+00  }
0x37b: {  	v6 =	vmax.f32 v6, $0.0e+00;
	v7 =	vmax.f32 v7, $0.0e+00;
	v8 =	vmax.f32 v8, $0.0e+00  }
0x37c: {  	v9 =	vmax.f32 v9, $0.0e+00;
	v10 =	vmax.f32 v10, $0.0e+00;
	v2 =	vmin.f32 v2, $3.779999690e+02  }
0x37d: {  	v11 =	vmax.f32 v11, $0.0e+00;
	v12 =	vmax.f32 v12, $0.0e+00;
	v14 =	vtrunc.f32 v2  }
0x37e: {  	v13 =	vmax.f32 v13, $0.0e+00;
	v16 =	vmax.f32 v16, $0.0e+00;
	v14 =	vcvt.f32.s32 v14  }
0x37f: {  	v17 =	vmax.f32 v17, $0.0e+00;
	v22 =	vmax.f32 v18, $0.0e+00;
	v3 =	vmin.f32 v3, $3.779999690e+02  }
0x380: {  	v4 =	vmin.f32 v4, $3.779999690e+02;
	v23 =	vmin.f32 v5, $3.779999690e+02;
	v6 =	vmin.f32 v6, $3.779999690e+02  }
0x381: {  	v24 =	vmin.f32 v7, $3.779999690e+02;
	v25 =	vmin.f32 v8, $3.779999690e+02;
	v5 =	vtrunc.f32 v3  }
0x382: {  	v26 =	vmin.f32 v9, $3.779999690e+02;
	v7 =	vtrunc.f32 v4;
	v8 =	vtrunc.f32 v23  }
0x383: {  	v27 =	vmin.f32 v10, $3.779999690e+02;
	v9 =	vtrunc.f32 v6;
	v10 =	vtrunc.f32 v24  }
0x384: {  	v29 =	vmin.f32 v11, $3.779999690e+02;
	v28 =	vtrunc.f32 v25;
	v21 =	vcvt.f32.s32 v5;
	v19 =	vld.idx.msk [tilespmem:v14+s23+$0x0], $0xffff  }
0x385: {  	v35 =	vmin.f32 v16, $3.779999690e+02;
	v18 =	vcvt.f32.s32 v9;
	v20 =	vcvt.s32.f32 v14  }
0x386: {  	v36 =	vmin.f32 v17, $3.779999690e+02;
	v11 =	vtrunc.f32 v26;
	v16 =	vcvt.f32.s32 v10  }
0x387: {  	v30 =	vtrunc.f32 v27;
	v17 =	vcvt.f32.s32 v28;
	v2 =	vsub.f32 v2, v20  }
0x388: {  	v31 =	vmin.f32 v12, $3.779999690e+02;
	v12 =	vtrunc.f32 v29;
	v20 =	vcvt.f32.s32 v7;
	v58 =	vld.idx.msk [tilespmem:v14+s4+$0x0], $0xffff  }
0x389: {  	v15 =	vmax.f32 v15, $0.0e+00;
	v2 =	vmul.f32 v2, v19;
	v19 =	vcvt.f32.s32 v8  }
0x38a: {  	v37 =	vmin.f32 v22, $3.779999690e+02;
	v5 =	vtrunc.f32 v31;
	v14 =	vcvt.f32.s32 v11;
	v38 =	vld.idx.msk [tilespmem:v21+s23+$0x0], $0xffff  }
0x38b: {  	v32 =	vmin.f32 v13, $3.779999690e+02;
	v28 =	vtrunc.f32 v37;
	v13 =	vcvt.f32.s32 v30;
	v40 =	vld.idx.msk [tilespmem:v18+s23+$0x0], $0xffff  }
0x38c: {  	v33 =	vmin.f32 v15, $3.779999690e+02;
	v12 =	vcvt.f32.s32 v12;
	v9 =	vcvt.f32.s32 v28;
	v28 =	vld.idx.msk [tilespmem:v16+s23+$0x0], $0xffff  }
0x38d: {  	v7 =	vtrunc.f32 v32;
	v11 =	vcvt.f32.s32 v5;
	v42 =	vld.idx.msk [tilespmem:v17+s23+$0x0], $0xffff;
	v2 =	vadd.f32 v2, v58  }
0x38e: {  	v10 =	vcvt.f32.s32 v7;
	v30 =	vld.idx.msk [tilespmem:v20+s23+$0x0], $0xffff;
	v8 =	vtrunc.f32 v33  }
0x38f: {  	v15 =	vtrunc.f32 v35;
	v8 =	vcvt.f32.s32 v8;
	v39 =	vld.idx.msk [tilespmem:v19+s23+$0x0], $0xffff;
	[tilespmem:$0x1FF60] =	vst v2  }
0x390: {  	v15 =	vcvt.f32.s32 v15;
	v43 =	vld.idx.msk [tilespmem:v14+s23+$0x0], $0xffff  }
0x391: {  	v22 =	vtrunc.f32 v36;
	v60 =	vcvt.s32.f32 v18;
	v45 =	vld.idx.msk [tilespmem:v13+s23+$0x0], $0xffff  }
0x392: {  	v61 =	vcvt.s32.f32 v17;
	v46 =	vcvt.s32.f32 v13;
	v47 =	vld.idx.msk [tilespmem:v12+s23+$0x0], $0xffff  }
0x393: {  	v5 =	vcvt.f32.s32 v22;
	v22 =	vcvt.s32.f32 v21;
	v57 =	vld.idx.msk [tilespmem:v11+s23+$0x0], $0xffff;
	[tilespmem:$0x1FF70] =	vst v8  }
0x394: {  	v6 =	vsub.f32 v6, v60;
	v59 =	vcvt.s32.f32 v20;
	v62 =	vcvt.s32.f32 v14;
	v60 =	vld.idx.msk [tilespmem:v10+s23+$0x0], $0xffff  }
0x395: {  	v25 =	vsub.f32 v25, v61;
	v3 =	vsub.f32 v3, v22;
	v22 =	vcvt.s32.f32 v16;
	v54 =	vld.idx.msk [tilespmem:v8+s23+$0x0], $0xffff  }
0x396: {  	s30 =	simm.s32 $0x100;
	v4 =	vsub.f32 v4, v59;
	v63 =	vcvt.s32.f32 v11;
	v26 =	vsub.f32 v26, v62;
	v62 =	vld.idx.msk [tilespmem:v15+s23+$0x0], $0xffff  }
0x397: {  	v24 =	vsub.f32 v24, v22;
	v38 =	vmul.f32 v3, v38;
	v3 =	vsub.f32 v27, v46;
	v27 =	vld [tilespmem:s30+$0x4570]  }
0x398: {  	v59 =	vcvt.s32.f32 v8;
	v46 =	vmul.f32 v4, v30;
	v4 =	vsub.f32 v31, v63;
	v63 =	vld [tilespmem:s30+$0x4480]  }
0x399: {  	v52 =	vcvt.s32.f32 v15;
	v22 =	vmul.f32 v6, v40;
	v6 =	vld [tilespmem:s30+$0x4490]  }
0x39a: {  	v34 =	vmul.f32 v24, v28;
	v24 =	vsub.f32 v33, v59;
	v33 =	vmul.f32 v25, v42;
	v25 =	vld [tilespmem:s30+$0x44A0]  }
0x39b: {  	v35 =	vsub.f32 v35, v52;
	v52 =	vld [tilespmem:s30+$0x44D0]  }
0x39c: {  	v2 =	vcvt.s32.f32 v19;
	v55 =	vld [tilespmem:s30+$0x44F0]  }
0x39d: {  	v21 =	vld.idx.msk [tilespmem:v21+s4+$0x0], $0xffff  }
0x39e: {  	v2 =	vsub.f32 v23, v2;
	v23 =	vcvt.s32.f32 v12;
	v20 =	vld.idx.msk [tilespmem:v20+s4+$0x0], $0xffff  }
0x39f: {  	v61 =	vcvt.s32.f32 v9;
	v58 =	vcvt.s32.f32 v10;
	v19 =	vld.idx.msk [tilespmem:v19+s4+$0x0], $0xffff  }
0x3a0: {  	v53 =	vcvt.s32.f32 v5;
	v18 =	vld.idx.msk [tilespmem:v18+s4+$0x0], $0xffff;
	v23 =	vsub.f32 v29, v23;
	v39 =	vmul.f32 v2, v39  }
0x3a1: {  	v17 =	vld.idx.msk [tilespmem:v17+s4+$0x0], $0xffff;
	v29 =	vsub.f32 v32, v58;
	v26 =	vmul.f32 v26, v43;
	v32 =	vmul.f32 v3, v45  }
0x3a2: {  	v13 =	vld.idx.msk [tilespmem:v13+s4+$0x0], $0xffff;
	v31 =	vmul.f32 v23, v47;
	v30 =	vmul.f32 v4, v57  }
0x3a3: {  	v58 =	vld [tilespmem:s30+$0x4520];
	v2 =	vsub.f32 v37, v61;
	v27 =	vmul.f32 v27, v0;
	v29 =	vmul.f32 v29, v60  }
0x3a4: {  	v61 =	vld [tilespmem:s30+$0x4540];
	v3 =	vsub.f32 v36, v53;
	v51 =	vmul.f32 v63, v0;
	v28 =	vmul.f32 v24, v54  }
0x3a5: {  	v23 =	vld [tilespmem:s30+$0x44B0];
	v6 =	vmul.f32 v6, v0;
	v38 =	vadd.f32 v38, v21;
	v46 =	vadd.f32 v46, v20  }
0x3a6: {  	v4 =	vld [tilespmem:s30+$0x44C0];
	v25 =	vmul.f32 v25, v0;
	v39 =	vadd.f32 v39, v19;
	v7 =	vadd.f32 v22, v18  }
0x3a7: {  	v57 =	vld [tilespmem:s30+$0x4510];
	v37 =	vmul.f32 v52, v0;
	v33 =	vadd.f32 v33, v17;
	v32 =	vadd.f32 v32, v13  }
0x3a8: {  	v45 =	vld.idx.msk [tilespmem:v16+s4+$0x0], $0xffff;
	v36 =	vmul.f32 v55, v0;
	v53 =	vadd.f32 v27, v1;
	v54 =	vadd.f32 v51, v1  }
0x3a9: {  	v24 =	vld [tilespmem:s30+$0x44E0];
	v27 =	vmul.f32 v35, v62;
	v6 =	vadd.f32 v6, v1;
	v25 =	vadd.f32 v25, v1  }
0x3aa: {  	v60 =	vld [tilespmem:s30+$0x4530];
	v37 =	vadd.f32 v37, v1;
	v36 =	vadd.f32 v36, v1;
	v43 =	vmul.f32 v58, v0  }
0x3ab: {  	v55 =	vmul.f32 v61, v0;
	v23 =	vmul.f32 v23, v0;
	v40 =	vmax.f32 v53, $0.0e+00  }
0x3ac: {  	v4 =	vmul.f32 v4, v0;
	v35 =	vmax.f32 v54, $0.0e+00;
	v48 =	vmax.f32 v6, $0.0e+00  }
0x3ad: {  	v56 =	vld [tilespmem:s30+$0x4500];
	v25 =	vmax.f32 v25, $0.0e+00;
	v42 =	vmul.f32 v57, v0;
	v43 =	vadd.f32 v43, v1  }
0x3ae: {  	v62 =	vld [tilespmem:s30+$0x4550];
	v36 =	vmax.f32 v36, $0.0e+00;
	v34 =	vadd.f32 v34, v45;
	v40 =	vmin.f32 v40, $3.779999690e+02  }
0x3af: {  	v63 =	vld [tilespmem:s30+$0x4560];
	v24 =	vmul.f32 v24, v0;
	v54 =	vmul.f32 v60, v0;
	v58 =	vadd.f32 v55, v1  }
0x3b0: {  	v35 =	vmin.f32 v35, $3.779999690e+02;
	v47 =	vmin.f32 v48, $3.779999690e+02;
	v48 =	vmin.f32 v25, $3.779999690e+02  }
0x3b1: {  	v55 =	vmin.f32 v36, $3.779999690e+02;
	v23 =	vadd.f32 v23, v1;
	v59 =	vtrunc.f32 v40  }
0x3b2: {  	v4 =	vadd.f32 v4, v1;
	v36 =	vtrunc.f32 v35;
	v44 =	vcvt.f32.s32 v59  }
0x3b3: {  	v6 =	vadd.f32 v24, v1;
	v24 =	vmul.f32 v56, v0;
	v41 =	vmul.f32 v62, v0  }
0x3b4: {  	v43 =	vmax.f32 v43, $0.0e+00;
	v59 =	vmul.f32 v63, v0;
	v22 =	vcvt.f32.s32 v36  }
0x3b5: {  	v23 =	vmax.f32 v23, $0.0e+00;
	v50 =	vmax.f32 v4, $0.0e+00;
	v4 =	vadd.f32 v42, v1  }
0x3b6: {  	v42 =	vmax.f32 v58, $0.0e+00;
	v58 =	vtrunc.f32 v55;
	v24 =	vadd.f32 v24, v1  }
0x3b7: {  	v57 =	vmax.f32 v6, $0.0e+00;
	v6 =	vadd.f32 v54, v1;
	v60 =	vcvt.s32.f32 v44  }
0x3b8: {  	v41 =	vadd.f32 v41, v1;
	v53 =	vmin.f32 v23, $3.779999690e+02;
	v50 =	vmin.f32 v50, $3.779999690e+02  }
0x3b9: {  	v25 =	vmin.f32 v42, $3.779999690e+02;
	v42 =	vtrunc.f32 v48;
	v61 =	vmax.f32 v4, $0.0e+00  }
0x3ba: {  	v4 =	vadd.f32 v59, v1;
	v54 =	vmin.f32 v57, $3.779999690e+02;
	v57 =	vmin.f32 v43, $3.779999690e+02  }
0x3bb: {  	v43 =	vtrunc.f32 v53;
	v19 =	vcvt.f32.s32 v42;
	v40 =	vsub.f32 v40, v60;
	v56 =	vld.idx.msk [tilespmem:v44+s23+$0x0], $0xffff  }
0x3bc: {  	v14 =	vld.idx.msk [tilespmem:v14+s4+$0x0], $0xffff;
	v41 =	vmax.f32 v41, $0.0e+00;
	v52 =	vmin.f32 v61, $3.779999690e+02;
	v49 =	vtrunc.f32 v54  }
0x3bd: {  	v61 =	vtrunc.f32 v57;
	v20 =	vcvt.f32.s32 v43;
	v63 =	vmax.f32 v4, $0.0e+00;
	v44 =	vld.idx.msk [tilespmem:v44+s4+$0x0], $0xffff  }
0x3be: {  	v18 =	vld [tilespmem:$0x1FF60];
	v23 =	vmin.f32 v41, $3.779999690e+02;
	v41 =	vtrunc.f32 v50;
	v60 =	vtrunc.f32 v52  }
0x3bf: {  	v12 =	vld.idx.msk [tilespmem:v12+s4+$0x0], $0xffff;
	v16 =	vmin.f32 v63, $3.779999690e+02;
	v63 =	vtrunc.f32 v25;
	v8 =	vtrunc.f32 v23  }
0x3c0: {  	v11 =	vld.idx.msk [tilespmem:v11+s4+$0x0], $0xffff;
	v24 =	vmax.f32 v24, $0.0e+00;
	v17 =	vcvt.f32.s32 v41;
	v40 =	vmul.f32 v40, v56  }
0x3c1: {  	v45 =	vld.idx.msk [tilespmem:v10+s4+$0x0], $0xffff;
	v62 =	vmax.f32 v6, $0.0e+00;
	v36 =	vtrunc.f32 v16;
	v8 =	vcvt.f32.s32 v8  }
0x3c2: {  	v6 =	vld.idx.msk [tilespmem:v5+s23+$0x0], $0xffff;
	v56 =	vmin.f32 v24, $3.779999690e+02;
	v24 =	vmin.f32 v62, $3.779999690e+02;
	v40 =	vadd.f32 v40, v44  }
0x3c3: {  	v37 =	vmax.f32 v37, $0.0e+00;
	[tilespmem:s29+$0xC570] =	vst v18;
	v4 =	vld.idx.msk [tilespmem:v9+s23+$0x0], $0xffff;
	v59 =	vtrunc.f32 v56;
	v62 =	vtrunc.f32 v24  }
0x3c4: {  	v42 =	vld.idx.msk [tilespmem:v22+s23+$0x0], $0xffff;
	v44 =	vmin.f32 v37, $3.779999690e+02;
	v37 =	vtrunc.f32 v47;
	v13 =	vcvt.f32.s32 v59;
	[tilespmem:s30+$0xC570] =	vst v40  }
0x3c5: {  	v41 =	vadd.f32 v30, v11;
	v11 =	vcvt.f32.s32 v62;
	v62 =	vcvt.s32.f32 v19;
	v10 =	vld [tilespmem:$0x1FF70]  }
0x3c6: {  	v30 =	vld.idx.msk [tilespmem:v20+s23+$0x0], $0xffff;
	v51 =	vtrunc.f32 v44;
	v21 =	vcvt.f32.s32 v37  }
0x3c7: {  	v40 =	vadd.f32 v26, v14;
	v18 =	vcvt.f32.s32 v51;
	v14 =	vcvt.f32.s32 v49;
	v26 =	vld.idx.msk [tilespmem:v5+s4+$0x0], $0xffff;
	[tilespmem:s29+$0xC480] =	vst v38  }
0x3c8: {  	v5 =	vld.idx.msk [tilespmem:v9+s4+$0x0], $0xffff;
	v51 =	vadd.f32 v31, v12;
	v12 =	vcvt.f32.s32 v60;
	v9 =	vcvt.f32.s32 v63;
	[tilespmem:s29+$0xC490] =	vst v46  }
0x3c9: {  	v31 =	vld.idx.msk [tilespmem:v19+s23+$0x0], $0xffff;
	v63 =	vcvt.s32.f32 v20;
	[tilespmem:s29+$0xC4C0] =	vst v34;
	v34 =	vadd.f32 v29, v45;
	v29 =	vcvt.s32.f32 v22  }
0x3ca: {  	v38 =	vld.idx.msk [tilespmem:v15+s4+$0x0], $0xffff;
	v15 =	vcvt.f32.s32 v58;
	[tilespmem:s29+$0xC4B0] =	vst v7;
	v7 =	vcvt.f32.s32 v36  }
0x3cb: {  	[tilespmem:s29+$0xC4A0] =	vst v39;
	v39 =	vcvt.s32.f32 v8;
	v45 =	vcvt.s32.f32 v18;
	v43 =	vsub.f32 v35, v29;
	v29 =	vld.idx.msk [tilespmem:v17+s23+$0x0], $0xffff  }
0x3cc: {  	[tilespmem:s29+$0xC510] =	vst v41;
	v46 =	vcvt.s32.f32 v14;
	v35 =	vcvt.s32.f32 v17;
	v41 =	vld.idx.msk [tilespmem:v11+s23+$0x0], $0xffff  }
0x3cd: {  	[tilespmem:s29+$0xC4E0] =	vst v40;
	v40 =	vcvt.s32.f32 v11;
	v60 =	vcvt.s32.f32 v15;
	v37 =	vld.idx.msk [tilespmem:v10+s4+$0x0], $0xffff  }
0x3ce: {  	[tilespmem:s29+$0xC4D0] =	vst v33;
	v46 =	vsub.f32 v54, v46;
	v58 =	vld.idx.msk [tilespmem:v21+s23+$0x0], $0xffff;
	v36 =	vsub.f32 v50, v35;
	v10 =	vcvt.f32.s32 v61  }
0x3cf: {  	[tilespmem:s29+$0xC4F0] =	vst v32;
	v50 =	vsub.f32 v44, v45;
	v49 =	vsub.f32 v55, v60;
	v32 =	vld.idx.msk [tilespmem:v18+s23+$0x0], $0xffff;
	v61 =	vcvt.s32.f32 v21  }
0x3d0: {  	[tilespmem:s29+$0xC500] =	vst v51;
	v51 =	vcvt.s32.f32 v9;
	v27 =	vadd.f32 v27, v38;
	v38 =	vsub.f32 v48, v62;
	v33 =	vld.idx.msk [tilespmem:v14+s23+$0x0], $0xffff  }
0x3d1: {  	[tilespmem:s29+$0xC520] =	vst v34;
	v62 =	vcvt.s32.f32 v12;
	v45 =	vld.idx.msk [tilespmem:v12+s23+$0x0], $0xffff;
	v59 =	vsub.f32 v47, v61;
	v61 =	vcvt.s32.f32 v13  }
0x3d2: {  	v34 =	vld.idx.msk [tilespmem:v15+s23+$0x0], $0xffff;
	[tilespmem:s29+$0xC540] =	vst v27;
	v28 =	vadd.f32 v28, v37;
	v37 =	vsub.f32 v53, v63;
	v63 =	vcvt.s32.f32 v10  }
0x3d3: {  	v27 =	vmul.f32 v43, v42;
	v48 =	vsub.f32 v52, v62;
	v47 =	vld.idx.msk [tilespmem:v13+s23+$0x0], $0xffff;
	v44 =	vsub.f32 v56, v61  }
0x3d4: {  	s2 =	simm.s32 $0x800;
	s20 =	simm.s32 $0x480;
	s0 =	simm.s32 $0x100;
	v35 =	vcvt.s32.f32 v7;
	v43 =	vld.idx.msk [tilespmem:v10+s23+$0x0], $0xffff;
	[tilespmem:s29+$0xC530] =	vst v28;
	v28 =	vmul.f32 v59, v58;
	v42 =	vsub.f32 v57, v63  }
.LBB2_14:
0x3d5: {  	s19 =	sshra.s32 s2, $0x2;
	s0 =	sadd.s32 $0x100, s0;
	v38 =	vmul.f32 v38, v31;
	v24 =	vsub.f32 v24, v40;
	v25 =	vsub.f32 v25, v51;
	v31 =	vld.idx.msk [tilespmem:v9+s23+$0x0], $0xffff  }
0x3d6: {  	v40 =	vmul.f32 v37, v30;
	v23 =	vsub.f32 v23, v39;
	v16 =	vsub.f32 v16, v35;
	v51 =	vld [tilespmem:s19+$0x4570];
	p0 =	slt.u32 s0, $0x3F00  }
0x3d7: {  	v39 =	vmul.f32 v36, v29;
	v37 =	vmul.f32 v50, v32;
	v52 =	vld [tilespmem:s19+$0x4480]  }
0x3d8: {  	v36 =	vmul.f32 v46, v33;
	v35 =	vmul.f32 v49, v34;
	v50 =	vld [tilespmem:s19+$0x4490]  }
0x3d9: {  	v34 =	vmul.f32 v44, v47;
	v33 =	vmul.f32 v48, v45;
	v46 =	vld [tilespmem:s19+$0x44A0]  }
0x3da: {  	v32 =	vmul.f32 v42, v43;
	v30 =	vmul.f32 v24, v41;
	v44 =	vld [tilespmem:s19+$0x44B0]  }
0x3db: {  	v29 =	vmul.f32 v25, v31;
	v24 =	vld [tilespmem:s19+$0x44C0];
	v41 =	vmul.f32 v51, v0  }
0x3dc: {  	v6 =	vmul.f32 v3, v6;
	v3 =	vmov v23;
	v25 =	vmul.f32 v52, v0;
	v42 =	vld [tilespmem:s19+$0x44D0]  }
0x3dd: {  	v31 =	vmul.f32 v2, v4;
	v2 =	vmovc v16;
	v23 =	vmul.f32 v50, v0;
	v43 =	vld [tilespmem:s19+$0x44E0];
	v41 =	vadd.f32 v41, v1  }
0x3de: {  	v6 =	vadd.f32 v6, v26;
	v4 =	vadd.f32 v25, v1;
	v16 =	vmul.f32 v46, v0;
	v25 =	vld [tilespmem:s19+$0x44F0]  }
0x3df: {  	v23 =	vadd.f32 v23, v1;
	v26 =	vmul.f32 v44, v0;
	v44 =	vld [tilespmem:s19+$0x4500];
	v41 =	vmax.f32 v41, $0.0e+00  }
0x3e0: {  	v16 =	vadd.f32 v16, v1;
	v24 =	vmul.f32 v24, v0;
	v45 =	vld [tilespmem:s19+$0x4510];
	v41 =	vmin.f32 v41, $3.779999690e+02;
	[tilespmem:s29+$0xC550] =	vst v6  }
0x3e1: {  	v6 =	vadd.f32 v26, v1;
	v26 =	vmul.f32 v42, v0;
	v42 =	vld [tilespmem:s19+$0x4520];
	v46 =	vtrunc.f32 v41  }
0x3e2: {  	v24 =	vadd.f32 v24, v1;
	v43 =	vmul.f32 v43, v0;
	v47 =	vld [tilespmem:s19+$0x4530];
	v46 =	vcvt.f32.s32 v46  }
0x3e3: {  	v48 =	vmax.f32 v4, $0.0e+00;
	v26 =	vadd.f32 v26, v1;
	v4 =	vmul.f32 v25, v0;
	v25 =	vld [tilespmem:s19+$0x4540]  }
0x3e4: {  	v23 =	vmax.f32 v23, $0.0e+00;
	v43 =	vadd.f32 v43, v1;
	v44 =	vmul.f32 v44, v0;
	v49 =	vld [tilespmem:s19+$0x4550]  }
0x3e5: {  	v16 =	vmax.f32 v16, $0.0e+00;
	v50 =	vadd.f32 v4, v1;
	v4 =	vmul.f32 v45, v0;
	v45 =	vld [tilespmem:s19+$0x4560]  }
0x3e6: {  	v51 =	vmax.f32 v6, $0.0e+00;
	v44 =	vadd.f32 v44, v1;
	v42 =	vmul.f32 v42, v0;
	v6 =	vld.idx.msk [tilespmem:v8+s23+$0x0], $0xffff  }
0x3e7: {  	v24 =	vmax.f32 v24, $0.0e+00;
	v52 =	vadd.f32 v4, v1;
	v47 =	vmul.f32 v47, v0;
	v4 =	vld.idx.msk [tilespmem:v7+s23+$0x0], $0xffff  }
0x3e8: {  	v26 =	vmax.f32 v26, $0.0e+00;
	v42 =	vadd.f32 v42, v1;
	v25 =	vmul.f32 v25, v0;
	v53 =	vld.idx.msk [tilespmem:v46+s23+$0x0], $0xffff  }
0x3e9: {  	v43 =	vmax.f32 v43, $0.0e+00;
	v47 =	vadd.f32 v47, v1;
	v49 =	vmul.f32 v49, v0;
	v22 =	vld.idx.msk [tilespmem:v22+s4+$0x0], $0xffff  }
0x3ea: {  	v54 =	vcvt.s32.f32 v46;
	v25 =	vadd.f32 v25, v1;
	v45 =	vmul.f32 v45, v0;
	v46 =	vld.idx.msk [tilespmem:v46+s4+$0x0], $0xffff  }
0x3eb: {  	v50 =	vmax.f32 v50, $0.0e+00;
	v44 =	vmax.f32 v44, $0.0e+00;
	v49 =	vadd.f32 v49, v1;
	v21 =	vld.idx.msk [tilespmem:v21+s4+$0x0], $0xffff  }
0x3ec: {  	v41 =	vsub.f32 v41, v54;
	v52 =	vmax.f32 v52, $0.0e+00;
	v45 =	vadd.f32 v45, v1;
	v19 =	vld.idx.msk [tilespmem:v19+s4+$0x0], $0xffff  }
0x3ed: {  	v42 =	vmax.f32 v42, $0.0e+00;
	v54 =	vmax.f32 v47, $0.0e+00;
	v25 =	vmax.f32 v25, $0.0e+00;
	v20 =	vld.idx.msk [tilespmem:v20+s4+$0x0], $0xffff  }
0x3ee: {  	v49 =	vmax.f32 v49, $0.0e+00;
	v41 =	vmul.f32 v41, v53;
	v55 =	vmax.f32 v45, $0.0e+00;
	v17 =	vld.idx.msk [tilespmem:v17+s4+$0x0], $0xffff  }
0x3ef: {  	v48 =	vmin.f32 v48, $3.779999690e+02;
	v56 =	vmin.f32 v16, $3.779999690e+02;
	v53 =	vmin.f32 v23, $3.779999690e+02;
	v18 =	vld.idx.msk [tilespmem:v18+s4+$0x0], $0xffff  }
0x3f0: {  	v51 =	vmin.f32 v51, $3.779999690e+02;
	v47 =	vmin.f32 v24, $3.779999690e+02;
	v16 =	vadd.f32 v41, v46;
	v14 =	vld.idx.msk [tilespmem:v14+s4+$0x0], $0xffff  }
0x3f1: {  	v45 =	vmin.f32 v26, $3.779999690e+02;
	v46 =	vmin.f32 v43, $3.779999690e+02;
	v43 =	vmin.f32 v50, $3.779999690e+02;
	v15 =	vld.idx.msk [tilespmem:v15+s4+$0x0], $0xffff  }
0x3f2: {  	v44 =	vmin.f32 v44, $3.779999690e+02;
	v42 =	vmin.f32 v42, $3.779999690e+02;
	v41 =	vmin.f32 v52, $3.779999690e+02;
	[tilespmem:s19+$0xC570] =	vst v16;
	v13 =	vld.idx.msk [tilespmem:v13+s4+$0x0], $0xffff  }
0x3f3: {  	v24 =	vmin.f32 v54, $3.779999690e+02;
	v25 =	vmin.f32 v25, $3.779999690e+02;
	v23 =	vmin.f32 v49, $3.779999690e+02;
	v12 =	vld.idx.msk [tilespmem:v12+s4+$0x0], $0xffff  }
0x3f4: {  	v49 =	vtrunc.f32 v48;
	v50 =	vtrunc.f32 v53;
	v16 =	vmin.f32 v55, $3.779999690e+02;
	v10 =	vld.idx.msk [tilespmem:v10+s4+$0x0], $0xffff  }
0x3f5: {  	v54 =	vtrunc.f32 v51;
	v22 =	vadd.f32 v27, v22;
	v52 =	vtrunc.f32 v56;
	v11 =	vld.idx.msk [tilespmem:v11+s4+$0x0], $0xffff  }
0x3f6: {  	v27 =	vtrunc.f32 v47;
	v21 =	vadd.f32 v28, v21;
	v55 =	vtrunc.f32 v45;
	v28 =	vld.idx.msk [tilespmem:v9+s4+$0x0], $0xffff  }
0x3f7: {  	v57 =	vtrunc.f32 v43;
	v19 =	vadd.f32 v38, v19;
	v9 =	vtrunc.f32 v46;
	[tilespmem:s30+$0xC480] =	vst v22;
	v26 =	vld.idx.msk [tilespmem:v8+s4+$0x0], $0xffff  }
0x3f8: {  	v38 =	vtrunc.f32 v41;
	v20 =	vadd.f32 v40, v20;
	v8 =	vtrunc.f32 v44;
	[tilespmem:s30+$0xC490] =	vst v21;
	v40 =	vld.idx.msk [tilespmem:v7+s4+$0x0], $0xffff  }
0x3f9: {  	v58 =	vtrunc.f32 v24;
	v17 =	vadd.f32 v39, v17;
	v7 =	vtrunc.f32 v42;
	[tilespmem:s30+$0xC4A0] =	vst v19  }
0x3fa: {  	v59 =	vtrunc.f32 v23;
	v39 =	vtrunc.f32 v25;
	v18 =	vadd.f32 v37, v18;
	[tilespmem:s30+$0xC4B0] =	vst v20  }
0x3fb: {  	v37 =	vtrunc.f32 v16;
	v14 =	vadd.f32 v36, v14;
	v22 =	vcvt.f32.s32 v49;
	[tilespmem:s30+$0xC4C0] =	vst v17  }
0x3fc: {  	v15 =	vadd.f32 v35, v15;
	v21 =	vcvt.f32.s32 v50;
	v19 =	vcvt.f32.s32 v52;
	[tilespmem:s30+$0xC4D0] =	vst v18  }
0x3fd: {  	v20 =	vcvt.f32.s32 v54;
	v17 =	vcvt.f32.s32 v27;
	v27 =	vadd.f32 v34, v13;
	[tilespmem:s30+$0xC4E0] =	vst v14  }
0x3fe: {  	v18 =	vcvt.f32.s32 v55;
	v14 =	vcvt.f32.s32 v9;
	v9 =	vadd.f32 v33, v12;
	[tilespmem:s30+$0xC4F0] =	vst v15  }
0x3ff: {  	v13 =	vcvt.f32.s32 v8;
	v8 =	vadd.f32 v32, v10;
	v15 =	vcvt.f32.s32 v57;
	[tilespmem:s30+$0xC500] =	vst v27  }
0x400: {  	v10 =	vcvt.f32.s32 v7;
	v12 =	vcvt.f32.s32 v38;
	v27 =	vadd.f32 v30, v11;
	[tilespmem:s30+$0xC510] =	vst v9  }
0x401: {  	v28 =	vadd.f32 v29, v28;
	v11 =	vcvt.f32.s32 v58;
	v9 =	vcvt.f32.s32 v39;
	v49 =	vld.idx.msk [tilespmem:v22+s23+$0x0], $0xffff;
	[tilespmem:s30+$0xC520] =	vst v8  }
0x402: {  	v7 =	vcvt.f32.s32 v37;
	v8 =	vcvt.f32.s32 v59;
	v52 =	vld.idx.msk [tilespmem:v21+s23+$0x0], $0xffff;
	[tilespmem:s30+$0xC530] =	vst v27;
	v27 =	vadd.f32 v31, v5;
	v5 =	vmovc v40  }
0x403: {  	v29 =	vcvt.s32.f32 v22;
	v32 =	vcvt.s32.f32 v21;
	v31 =	vld.idx.msk [tilespmem:v19+s23+$0x0], $0xffff;
	[tilespmem:s30+$0xC540] =	vst v28  }
0x404: {  	v34 =	vcvt.s32.f32 v20;
	v28 =	vcvt.s32.f32 v19;
	v30 =	vld.idx.msk [tilespmem:v20+s23+$0x0], $0xffff;
	[tilespmem:s29+$0xC560] =	vst v27;
	s29 =	smov.u32 s30;
	s30 =	smov.u32 s19  }
0x405: {  	v35 =	vcvt.s32.f32 v17;
	v27 =	vsub.f32 v48, v29;
	v48 =	vcvt.s32.f32 v18;
	v29 =	vld.idx.msk [tilespmem:v17+s23+$0x0], $0xffff  }
0x406: {  	v53 =	vsub.f32 v53, v32;
	v54 =	vcvt.s32.f32 v14;
	v55 =	vcvt.s32.f32 v15;
	v32 =	vld.idx.msk [tilespmem:v18+s23+$0x0], $0xffff  }
0x407: {  	v38 =	vsub.f32 v56, v28;
	v28 =	vcvt.s32.f32 v13;
	v56 =	vcvt.s32.f32 v12;
	v33 =	vld.idx.msk [tilespmem:v14+s23+$0x0], $0xffff  }
.Ltmp6:
0x408: {  	v37 =	vsub.f32 v51, v34;
	v57 =	vcvt.s32.f32 v10;
	v40 =	vcvt.s32.f32 v11;
	v34 =	vld.idx.msk [tilespmem:v15+s23+$0x0], $0xffff;
	(pc) =	sbr.rel @p0 .LBB2_14-.Ltmp6, $4  }
0x409: {  	v36 =	vsub.f32 v47, v35;
	v51 =	vcvt.s32.f32 v9;
	v39 =	vcvt.s32.f32 v8;
	v47 =	vld.idx.msk [tilespmem:v13+s23+$0x0], $0xffff  }
0x40a: {  	v35 =	vcvt.s32.f32 v7;
	v46 =	vsub.f32 v46, v54;
	v50 =	vsub.f32 v45, v48;
	v45 =	vld.idx.msk [tilespmem:v12+s23+$0x0], $0xffff  }
0x40b: {  	v27 =	vmul.f32 v27, v49;
	v49 =	vsub.f32 v43, v55;
	v44 =	vsub.f32 v44, v28;
	v43 =	vld.idx.msk [tilespmem:v10+s23+$0x0], $0xffff  }
0x40c: {  	s2 =	sadd.s32 $0x400, s2;
	v42 =	vsub.f32 v42, v57;
	v28 =	vmul.f32 v53, v52;
	v48 =	vsub.f32 v41, v56;
	v41 =	vld.idx.msk [tilespmem:v11+s23+$0x0], $0xffff  }
0x40d: {  	_ =	sdelay $0x3  }
0x40e: {  	v0 =	vld.idx.msk [tilespmem:v9+s23+$0x0], $0xffff  }
0x40f: {  	v1 =	vld.idx.msk [tilespmem:v8+s23+$0x0], $0xffff  }
0x410: {  	v22 =	vld.idx.msk [tilespmem:v22+s4+$0x0], $0xffff  }
0x411: {  	v21 =	vld.idx.msk [tilespmem:v21+s4+$0x0], $0xffff  }
0x412: {  	v60 =	vld.idx.msk [tilespmem:v19+s4+$0x0], $0xffff  }
0x413: {  	v3 =	vmul.f32 v3, v6;
	v61 =	vld.idx.msk [tilespmem:v20+s4+$0x0], $0xffff  }
0x414: {  	v17 =	vld.idx.msk [tilespmem:v17+s4+$0x0], $0xffff;
	v2 =	vmul.f32 v2, v4  }
0x415: {  	v62 =	vmul.f32 v38, v31;
	v24 =	vsub.f32 v24, v40;
	v18 =	vld.idx.msk [tilespmem:v18+s4+$0x0], $0xffff;
	v3 =	vadd.f32 v3, v26  }
0x416: {  	v25 =	vsub.f32 v25, v51;
	v63 =	vmul.f32 v37, v30;
	v15 =	vld.idx.msk [tilespmem:v15+s4+$0x0], $0xffff;
	v2 =	vadd.f32 v2, v5  }
0x417: {  	v23 =	vsub.f32 v23, v39;
	v13 =	vld.idx.msk [tilespmem:v13+s4+$0x0], $0xffff;
	[tilespmem:s29+$0xC550] =	vst v3;
	v22 =	vadd.f32 v27, v22  }
0x418: {  	v31 =	vmul.f32 v36, v29;
	v12 =	vld.idx.msk [tilespmem:v12+s4+$0x0], $0xffff;
	[tilespmem:s29+$0xC560] =	vst v2;
	v30 =	vadd.f32 v28, v21  }
0x419: {  	v36 =	vmul.f32 v50, v32;
	v10 =	vld.idx.msk [tilespmem:v10+s4+$0x0], $0xffff;
	v6 =	vadd.f32 v62, v60;
	[tilespmem:s30+$0xC480] =	vst v22  }
0x41a: {  	v38 =	vmul.f32 v46, v33;
	v11 =	vld.idx.msk [tilespmem:v11+s4+$0x0], $0xffff;
	v37 =	vadd.f32 v63, v61;
	[tilespmem:s30+$0xC490] =	vst v30  }
0x41b: {  	v40 =	vmul.f32 v49, v34;
	v50 =	vld.idx.msk [tilespmem:v9+s4+$0x0], $0xffff;
	v39 =	vadd.f32 v31, v17;
	[tilespmem:s30+$0xC4A0] =	vst v6  }
0x41c: {  	v53 =	vld.idx.msk [tilespmem:v7+s23+$0x0], $0xffff;
	v47 =	vmul.f32 v44, v47;
	v46 =	vadd.f32 v36, v18;
	[tilespmem:s30+$0xC4B0] =	vst v37  }
0x41d: {  	v56 =	vld.idx.msk [tilespmem:v8+s4+$0x0], $0xffff;
	v52 =	vmul.f32 v42, v43;
	v51 =	vadd.f32 v40, v15;
	[tilespmem:s30+$0xC4C0] =	vst v39  }
0x41e: {  	v57 =	vld.idx.msk [tilespmem:v7+s4+$0x0], $0xffff;
	v55 =	vmul.f32 v24, v41;
	v54 =	vadd.f32 v47, v13;
	[tilespmem:s30+$0xC4D0] =	vst v46  }
0x41f: {  	v59 =	vsub.f32 v16, v35;
	v49 =	vmul.f32 v48, v45;
	v58 =	vadd.f32 v52, v10;
	[tilespmem:s30+$0xC4F0] =	vst v51  }
0x420: {  	v27 =	vld.idx.msk [tilespmem:v14+s4+$0x0], $0xffff;
	v0 =	vmul.f32 v25, v0;
	v60 =	vadd.f32 v55, v11;
	[tilespmem:s30+$0xC500] =	vst v54  }
0x421: {  	v1 =	vmul.f32 v23, v1;
	v6 =	vadd.f32 v49, v12;
	[tilespmem:s30+$0xC520] =	vst v58  }
0x422: {  	v61 =	vmul.f32 v59, v53;
	v0 =	vadd.f32 v0, v50;
	[tilespmem:s30+$0xC530] =	vst v60  }
0x423: {  	v62 =	vadd.f32 v1, v56;
	[tilespmem:s30+$0xC510] =	vst v6  }
0x424: {  	v63 =	vadd.f32 v61, v57;
	[tilespmem:s30+$0xC540] =	vst v0  }
0x425: {  	[tilespmem:s30+$0xC550] =	vst v62;
	v3 =	vadd.f32 v38, v27  }
0x426: {  	[tilespmem:s30+$0xC560] =	vst v63  }
0x427: {  	s28 =	sadd.s32 $0x1, s28;
	[tilespmem:s30+$0xC4E0] =	vst v3  }
0x428: {  	[hbm4b:s16+s4] =	stream.linear.scatter [tilespmem:s25], [sflag:$0x2], $0x4000, $0x38;
	[tilespmem:$0x10480] =	vst v63  }
0x429: {  	p0 =	sne.s32 s28, s17;
	_ =	swait.ge [sflag:s26], $0x4000  }
.Ltmp7:
0x42a: {  	[sflag:s26] =	ssyncset.done $0x0;
	(pc) =	sbr.rel @p0 .LBB2_1-.Ltmp7, $4  }
0x42b: {  	[sflag:s26] =	ssyncadd.s32 $0xFFFFC000  }
0x42c: {  	_ =	swait.ge [sflag:s26], $0x4000  }
0x42d: {  	[sflag:s26] =	ssyncset.done $0x0  }
0x42e: {  	s21 =	simm.s32 $0x4480;
	[sflag:s26] =	ssyncadd.s32 $0xFFFFC000  }
0x42f: {  	_ =	sfence.sel $0x180000  }
0x430: {  	[bflag:$0x0] =	sbarrier.arrive $0xFFFF  }
0x431: {  	_ =	strace $0x90000047  }
0x432: {  	s0 =	stileid.u32;
	[bflag:$0x2] =	sbarrier.arrive $0xFFFF  }
0x433: {  	p0 =	sne.s32 s0, $0x0;
	s0 =	rddreg [dreg:$0x3]  }
0x434: {  	s0 =	sadd.s32 @!p0 $0x100000, s0  }
0x435: {  	[sflag:s0] =	ssyncadd.tile.s32 @!p0 $0x1;
	_ =	shalt  }
.Lfunc_end2:
_tile_overlayer_lowered:
.L_overlay_start_2:
0x436: {  	(tag) =	ssettag $0x2  }
0x437: {  	s0 =	rddreg [dreg:$0x0];
	s2 =	stileid.u32  }
0x438: {  	s1 =	rddreg [dreg:$0x1];
	p0 =	sne.s32 s2, $0x0  }
0x439: {  	s3 =	rddreg [dreg:$0x2];
	[bflag:$0x3] =	sbarrier.arrive $0xFFFF;
	s2 =	simm.s32 @!p0 $0x1C03  }
0x43a: {  	[timem:s3], [sflag:s2] =	dma.local @!p0 [hbm:s0], s1  }
0x43b: {  	s0 =	simm.s32 @!p0 $0x3  }
0x43c: {  	_ =	swait.ge @!p0 [sflag:s0], s1  }
0x43d: {  	s1 =	ssub.s32 @!p0 $0x0, s1;
	[sflag:s0] =	ssyncset.done @!p0 $0x0  }
0x43e: {  	[sflag:s0] =	ssyncadd.s32 @!p0 s1  }
0x43f: {  	[bflag:$0x3] =	sbarrier.arrive $0xFFFF  }
0x440: {  	_ =	shalt  }

</sc_bundles>
